<compile_context>
chip_gen: v7x
topology: tpu7x:2x2x1
jax: 0.10.2.dev20260603
libtpu: 0.0.44.dev20260713+nightly
codegen_flags: <defaults>
</compile_context>

<pallas_src>
import functools

import jax
import jax.numpy as jnp
from jax import lax
from jax.experimental import pallas as pl
from jax.experimental.pallas import tpu as pltpu
from jax.experimental.pallas import tpu_sc as plsc

NUM_HEADS = 4
ROWS_PER_TABLE = 100000
DIM = 64
LANES = 16
NC, NS = 2, 16
NW = NC * NS
CHUNK = 128
IDX_ROW = 128
ROWS_PER_CHUNK = CHUNK * NUM_HEADS // IDX_ROW


def _mhe_sc(idx2d, tab_flat, B):
    ntok_w = B // NW
    nchunks = ntok_w // CHUNK
    mesh = plsc.VectorSubcoreMesh(core_axis_name="c", subcore_axis_name="s")

    @functools.partial(
        pl.kernel,
        out_type=jax.ShapeDtypeStruct((B * DIM // 128, 128), jnp.float32),
        mesh=mesh,
        compiler_params=pltpu.CompilerParams(use_tc_tiling_on_sc=False),
        scratch_types=[
            pltpu.VMEM((ROWS_PER_CHUNK, IDX_ROW), jnp.int32),
            pltpu.VMEM((ROWS_PER_CHUNK, IDX_ROW), jnp.int32),
            pltpu.VMEM((CHUNK * NUM_HEADS, DIM), jnp.float32),
            pltpu.VMEM((CHUNK * NUM_HEADS, DIM), jnp.float32),
            pltpu.VMEM((CHUNK * DIM // 128, 128), jnp.float32),
            pltpu.VMEM((CHUNK * DIM // 128, 128), jnp.float32),
            pltpu.SemaphoreType.DMA,
            pltpu.SemaphoreType.DMA,
            pltpu.SemaphoreType.DMA,
            pltpu.SemaphoreType.DMA,
            pltpu.SemaphoreType.DMA,
            pltpu.SemaphoreType.DMA,
        ],
    )
    def k(idx_hbm, tab_hbm, out_hbm, idx_a, idx_b, buf_a, buf_b, out_a,
          out_b, gsem_a, gsem_b, osem_a, osem_b, isem_a, isem_b):
        wid = lax.axis_index("s") * NC + lax.axis_index("c")
        offs = (lax.iota(jnp.int32, LANES) & (NUM_HEADS - 1)) * ROWS_PER_TABLE

        def _idx_rows(tok0):
            return pl.multiple_of(
                tok0 * NUM_HEADS // IDX_ROW, ROWS_PER_CHUNK)

        def stage_idx(idx_v, isem, tok0):
            pltpu.async_copy(
                idx_hbm.at[pl.ds(_idx_rows(tok0), ROWS_PER_CHUNK)],
                idx_v, isem)

        def fire(idx_v, buf_v, gsem, isem, tok0):
            pltpu.make_async_copy(
                idx_hbm.at[pl.ds(_idx_rows(tok0), ROWS_PER_CHUNK)],
                idx_v, isem).wait()
            for j in range(ROWS_PER_CHUNK):
                for kk in range(IDX_ROW // LANES):
                    sl = pl.ds(kk * LANES, LANES)
                    idx_v[j, sl] = idx_v[j, sl] + offs
            for j in range(ROWS_PER_CHUNK):
                pltpu.async_copy(
                    tab_hbm.at[idx_v.at[j]],
                    buf_v.at[pl.ds(j * IDX_ROW, IDX_ROW)],
                    gsem,
                )

        def drain(idx_v, buf_v, gsem):
            for j in range(ROWS_PER_CHUNK):
                pltpu.make_async_copy(
                    tab_hbm.at[idx_v.at[j]],
                    buf_v.at[pl.ds(j * IDX_ROW, IDX_ROW)],
                    gsem,
                ).wait()

        def consume(buf_v, out_v, osem, tok0, wait_prev):
            orow0 = pl.multiple_of(tok0 * DIM // 128, CHUNK * DIM // 128)

            @pl.when(wait_prev)
            def _():
                pltpu.make_async_copy(
                    out_v, out_hbm.at[pl.ds(orow0, CHUNK * DIM // 128)],
                    osem).wait()

            def acc_body(tp, c2):
                orow = tp
                for u in range(2):
                    t = tp * 2 + u
                    r = t * NUM_HEADS
                    for d in range(DIM // LANES):
                        sl = pl.ds(d * LANES, LANES)
                        osl = pl.ds(u * DIM + d * LANES, LANES)
                        out_v[orow, osl] = (
                            buf_v[r, sl] + buf_v[r + 1, sl]
                        ) + (buf_v[r + 2, sl] + buf_v[r + 3, sl])
                return c2

            lax.fori_loop(0, CHUNK // 2, acc_body, 0)
            pltpu.async_copy(
                out_v, out_hbm.at[pl.ds(orow0, CHUNK * DIM // 128)], osem)

        tok_base = wid * ntok_w
        stage_idx(idx_a, isem_a, pl.multiple_of(tok_base, CHUNK))
        fire(idx_a, buf_a, gsem_a, isem_a, pl.multiple_of(tok_base, CHUNK))
        stage_idx(idx_b, isem_b, pl.multiple_of(tok_base + CHUNK, CHUNK))

        def body(g, carry):
            c0 = pl.multiple_of(tok_base + 2 * g * CHUNK, CHUNK)
            c1 = pl.multiple_of(c0 + CHUNK, CHUNK)
            c2 = pl.multiple_of(c0 + 2 * CHUNK, CHUNK)
            c3 = pl.multiple_of(c0 + 3 * CHUNK, CHUNK)
            fire(idx_b, buf_b, gsem_b, isem_b, c1)
            drain(idx_a, buf_a, gsem_a)

            @pl.when(2 * g + 2 < nchunks)
            def _():
                stage_idx(idx_a, isem_a, c2)

            consume(buf_a, out_a, osem_a, c0, g > 0)

            @pl.when(2 * g + 2 < nchunks)
            def _():
                fire(idx_a, buf_a, gsem_a, isem_a, c2)

            drain(idx_b, buf_b, gsem_b)

            @pl.when(2 * g + 3 < nchunks)
            def _():
                stage_idx(idx_b, isem_b, c3)

            consume(buf_b, out_b, osem_b, c1, g > 0)
            return carry

        lax.fori_loop(0, nchunks // 2, body, 0)
        obase = pl.multiple_of(tok_base * DIM // 128, CHUNK * DIM // 128)
        pltpu.make_async_copy(
            out_a, out_hbm.at[pl.ds(obase, CHUNK * DIM // 128)],
            osem_a).wait()
        pltpu.make_async_copy(
            out_b, out_hbm.at[pl.ds(obase, CHUNK * DIM // 128)],
            osem_b).wait()

    return k(idx2d, tab_flat)


def kernel(input, tables):
    bd, t, h = input.shape
    B = bd * t
    idx2d = input.astype(jnp.int32).reshape(B * h // IDX_ROW, IDX_ROW)
    tab_flat = tables.reshape(h * ROWS_PER_TABLE, DIM)
    out = _mhe_sc(idx2d, tab_flat, B)
    return out.reshape(bd, t, DIM)

# --- scband reference (transcript-rebuilt; emitter-appended) ---
"""Pipeline reference for scband-multi-head-embedding-57166014710443 (READ-ONLY COPY).

The authoritative reference and input builder live on the scoring server;
editing this copy changes nothing except your own understanding.
"""

import jax, jax.numpy as jnp
import numpy as np

NUM_HEADS = 4
NUM_EMBEDDINGS = 100000
EMBEDDING_DIM = 64

def setup_inputs(seed: int = 0) -> dict:
    key = jax.random.key(seed)
    k1, k2 = jax.random.split(key)
    inp = jax.random.randint(k1, (4096, 200, NUM_HEADS), 0, NUM_EMBEDDINGS)
    # One embedding table per head, stacked: [num_heads, num_embeddings, embedding_dim]
    tables = jax.random.normal(k2, (NUM_HEADS, NUM_EMBEDDINGS, EMBEDDING_DIM), dtype=jnp.float32) * 0.02
    return {"input": inp, "tables": tables}

def reference(input, tables):
    # Each head gathers from its own table using input[..., k], then heads are summed.
    outputs = [jnp.take(tables[k], input[..., k], axis=0) for k in range(NUM_HEADS)]
    output = jnp.sum(jnp.stack(outputs, axis=0), axis=0)
    return output

if __name__ == "__main__":
    import jax
    _d = setup_inputs()
    print(jax.jit(kernel)(*tuple(_d.values())))

</pallas_src>

<mosaic_0001>
#map = affine_map<(d0, d1) -> (0, 0)>
module attributes {stable_mosaic.version = 14 : i64} {
  func.func @k(%arg0: i32, %arg1: i32, %arg2: memref<25600x128xi32, #tpu.memory_space<hbm>>, %arg3: memref<400000x64xf32, #tpu.memory_space<hbm>>, %arg4: memref<409600x128xf32, #tpu.memory_space<hbm>>, %arg5: memref<4x128xi32, #tpu.memory_space<vmem>>, %arg6: memref<4x128xi32, #tpu.memory_space<vmem>>, %arg7: memref<512x64xf32, #tpu.memory_space<vmem>>, %arg8: memref<512x64xf32, #tpu.memory_space<vmem>>, %arg9: memref<64x128xf32, #tpu.memory_space<vmem>>, %arg10: memref<64x128xf32, #tpu.memory_space<vmem>>, %arg11: memref<!tpu.dma_semaphore, #tpu.memory_space<semaphore_mem>>, %arg12: memref<!tpu.dma_semaphore, #tpu.memory_space<semaphore_mem>>, %arg13: memref<!tpu.dma_semaphore, #tpu.memory_space<semaphore_mem>>, %arg14: memref<!tpu.dma_semaphore, #tpu.memory_space<semaphore_mem>>, %arg15: memref<!tpu.dma_semaphore, #tpu.memory_space<semaphore_mem>>, %arg16: memref<!tpu.dma_semaphore, #tpu.memory_space<semaphore_mem>>) attributes {dimension_semantics = [#tpu.dimension_semantics<core_parallel>, #tpu.dimension_semantics<subcore_parallel>], iteration_bounds = array<i64: 2, 16>, scalar_prefetch = 0 : i64, scratch_operands = 12 : i64, tpu.core_type = #tpu.core_type<sc_vector_subcore>, window_params = [{transform_indices = #map}, {transform_indices = #map}, {transform_indices = #map}]} {
    %mul3A = arith.constant 2 : i32
    %mul3A_0 = arith.muli %arg1, %mul3A : i32
    %add3A = arith.addi %mul3A_0, %arg0 : i32
    %iota3A = tpu.iota {dimensions = array<i32: 0>} : vector<16xi32>
    %and3A = arith.constant 3 : i32
    %and3A_1 = vector.broadcast %and3A : i32 to vector<16xi32>
    %and3A_2 = arith.andi %iota3A, %and3A_1 : vector<16xi32>
    %mul3A_3 = arith.constant 100000 : i32
    %mul3A_4 = vector.broadcast %mul3A_3 : i32 to vector<16xi32>
    %mul3A_5 = arith.muli %and3A_2, %mul3A_4 : vector<16xi32>
    %mul3A_6 = arith.constant 25600 : i32
    %mul3A_7 = arith.muli %add3A, %mul3A_6 : i32
    %multiple_of3A = tpu.assume_multiple %mul3A_7, 128 : i32
    %mul3A_8 = arith.constant 4 : i32
    %mul3A_9 = arith.muli %multiple_of3A, %mul3A_8 : i32
    %jit3A = arith.constant 128 : i32
    %div3A = arith.divsi %mul3A_9, %jit3A : i32
    %sign3A = arith.constant 0 : i32
    %sign3A_10 = arith.cmpi sgt, %mul3A_9, %sign3A : i32
    %sign3A_11 = arith.extui %sign3A_10 : i1 to i32
    %sign3A_12 = arith.constant 0 : i32
    %sign3A_13 = arith.cmpi slt, %mul3A_9, %sign3A_12 : i32
    %sign3A_14 = arith.extui %sign3A_13 : i1 to i32
    %sign3A_15 = arith.subi %sign3A_11, %sign3A_14 : i32
    %sign3A_16 = arith.constant 0 : i32
    %sign3A_17 = arith.cmpi sgt, %jit3A, %sign3A_16 : i32
    %sign3A_18 = arith.extui %sign3A_17 : i1 to i32
    %sign3A_19 = arith.constant 0 : i32
    %sign3A_20 = arith.cmpi slt, %jit3A, %sign3A_19 : i32
    %sign3A_21 = arith.extui %sign3A_20 : i1 to i32
    %sign3A_22 = arith.subi %sign3A_18, %sign3A_21 : i32
    %ne3A = arith.cmpi ne, %sign3A_15, %sign3A_22 : i32
    %rem3A = arith.remsi %mul3A_9, %jit3A : i32
    %ne3A_23 = arith.constant 0 : i32
    %ne3A_24 = arith.cmpi ne, %rem3A, %ne3A_23 : i32
    %and3A_25 = arith.andi %ne3A, %ne3A_24 : i1
    %sub3A = arith.constant 1 : i32
    %sub3A_26 = arith.subi %div3A, %sub3A : i32
    %select_n3A = arith.select %and3A_25, %sub3A_26, %div3A : i32
    %multiple_of3A_27 = tpu.assume_multiple %select_n3A, 4 : i32
    %dma_start3A = arith.constant 0 : i32
    %dma_start3A_28 = tpu.memref_slice %arg2[%multiple_of3A_27, %dma_start3A] : memref<25600x128xi32, #tpu.memory_space<hbm>> -> memref<4x128xi32, #tpu.memory_space<hbm>>
    %dma_start3A_29 = arith.constant 0 : i32
    %dma_start3A_30 = tpu.memref_slice %arg2[%multiple_of3A_27, %dma_start3A_29] : memref<25600x128xi32, #tpu.memory_space<hbm>> -> memref<4x128xi32, #tpu.memory_space<hbm>>
    tpu.enqueue_dma source(%dma_start3A_30 : memref<4x128xi32, #tpu.memory_space<hbm>>) target(%arg5 : memref<4x128xi32, #tpu.memory_space<vmem>>) target_semaphore(%arg15 : memref<!tpu.dma_semaphore, #tpu.memory_space<semaphore_mem>>)
    %multiple_of3A_31 = tpu.assume_multiple %mul3A_7, 128 : i32
    %mul3A_32 = arith.constant 4 : i32
    %mul3A_33 = arith.muli %multiple_of3A_31, %mul3A_32 : i32
    %jit3A_34 = arith.constant 128 : i32
    %div3A_35 = arith.divsi %mul3A_33, %jit3A_34 : i32
    %sign3A_36 = arith.constant 0 : i32
    %sign3A_37 = arith.cmpi sgt, %mul3A_33, %sign3A_36 : i32
    %sign3A_38 = arith.extui %sign3A_37 : i1 to i32
    %sign3A_39 = arith.constant 0 : i32
    %sign3A_40 = arith.cmpi slt, %mul3A_33, %sign3A_39 : i32
    %sign3A_41 = arith.extui %sign3A_40 : i1 to i32
    %sign3A_42 = arith.subi %sign3A_38, %sign3A_41 : i32
    %sign3A_43 = arith.constant 0 : i32
    %sign3A_44 = arith.cmpi sgt, %jit3A_34, %sign3A_43 : i32
    %sign3A_45 = arith.extui %sign3A_44 : i1 to i32
    %sign3A_46 = arith.constant 0 : i32
    %sign3A_47 = arith.cmpi slt, %jit3A_34, %sign3A_46 : i32
    %sign3A_48 = arith.extui %sign3A_47 : i1 to i32
    %sign3A_49 = arith.subi %sign3A_45, %sign3A_48 : i32
    %ne3A_50 = arith.cmpi ne, %sign3A_42, %sign3A_49 : i32
    %rem3A_51 = arith.remsi %mul3A_33, %jit3A_34 : i32
    %ne3A_52 = arith.constant 0 : i32
    %ne3A_53 = arith.cmpi ne, %rem3A_51, %ne3A_52 : i32
    %and3A_54 = arith.andi %ne3A_50, %ne3A_53 : i1
    %sub3A_55 = arith.constant 1 : i32
    %sub3A_56 = arith.subi %div3A_35, %sub3A_55 : i32
    %select_n3A_57 = arith.select %and3A_54, %sub3A_56, %div3A_35 : i32
    %multiple_of3A_58 = tpu.assume_multiple %select_n3A_57, 4 : i32
    %dma_wait3A = arith.constant 0 : i32
    %dma_wait3A_59 = tpu.memref_slice %arg2[%multiple_of3A_58, %dma_wait3A] : memref<25600x128xi32, #tpu.memory_space<hbm>> -> memref<4x128xi32, #tpu.memory_space<hbm>>
    %dma_wait3A_60 = arith.constant 0 : i32
    %dma_wait3A_61 = tpu.memref_slice %arg2[%multiple_of3A_58, %dma_wait3A_60] : memref<25600x128xi32, #tpu.memory_space<hbm>> -> memref<4x128xi32, #tpu.memory_space<hbm>>
    tpu.wait_dma2 semaphore(%arg15 : memref<!tpu.dma_semaphore, #tpu.memory_space<semaphore_mem>>) src(%dma_wait3A_61 : memref<4x128xi32, #tpu.memory_space<hbm>>) dst(%arg5 : memref<4x128xi32, #tpu.memory_space<vmem>>)
    %get3A = arith.constant 0 : i32
    %get3A_62 = arith.index_cast %get3A : i32 to index
    %get3A_63 = arith.constant 0 : index
    %get3A_64 = tpu.vector_load %arg5[%get3A_62, %get3A_63] {strides = array<i32>} : memref<4x128xi32, #tpu.memory_space<vmem>>, vector<1x16xi32>,
    %get3A_65 = vector.shape_cast %get3A_64 : vector<1x16xi32> to vector<16xi32>
    %add3A_66 = arith.addi %get3A_65, %mul3A_5 : vector<16xi32>
    %swap3A = arith.constant 0 : i32
    %swap3A_67 = arith.index_cast %swap3A : i32 to index
    %swap3A_68 = arith.constant 0 : index
    %swap3A_69 = tpu.vector_load %arg5[%swap3A_67, %swap3A_68] {strides = array<i32>} : memref<4x128xi32, #tpu.memory_space<vmem>>, vector<1x16xi32>,
    %swap3A_70 = vector.shape_cast %swap3A_69 : vector<1x16xi32> to vector<16xi32>
    %swap3A_71 = vector.shape_cast %add3A_66 : vector<16xi32> to vector<1x16xi32>
    tpu.vector_store %arg5[%swap3A_67, %swap3A_68], %swap3A_71 {strides = array<i32>} : memref<4x128xi32, #tpu.memory_space<vmem>>, vector<1x16xi32>,
    %get3A_72 = arith.constant 0 : i32
    %get3A_73 = arith.index_cast %get3A_72 : i32 to index
    %get3A_74 = arith.constant 16 : index
    %get3A_75 = tpu.vector_load %arg5[%get3A_73, %get3A_74] {strides = array<i32>} : memref<4x128xi32, #tpu.memory_space<vmem>>, vector<1x16xi32>,
    %get3A_76 = vector.shape_cast %get3A_75 : vector<1x16xi32> to vector<16xi32>
    %add3A_77 = arith.addi %get3A_76, %mul3A_5 : vector<16xi32>
    %swap3A_78 = arith.constant 0 : i32
    %swap3A_79 = arith.index_cast %swap3A_78 : i32 to index
    %swap3A_80 = arith.constant 16 : index
    %swap3A_81 = tpu.vector_load %arg5[%swap3A_79, %swap3A_80] {strides = array<i32>} : memref<4x128xi32, #tpu.memory_space<vmem>>, vector<1x16xi32>,
    %swap3A_82 = vector.shape_cast %swap3A_81 : vector<1x16xi32> to vector<16xi32>
    %swap3A_83 = vector.shape_cast %add3A_77 : vector<16xi32> to vector<1x16xi32>
    tpu.vector_store %arg5[%swap3A_79, %swap3A_80], %swap3A_83 {strides = array<i32>} : memref<4x128xi32, #tpu.memory_space<vmem>>, vector<1x16xi32>,
    %get3A_84 = arith.constant 0 : i32
    %get3A_85 = arith.index_cast %get3A_84 : i32 to index
    %get3A_86 = arith.constant 32 : index
    %get3A_87 = tpu.vector_load %arg5[%get3A_85, %get3A_86] {strides = array<i32>} : memref<4x128xi32, #tpu.memory_space<vmem>>, vector<1x16xi32>,
    %get3A_88 = vector.shape_cast %get3A_87 : vector<1x16xi32> to vector<16xi32>
    %add3A_89 = arith.addi %get3A_88, %mul3A_5 : vector<16xi32>
    %swap3A_90 = arith.constant 0 : i32
    %swap3A_91 = arith.index_cast %swap3A_90 : i32 to index
    %swap3A_92 = arith.constant 32 : index
    %swap3A_93 = tpu.vector_load %arg5[%swap3A_91, %swap3A_92] {strides = array<i32>} : memref<4x128xi32, #tpu.memory_space<vmem>>, vector<1x16xi32>,
    %swap3A_94 = vector.shape_cast %swap3A_93 : vector<1x16xi32> to vector<16xi32>
    %swap3A_95 = vector.shape_cast %add3A_89 : vector<16xi32> to vector<1x16xi32>
    tpu.vector_store %arg5[%swap3A_91, %swap3A_92], %swap3A_95 {strides = array<i32>} : memref<4x128xi32, #tpu.memory_space<vmem>>, vector<1x16xi32>,
    %get3A_96 = arith.constant 0 : i32
    %get3A_97 = arith.index_cast %get3A_96 : i32 to index
    %get3A_98 = arith.constant 48 : index
    %get3A_99 = tpu.vector_load %arg5[%get3A_97, %get3A_98] {strides = array<i32>} : memref<4x128xi32, #tpu.memory_space<vmem>>, vector<1x16xi32>,
    %get3A_100 = vector.shape_cast %get3A_99 : vector<1x16xi32> to vector<16xi32>
    %add3A_101 = arith.addi %get3A_100, %mul3A_5 : vector<16xi32>
    %swap3A_102 = arith.constant 0 : i32
    %swap3A_103 = arith.index_cast %swap3A_102 : i32 to index
    %swap3A_104 = arith.constant 48 : index
    %swap3A_105 = tpu.vector_load %arg5[%swap3A_103, %swap3A_104] {strides = array<i32>} : memref<4x128xi32, #tpu.memory_space<vmem>>, vector<1x16xi32>,
    %swap3A_106 = vector.shape_cast %swap3A_105 : vector<1x16xi32> to vector<16xi32>
    %swap3A_107 = vector.shape_cast %add3A_101 : vector<16xi32> to vector<1x16xi32>
    tpu.vector_store %arg5[%swap3A_103, %swap3A_104], %swap3A_107 {strides = array<i32>} : memref<4x128xi32, #tpu.memory_space<vmem>>, vector<1x16xi32>,
    %get3A_108 = arith.constant 0 : i32
    %get3A_109 = arith.index_cast %get3A_108 : i32 to index
    %get3A_110 = arith.constant 64 : index
    %get3A_111 = tpu.vector_load %arg5[%get3A_109, %get3A_110] {strides = array<i32>} : memref<4x128xi32, #tpu.memory_space<vmem>>, vector<1x16xi32>,
    %get3A_112 = vector.shape_cast %get3A_111 : vector<1x16xi32> to vector<16xi32>
    %add3A_113 = arith.addi %get3A_112, %mul3A_5 : vector<16xi32>
    %swap3A_114 = arith.constant 0 : i32
    %swap3A_115 = arith.index_cast %swap3A_114 : i32 to index
    %swap3A_116 = arith.constant 64 : index
    %swap3A_117 = tpu.vector_load %arg5[%swap3A_115, %swap3A_116] {strides = array<i32>} : memref<4x128xi32, #tpu.memory_space<vmem>>, vector<1x16xi32>,
    %swap3A_118 = vector.shape_cast %swap3A_117 : vector<1x16xi32> to vector<16xi32>
    %swap3A_119 = vector.shape_cast %add3A_113 : vector<16xi32> to vector<1x16xi32>
    tpu.vector_store %arg5[%swap3A_115, %swap3A_116], %swap3A_119 {strides = array<i32>} : memref<4x128xi32, #tpu.memory_space<vmem>>, vector<1x16xi32>,
    %get3A_120 = arith.constant 0 : i32
    %get3A_121 = arith.index_cast %get3A_120 : i32 to index
    %get3A_122 = arith.constant 80 : index
    %get3A_123 = tpu.vector_load %arg5[%get3A_121, %get3A_122] {strides = array<i32>} : memref<4x128xi32, #tpu.memory_space<vmem>>, vector<1x16xi32>,
    %get3A_124 = vector.shape_cast %get3A_123 : vector<1x16xi32> to vector<16xi32>
    %add3A_125 = arith.addi %get3A_124, %mul3A_5 : vector<16xi32>
    %swap3A_126 = arith.constant 0 : i32
    %swap3A_127 = arith.index_cast %swap3A_126 : i32 to index
    %swap3A_128 = arith.constant 80 : index
    %swap3A_129 = tpu.vector_load %arg5[%swap3A_127, %swap3A_128] {strides = array<i32>} : memref<4x128xi32, #tpu.memory_space<vmem>>, vector<1x16xi32>,
    %swap3A_130 = vector.shape_cast %swap3A_129 : vector<1x16xi32> to vector<16xi32>
    %swap3A_131 = vector.shape_cast %add3A_125 : vector<16xi32> to vector<1x16xi32>
    tpu.vector_store %arg5[%swap3A_127, %swap3A_128], %swap3A_131 {strides = array<i32>} : memref<4x128xi32, #tpu.memory_space<vmem>>, vector<1x16xi32>,
    %get3A_132 = arith.constant 0 : i32
    %get3A_133 = arith.index_cast %get3A_132 : i32 to index
    %get3A_134 = arith.constant 96 : index
    %get3A_135 = tpu.vector_load %arg5[%get3A_133, %get3A_134] {strides = array<i32>} : memref<4x128xi32, #tpu.memory_space<vmem>>, vector<1x16xi32>,
    %get3A_136 = vector.shape_cast %get3A_135 : vector<1x16xi32> to vector<16xi32>
    %add3A_137 = arith.addi %get3A_136, %mul3A_5 : vector<16xi32>
    %swap3A_138 = arith.constant 0 : i32
    %swap3A_139 = arith.index_cast %swap3A_138 : i32 to index
    %swap3A_140 = arith.constant 96 : index
    %swap3A_141 = tpu.vector_load %arg5[%swap3A_139, %swap3A_140] {strides = array<i32>} : memref<4x128xi32, #tpu.memory_space<vmem>>, vector<1x16xi32>,
    %swap3A_142 = vector.shape_cast %swap3A_141 : vector<1x16xi32> to vector<16xi32>
    %swap3A_143 = vector.shape_cast %add3A_137 : vector<16xi32> to vector<1x16xi32>
    tpu.vector_store %arg5[%swap3A_139, %swap3A_140], %swap3A_143 {strides = array<i32>} : memref<4x128xi32, #tpu.memory_space<vmem>>, vector<1x16xi32>,
    %get3A_144 = arith.constant 0 : i32
    %get3A_145 = arith.index_cast %get3A_144 : i32 to index
    %get3A_146 = arith.constant 112 : index
    %get3A_147 = tpu.vector_load %arg5[%get3A_145, %get3A_146] {strides = array<i32>} : memref<4x128xi32, #tpu.memory_space<vmem>>, vector<1x16xi32>,
    %get3A_148 = vector.shape_cast %get3A_147 : vector<1x16xi32> to vector<16xi32>
    %add3A_149 = arith.addi %get3A_148, %mul3A_5 : vector<16xi32>
    %swap3A_150 = arith.constant 0 : i32
    %swap3A_151 = arith.index_cast %swap3A_150 : i32 to index
    %swap3A_152 = arith.constant 112 : index
    %swap3A_153 = tpu.vector_load %arg5[%swap3A_151, %swap3A_152] {strides = array<i32>} : memref<4x128xi32, #tpu.memory_space<vmem>>, vector<1x16xi32>,
    %swap3A_154 = vector.shape_cast %swap3A_153 : vector<1x16xi32> to vector<16xi32>
    %swap3A_155 = vector.shape_cast %add3A_149 : vector<16xi32> to vector<1x16xi32>
    tpu.vector_store %arg5[%swap3A_151, %swap3A_152], %swap3A_155 {strides = array<i32>} : memref<4x128xi32, #tpu.memory_space<vmem>>, vector<1x16xi32>,
    %get3A_156 = arith.constant 1 : i32
    %get3A_157 = arith.index_cast %get3A_156 : i32 to index
    %get3A_158 = arith.constant 0 : index
    %get3A_159 = tpu.vector_load %arg5[%get3A_157, %get3A_158] {strides = array<i32>} : memref<4x128xi32, #tpu.memory_space<vmem>>, vector<1x16xi32>,
    %get3A_160 = vector.shape_cast %get3A_159 : vector<1x16xi32> to vector<16xi32>
    %add3A_161 = arith.addi %get3A_160, %mul3A_5 : vector<16xi32>
    %swap3A_162 = arith.constant 1 : i32
    %swap3A_163 = arith.index_cast %swap3A_162 : i32 to index
    %swap3A_164 = arith.constant 0 : index
    %swap3A_165 = tpu.vector_load %arg5[%swap3A_163, %swap3A_164] {strides = array<i32>} : memref<4x128xi32, #tpu.memory_space<vmem>>, vector<1x16xi32>,
    %swap3A_166 = vector.shape_cast %swap3A_165 : vector<1x16xi32> to vector<16xi32>
    %swap3A_167 = vector.shape_cast %add3A_161 : vector<16xi32> to vector<1x16xi32>
    tpu.vector_store %arg5[%swap3A_163, %swap3A_164], %swap3A_167 {strides = array<i32>} : memref<4x128xi32, #tpu.memory_space<vmem>>, vector<1x16xi32>,
    %get3A_168 = arith.constant 1 : i32
    %get3A_169 = arith.index_cast %get3A_168 : i32 to index
    %get3A_170 = arith.constant 16 : index
    %get3A_171 = tpu.vector_load %arg5[%get3A_169, %get3A_170] {strides = array<i32>} : memref<4x128xi32, #tpu.memory_space<vmem>>, vector<1x16xi32>,
    %get3A_172 = vector.shape_cast %get3A_171 : vector<1x16xi32> to vector<16xi32>
    %add3A_173 = arith.addi %get3A_172, %mul3A_5 : vector<16xi32>
    %swap3A_174 = arith.constant 1 : i32
    %swap3A_175 = arith.index_cast %swap3A_174 : i32 to index
    %swap3A_176 = arith.constant 16 : index
    %swap3A_177 = tpu.vector_load %arg5[%swap3A_175, %swap3A_176] {strides = array<i32>} : memref<4x128xi32, #tpu.memory_space<vmem>>, vector<1x16xi32>,
    %swap3A_178 = vector.shape_cast %swap3A_177 : vector<1x16xi32> to vector<16xi32>
    %swap3A_179 = vector.shape_cast %add3A_173 : vector<16xi32> to vector<1x16xi32>
    tpu.vector_store %arg5[%swap3A_175, %swap3A_176], %swap3A_179 {strides = array<i32>} : memref<4x128xi32, #tpu.memory_space<vmem>>, vector<1x16xi32>,
    %get3A_180 = arith.constant 1 : i32
    %get3A_181 = arith.index_cast %get3A_180 : i32 to index
    %get3A_182 = arith.constant 32 : index
    %get3A_183 = tpu.vector_load %arg5[%get3A_181, %get3A_182] {strides = array<i32>} : memref<4x128xi32, #tpu.memory_space<vmem>>, vector<1x16xi32>,
    %get3A_184 = vector.shape_cast %get3A_183 : vector<1x16xi32> to vector<16xi32>
    %add3A_185 = arith.addi %get3A_184, %mul3A_5 : vector<16xi32>
    %swap3A_186 = arith.constant 1 : i32
    %swap3A_187 = arith.index_cast %swap3A_186 : i32 to index
    %swap3A_188 = arith.constant 32 : index
    %swap3A_189 = tpu.vector_load %arg5[%swap3A_187, %swap3A_188] {strides = array<i32>} : memref<4x128xi32, #tpu.memory_space<vmem>>, vector<1x16xi32>,
    %swap3A_190 = vector.shape_cast %swap3A_189 : vector<1x16xi32> to vector<16xi32>
    %swap3A_191 = vector.shape_cast %add3A_185 : vector<16xi32> to vector<1x16xi32>
    tpu.vector_store %arg5[%swap3A_187, %swap3A_188], %swap3A_191 {strides = array<i32>} : memref<4x128xi32, #tpu.memory_space<vmem>>, vector<1x16xi32>,
    %get3A_192 = arith.constant 1 : i32
    %get3A_193 = arith.index_cast %get3A_192 : i32 to index
    %get3A_194 = arith.constant 48 : index
    %get3A_195 = tpu.vector_load %arg5[%get3A_193, %get3A_194] {strides = array<i32>} : memref<4x128xi32, #tpu.memory_space<vmem>>, vector<1x16xi32>,
    %get3A_196 = vector.shape_cast %get3A_195 : vector<1x16xi32> to vector<16xi32>
    %add3A_197 = arith.addi %get3A_196, %mul3A_5 : vector<16xi32>
    %swap3A_198 = arith.constant 1 : i32
    %swap3A_199 = arith.index_cast %swap3A_198 : i32 to index
    %swap3A_200 = arith.constant 48 : index
    %swap3A_201 = tpu.vector_load %arg5[%swap3A_199, %swap3A_200] {strides = array<i32>} : memref<4x128xi32, #tpu.memory_space<vmem>>, vector<1x16xi32>,
    %swap3A_202 = vector.shape_cast %swap3A_201 : vector<1x16xi32> to vector<16xi32>
    %swap3A_203 = vector.shape_cast %add3A_197 : vector<16xi32> to vector<1x16xi32>
    tpu.vector_store %arg5[%swap3A_199, %swap3A_200], %swap3A_203 {strides = array<i32>} : memref<4x128xi32, #tpu.memory_space<vmem>>, vector<1x16xi32>,
    %get3A_204 = arith.constant 1 : i32
    %get3A_205 = arith.index_cast %get3A_204 : i32 to index
    %get3A_206 = arith.constant 64 : index
    %get3A_207 = tpu.vector_load %arg5[%get3A_205, %get3A_206] {strides = array<i32>} : memref<4x128xi32, #tpu.memory_space<vmem>>, vector<1x16xi32>,
    %get3A_208 = vector.shape_cast %get3A_207 : vector<1x16xi32> to vector<16xi32>
    %add3A_209 = arith.addi %get3A_208, %mul3A_5 : vector<16xi32>
    %swap3A_210 = arith.constant 1 : i32
    %swap3A_211 = arith.index_cast %swap3A_210 : i32 to index
    %swap3A_212 = arith.constant 64 : index
    %swap3A_213 = tpu.vector_load %arg5[%swap3A_211, %swap3A_212] {strides = array<i32>} : memref<4x128xi32, #tpu.memory_space<vmem>>, vector<1x16xi32>,
    %swap3A_214 = vector.shape_cast %swap3A_213 : vector<1x16xi32> to vector<16xi32>
    %swap3A_215 = vector.shape_cast %add3A_209 : vector<16xi32> to vector<1x16xi32>
    tpu.vector_store %arg5[%swap3A_211, %swap3A_212], %swap3A_215 {strides = array<i32>} : memref<4x128xi32, #tpu.memory_space<vmem>>, vector<1x16xi32>,
    %get3A_216 = arith.constant 1 : i32
    %get3A_217 = arith.index_cast %get3A_216 : i32 to index
    %get3A_218 = arith.constant 80 : index
    %get3A_219 = tpu.vector_load %arg5[%get3A_217, %get3A_218] {strides = array<i32>} : memref<4x128xi32, #tpu.memory_space<vmem>>, vector<1x16xi32>,
    %get3A_220 = vector.shape_cast %get3A_219 : vector<1x16xi32> to vector<16xi32>
    %add3A_221 = arith.addi %get3A_220, %mul3A_5 : vector<16xi32>
    %swap3A_222 = arith.constant 1 : i32
    %swap3A_223 = arith.index_cast %swap3A_222 : i32 to index
    %swap3A_224 = arith.constant 80 : index
    %swap3A_225 = tpu.vector_load %arg5[%swap3A_223, %swap3A_224] {strides = array<i32>} : memref<4x128xi32, #tpu.memory_space<vmem>>, vector<1x16xi32>,
    %swap3A_226 = vector.shape_cast %swap3A_225 : vector<1x16xi32> to vector<16xi32>
    %swap3A_227 = vector.shape_cast %add3A_221 : vector<16xi32> to vector<1x16xi32>
    tpu.vector_store %arg5[%swap3A_223, %swap3A_224], %swap3A_227 {strides = array<i32>} : memref<4x128xi32, #tpu.memory_space<vmem>>, vector<1x16xi32>,
    %get3A_228 = arith.constant 1 : i32
    %get3A_229 = arith.index_cast %get3A_228 : i32 to index
    %get3A_230 = arith.constant 96 : index
    %get3A_231 = tpu.vector_load %arg5[%get3A_229, %get3A_230] {strides = array<i32>} : memref<4x128xi32, #tpu.memory_space<vmem>>, vector<1x16xi32>,
    %get3A_232 = vector.shape_cast %get3A_231 : vector<1x16xi32> to vector<16xi32>
    %add3A_233 = arith.addi %get3A_232, %mul3A_5 : vector<16xi32>
    %swap3A_234 = arith.constant 1 : i32
    %swap3A_235 = arith.index_cast %swap3A_234 : i32 to index
    %swap3A_236 = arith.constant 96 : index
    %swap3A_237 = tpu.vector_load %arg5[%swap3A_235, %swap3A_236] {strides = array<i32>} : memref<4x128xi32, #tpu.memory_space<vmem>>, vector<1x16xi32>,
    %swap3A_238 = vector.shape_cast %swap3A_237 : vector<1x16xi32> to vector<16xi32>
    %swap3A_239 = vector.shape_cast %add3A_233 : vector<16xi32> to vector<1x16xi32>
    tpu.vector_store %arg5[%swap3A_235, %swap3A_236], %swap3A_239 {strides = array<i32>} : memref<4x128xi32, #tpu.memory_space<vmem>>, vector<1x16xi32>,
    %get3A_240 = arith.constant 1 : i32
    %get3A_241 = arith.index_cast %get3A_240 : i32 to index
    %get3A_242 = arith.constant 112 : index
    %get3A_243 = tpu.vector_load %arg5[%get3A_241, %get3A_242] {strides = array<i32>} : memref<4x128xi32, #tpu.memory_space<vmem>>, vector<1x16xi32>,
    %get3A_244 = vector.shape_cast %get3A_243 : vector<1x16xi32> to vector<16xi32>
    %add3A_245 = arith.addi %get3A_244, %mul3A_5 : vector<16xi32>
    %swap3A_246 = arith.constant 1 : i32
    %swap3A_247 = arith.index_cast %swap3A_246 : i32 to index
    %swap3A_248 = arith.constant 112 : index
    %swap3A_249 = tpu.vector_load %arg5[%swap3A_247, %swap3A_248] {strides = array<i32>} : memref<4x128xi32, #tpu.memory_space<vmem>>, vector<1x16xi32>,
    %swap3A_250 = vector.shape_cast %swap3A_249 : vector<1x16xi32> to vector<16xi32>
    %swap3A_251 = vector.shape_cast %add3A_245 : vector<16xi32> to vector<1x16xi32>
    tpu.vector_store %arg5[%swap3A_247, %swap3A_248], %swap3A_251 {strides = array<i32>} : memref<4x128xi32, #tpu.memory_space<vmem>>, vector<1x16xi32>,
    %get3A_252 = arith.constant 2 : i32
    %get3A_253 = arith.index_cast %get3A_252 : i32 to index
    %get3A_254 = arith.constant 0 : index
    %get3A_255 = tpu.vector_load %arg5[%get3A_253, %get3A_254] {strides = array<i32>} : memref<4x128xi32, #tpu.memory_space<vmem>>, vector<1x16xi32>,
    %get3A_256 = vector.shape_cast %get3A_255 : vector<1x16xi32> to vector<16xi32>
    %add3A_257 = arith.addi %get3A_256, %mul3A_5 : vector<16xi32>
    %swap3A_258 = arith.constant 2 : i32
    %swap3A_259 = arith.index_cast %swap3A_258 : i32 to index
    %swap3A_260 = arith.constant 0 : index
    %swap3A_261 = tpu.vector_load %arg5[%swap3A_259, %swap3A_260] {strides = array<i32>} : memref<4x128xi32, #tpu.memory_space<vmem>>, vector<1x16xi32>,
    %swap3A_262 = vector.shape_cast %swap3A_261 : vector<1x16xi32> to vector<16xi32>
    %swap3A_263 = vector.shape_cast %add3A_257 : vector<16xi32> to vector<1x16xi32>
    tpu.vector_store %arg5[%swap3A_259, %swap3A_260], %swap3A_263 {strides = array<i32>} : memref<4x128xi32, #tpu.memory_space<vmem>>, vector<1x16xi32>,
    %get3A_264 = arith.constant 2 : i32
    %get3A_265 = arith.index_cast %get3A_264 : i32 to index
    %get3A_266 = arith.constant 16 : index
    %get3A_267 = tpu.vector_load %arg5[%get3A_265, %get3A_266] {strides = array<i32>} : memref<4x128xi32, #tpu.memory_space<vmem>>, vector<1x16xi32>,
    %get3A_268 = vector.shape_cast %get3A_267 : vector<1x16xi32> to vector<16xi32>
    %add3A_269 = arith.addi %get3A_268, %mul3A_5 : vector<16xi32>
    %swap3A_270 = arith.constant 2 : i32
    %swap3A_271 = arith.index_cast %swap3A_270 : i32 to index
    %swap3A_272 = arith.constant 16 : index
    %swap3A_273 = tpu.vector_load %arg5[%swap3A_271, %swap3A_272] {strides = array<i32>} : memref<4x128xi32, #tpu.memory_space<vmem>>, vector<1x16xi32>,
    %swap3A_274 = vector.shape_cast %swap3A_273 : vector<1x16xi32> to vector<16xi32>
    %swap3A_275 = vector.shape_cast %add3A_269 : vector<16xi32> to vector<1x16xi32>
    tpu.vector_store %arg5[%swap3A_271, %swap3A_272], %swap3A_275 {strides = array<i32>} : memref<4x128xi32, #tpu.memory_space<vmem>>, vector<1x16xi32>,
    %get3A_276 = arith.constant 2 : i32
    %get3A_277 = arith.index_cast %get3A_276 : i32 to index
    %get3A_278 = arith.constant 32 : index
    %get3A_279 = tpu.vector_load %arg5[%get3A_277, %get3A_278] {strides = array<i32>} : memref<4x128xi32, #tpu.memory_space<vmem>>, vector<1x16xi32>,
    %get3A_280 = vector.shape_cast %get3A_279 : vector<1x16xi32> to vector<16xi32>
    %add3A_281 = arith.addi %get3A_280, %mul3A_5 : vector<16xi32>
    %swap3A_282 = arith.constant 2 : i32
    %swap3A_283 = arith.index_cast %swap3A_282 : i32 to index
    %swap3A_284 = arith.constant 32 : index
    %swap3A_285 = tpu.vector_load %arg5[%swap3A_283, %swap3A_284] {strides = array<i32>} : memref<4x128xi32, #tpu.memory_space<vmem>>, vector<1x16xi32>,
    %swap3A_286 = vector.shape_cast %swap3A_285 : vector<1x16xi32> to vector<16xi32>
    %swap3A_287 = vector.shape_cast %add3A_281 : vector<16xi32> to vector<1x16xi32>
    tpu.vector_store %arg5[%swap3A_283, %swap3A_284], %swap3A_287 {strides = array<i32>} : memref<4x128xi32, #tpu.memory_space<vmem>>, vector<1x16xi32>,
    %get3A_288 = arith.constant 2 : i32
    %get3A_289 = arith.index_cast %get3A_288 : i32 to index
    %get3A_290 = arith.constant 48 : index
    %get3A_291 = tpu.vector_load %arg5[%get3A_289, %get3A_290] {strides = array<i32>} : memref<4x128xi32, #tpu.memory_space<vmem>>, vector<1x16xi32>,
    %get3A_292 = vector.shape_cast %get3A_291 : vector<1x16xi32> to vector<16xi32>
    %add3A_293 = arith.addi %get3A_292, %mul3A_5 : vector<16xi32>
    %swap3A_294 = arith.constant 2 : i32
    %swap3A_295 = arith.index_cast %swap3A_294 : i32 to index
    %swap3A_296 = arith.constant 48 : index
    %swap3A_297 = tpu.vector_load %arg5[%swap3A_295, %swap3A_296] {strides = array<i32>} : memref<4x128xi32, #tpu.memory_space<vmem>>, vector<1x16xi32>,
    %swap3A_298 = vector.shape_cast %swap3A_297 : vector<1x16xi32> to vector<16xi32>
    %swap3A_299 = vector.shape_cast %add3A_293 : vector<16xi32> to vector<1x16xi32>
    tpu.vector_store %arg5[%swap3A_295, %swap3A_296], %swap3A_299 {strides = array<i32>} : memref<4x128xi32, #tpu.memory_space<vmem>>, vector<1x16xi32>,
    %get3A_300 = arith.constant 2 : i32
    %get3A_301 = arith.index_cast %get3A_300 : i32 to index
    %get3A_302 = arith.constant 64 : index
    %get3A_303 = tpu.vector_load %arg5[%get3A_301, %get3A_302] {strides = array<i32>} : memref<4x128xi32, #tpu.memory_space<vmem>>, vector<1x16xi32>,
    %get3A_304 = vector.shape_cast %get3A_303 : vector<1x16xi32> to vector<16xi32>
    %add3A_305 = arith.addi %get3A_304, %mul3A_5 : vector<16xi32>
    %swap3A_306 = arith.constant 2 : i32
    %swap3A_307 = arith.index_cast %swap3A_306 : i32 to index
    %swap3A_308 = arith.constant 64 : index
    %swap3A_309 = tpu.vector_load %arg5[%swap3A_307, %swap3A_308] {strides = array<i32>} : memref<4x128xi32, #tpu.memory_space<vmem>>, vector<1x16xi32>,
    %swap3A_310 = vector.shape_cast %swap3A_309 : vector<1x16xi32> to vector<16xi32>
    %swap3A_311 = vector.shape_cast %add3A_305 : vector<16xi32> to vector<1x16xi32>
    tpu.vector_store %arg5[%swap3A_307, %swap3A_308], %swap3A_311 {strides = array<i32>} : memref<4x128xi32, #tpu.memory_space<vmem>>, vector<1x16xi32>,
    %get3A_312 = arith.constant 2 : i32
    %get3A_313 = arith.index_cast %get3A_312 : i32 to index
    %get3A_314 = arith.constant 80 : index
    %get3A_315 = tpu.vector_load %arg5[%get3A_313, %get3A_314] {strides = array<i32>} : memref<4x128xi32, #tpu.memory_space<vmem>>, vector<1x16xi32>,
    %get3A_316 = vector.shape_cast %get3A_315 : vector<1x16xi32> to vector<16xi32>
    %add3A_317 = arith.addi %get3A_316, %mul3A_5 : vector<16xi32>
    %swap3A_318 = arith.constant 2 : i32
    %swap3A_319 = arith.index_cast %swap3A_318 : i32 to index
    %swap3A_320 = arith.constant 80 : index
    %swap3A_321 = tpu.vector_load %arg5[%swap3A_319, %swap3A_320] {strides = array<i32>} : memref<4x128xi32, #tpu.memory_space<vmem>>, vector<1x16xi32>,
    %swap3A_322 = vector.shape_cast %swap3A_321 : vector<1x16xi32> to vector<16xi32>
    %swap3A_323 = vector.shape_cast %add3A_317 : vector<16xi32> to vector<1x16xi32>
    tpu.vector_store %arg5[%swap3A_319, %swap3A_320], %swap3A_323 {strides = array<i32>} : memref<4x128xi32, #tpu.memory_space<vmem>>, vector<1x16xi32>,
    %get3A_324 = arith.constant 2 : i32
    %get3A_325 = arith.index_cast %get3A_324 : i32 to index
    %get3A_326 = arith.constant 96 : index
    %get3A_327 = tpu.vector_load %arg5[%get3A_325, %get3A_326] {strides = array<i32>} : memref<4x128xi32, #tpu.memory_space<vmem>>, vector<1x16xi32>,
    %get3A_328 = vector.shape_cast %get3A_327 : vector<1x16xi32> to vector<16xi32>
    %add3A_329 = arith.addi %get3A_328, %mul3A_5 : vector<16xi32>
    %swap3A_330 = arith.constant 2 : i32
    %swap3A_331 = arith.index_cast %swap3A_330 : i32 to index
    %swap3A_332 = arith.constant 96 : index
    %swap3A_333 = tpu.vector_load %arg5[%swap3A_331, %swap3A_332] {strides = array<i32>} : memref<4x128xi32, #tpu.memory_space<vmem>>, vector<1x16xi32>,
    %swap3A_334 = vector.shape_cast %swap3A_333 : vector<1x16xi32> to vector<16xi32>
    %swap3A_335 = vector.shape_cast %add3A_329 : vector<16xi32> to vector<1x16xi32>
    tpu.vector_store %arg5[%swap3A_331, %swap3A_332], %swap3A_335 {strides = array<i32>} : memref<4x128xi32, #tpu.memory_space<vmem>>, vector<1x16xi32>,
    %get3A_336 = arith.constant 2 : i32
    %get3A_337 = arith.index_cast %get3A_336 : i32 to index
    %get3A_338 = arith.constant 112 : index
    %get3A_339 = tpu.vector_load %arg5[%get3A_337, %get3A_338] {strides = array<i32>} : memref<4x128xi32, #tpu.memory_space<vmem>>, vector<1x16xi32>,
    %get3A_340 = vector.shape_cast %get3A_339 : vector<1x16xi32> to vector<16xi32>
    %add3A_341 = arith.addi %get3A_340, %mul3A_5 : vector<16xi32>
    %swap3A_342 = arith.constant 2 : i32
    %swap3A_343 = arith.index_cast %swap3A_342 : i32 to index
    %swap3A_344 = arith.constant 112 : index
    %swap3A_345 = tpu.vector_load %arg5[%swap3A_343, %swap3A_344] {strides = array<i32>} : memref<4x128xi32, #tpu.memory_space<vmem>>, vector<1x16xi32>,
    %swap3A_346 = vector.shape_cast %swap3A_345 : vector<1x16xi32> to vector<16xi32>
    %swap3A_347 = vector.shape_cast %add3A_341 : vector<16xi32> to vector<1x16xi32>
    tpu.vector_store %arg5[%swap3A_343, %swap3A_344], %swap3A_347 {strides = array<i32>} : memref<4x128xi32, #tpu.memory_space<vmem>>, vector<1x16xi32>,
    %get3A_348 = arith.constant 3 : i32
    %get3A_349 = arith.index_cast %get3A_348 : i32 to index
    %get3A_350 = arith.constant 0 : index
    %get3A_351 = tpu.vector_load %arg5[%get3A_349, %get3A_350] {strides = array<i32>} : memref<4x128xi32, #tpu.memory_space<vmem>>, vector<1x16xi32>,
    %get3A_352 = vector.shape_cast %get3A_351 : vector<1x16xi32> to vector<16xi32>
    %add3A_353 = arith.addi %get3A_352, %mul3A_5 : vector<16xi32>
    %swap3A_354 = arith.constant 3 : i32
    %swap3A_355 = arith.index_cast %swap3A_354 : i32 to index
    %swap3A_356 = arith.constant 0 : index
    %swap3A_357 = tpu.vector_load %arg5[%swap3A_355, %swap3A_356] {strides = array<i32>} : memref<4x128xi32, #tpu.memory_space<vmem>>, vector<1x16xi32>,
    %swap3A_358 = vector.shape_cast %swap3A_357 : vector<1x16xi32> to vector<16xi32>
    %swap3A_359 = vector.shape_cast %add3A_353 : vector<16xi32> to vector<1x16xi32>
    tpu.vector_store %arg5[%swap3A_355, %swap3A_356], %swap3A_359 {strides = array<i32>} : memref<4x128xi32, #tpu.memory_space<vmem>>, vector<1x16xi32>,
    %get3A_360 = arith.constant 3 : i32
    %get3A_361 = arith.index_cast %get3A_360 : i32 to index
    %get3A_362 = arith.constant 16 : index
    %get3A_363 = tpu.vector_load %arg5[%get3A_361, %get3A_362] {strides = array<i32>} : memref<4x128xi32, #tpu.memory_space<vmem>>, vector<1x16xi32>,
    %get3A_364 = vector.shape_cast %get3A_363 : vector<1x16xi32> to vector<16xi32>
    %add3A_365 = arith.addi %get3A_364, %mul3A_5 : vector<16xi32>
    %swap3A_366 = arith.constant 3 : i32
    %swap3A_367 = arith.index_cast %swap3A_366 : i32 to index
    %swap3A_368 = arith.constant 16 : index
    %swap3A_369 = tpu.vector_load %arg5[%swap3A_367, %swap3A_368] {strides = array<i32>} : memref<4x128xi32, #tpu.memory_space<vmem>>, vector<1x16xi32>,
    %swap3A_370 = vector.shape_cast %swap3A_369 : vector<1x16xi32> to vector<16xi32>
    %swap3A_371 = vector.shape_cast %add3A_365 : vector<16xi32> to vector<1x16xi32>
    tpu.vector_store %arg5[%swap3A_367, %swap3A_368], %swap3A_371 {strides = array<i32>} : memref<4x128xi32, #tpu.memory_space<vmem>>, vector<1x16xi32>,
    %get3A_372 = arith.constant 3 : i32
    %get3A_373 = arith.index_cast %get3A_372 : i32 to index
    %get3A_374 = arith.constant 32 : index
    %get3A_375 = tpu.vector_load %arg5[%get3A_373, %get3A_374] {strides = array<i32>} : memref<4x128xi32, #tpu.memory_space<vmem>>, vector<1x16xi32>,
    %get3A_376 = vector.shape_cast %get3A_375 : vector<1x16xi32> to vector<16xi32>
    %add3A_377 = arith.addi %get3A_376, %mul3A_5 : vector<16xi32>
    %swap3A_378 = arith.constant 3 : i32
    %swap3A_379 = arith.index_cast %swap3A_378 : i32 to index
    %swap3A_380 = arith.constant 32 : index
    %swap3A_381 = tpu.vector_load %arg5[%swap3A_379, %swap3A_380] {strides = array<i32>} : memref<4x128xi32, #tpu.memory_space<vmem>>, vector<1x16xi32>,
    %swap3A_382 = vector.shape_cast %swap3A_381 : vector<1x16xi32> to vector<16xi32>
    %swap3A_383 = vector.shape_cast %add3A_377 : vector<16xi32> to vector<1x16xi32>
    tpu.vector_store %arg5[%swap3A_379, %swap3A_380], %swap3A_383 {strides = array<i32>} : memref<4x128xi32, #tpu.memory_space<vmem>>, vector<1x16xi32>,
    %get3A_384 = arith.constant 3 : i32
    %get3A_385 = arith.index_cast %get3A_384 : i32 to index
    %get3A_386 = arith.constant 48 : index
    %get3A_387 = tpu.vector_load %arg5[%get3A_385, %get3A_386] {strides = array<i32>} : memref<4x128xi32, #tpu.memory_space<vmem>>, vector<1x16xi32>,
    %get3A_388 = vector.shape_cast %get3A_387 : vector<1x16xi32> to vector<16xi32>
    %add3A_389 = arith.addi %get3A_388, %mul3A_5 : vector<16xi32>
    %swap3A_390 = arith.constant 3 : i32
    %swap3A_391 = arith.index_cast %swap3A_390 : i32 to index
    %swap3A_392 = arith.constant 48 : index
    %swap3A_393 = tpu.vector_load %arg5[%swap3A_391, %swap3A_392] {strides = array<i32>} : memref<4x128xi32, #tpu.memory_space<vmem>>, vector<1x16xi32>,
    %swap3A_394 = vector.shape_cast %swap3A_393 : vector<1x16xi32> to vector<16xi32>
    %swap3A_395 = vector.shape_cast %add3A_389 : vector<16xi32> to vector<1x16xi32>
    tpu.vector_store %arg5[%swap3A_391, %swap3A_392], %swap3A_395 {strides = array<i32>} : memref<4x128xi32, #tpu.memory_space<vmem>>, vector<1x16xi32>,
    %get3A_396 = arith.constant 3 : i32
    %get3A_397 = arith.index_cast %get3A_396 : i32 to index
    %get3A_398 = arith.constant 64 : index
    %get3A_399 = tpu.vector_load %arg5[%get3A_397, %get3A_398] {strides = array<i32>} : memref<4x128xi32, #tpu.memory_space<vmem>>, vector<1x16xi32>,
    %get3A_400 = vector.shape_cast %get3A_399 : vector<1x16xi32> to vector<16xi32>
    %add3A_401 = arith.addi %get3A_400, %mul3A_5 : vector<16xi32>
    %swap3A_402 = arith.constant 3 : i32
    %swap3A_403 = arith.index_cast %swap3A_402 : i32 to index
    %swap3A_404 = arith.constant 64 : index
    %swap3A_405 = tpu.vector_load %arg5[%swap3A_403, %swap3A_404] {strides = array<i32>} : memref<4x128xi32, #tpu.memory_space<vmem>>, vector<1x16xi32>,
    %swap3A_406 = vector.shape_cast %swap3A_405 : vector<1x16xi32> to vector<16xi32>
    %swap3A_407 = vector.shape_cast %add3A_401 : vector<16xi32> to vector<1x16xi32>
    tpu.vector_store %arg5[%swap3A_403, %swap3A_404], %swap3A_407 {strides = array<i32>} : memref<4x128xi32, #tpu.memory_space<vmem>>, vector<1x16xi32>,
    %get3A_408 = arith.constant 3 : i32
    %get3A_409 = arith.index_cast %get3A_408 : i32 to index
    %get3A_410 = arith.constant 80 : index
    %get3A_411 = tpu.vector_load %arg5[%get3A_409, %get3A_410] {strides = array<i32>} : memref<4x128xi32, #tpu.memory_space<vmem>>, vector<1x16xi32>,
    %get3A_412 = vector.shape_cast %get3A_411 : vector<1x16xi32> to vector<16xi32>
    %add3A_413 = arith.addi %get3A_412, %mul3A_5 : vector<16xi32>
    %swap3A_414 = arith.constant 3 : i32
    %swap3A_415 = arith.index_cast %swap3A_414 : i32 to index
    %swap3A_416 = arith.constant 80 : index
    %swap3A_417 = tpu.vector_load %arg5[%swap3A_415, %swap3A_416] {strides = array<i32>} : memref<4x128xi32, #tpu.memory_space<vmem>>, vector<1x16xi32>,
    %swap3A_418 = vector.shape_cast %swap3A_417 : vector<1x16xi32> to vector<16xi32>
    %swap3A_419 = vector.shape_cast %add3A_413 : vector<16xi32> to vector<1x16xi32>
    tpu.vector_store %arg5[%swap3A_415, %swap3A_416], %swap3A_419 {strides = array<i32>} : memref<4x128xi32, #tpu.memory_space<vmem>>, vector<1x16xi32>,
    %get3A_420 = arith.constant 3 : i32
    %get3A_421 = arith.index_cast %get3A_420 : i32 to index
    %get3A_422 = arith.constant 96 : index
    %get3A_423 = tpu.vector_load %arg5[%get3A_421, %get3A_422] {strides = array<i32>} : memref<4x128xi32, #tpu.memory_space<vmem>>, vector<1x16xi32>,
    %get3A_424 = vector.shape_cast %get3A_423 : vector<1x16xi32> to vector<16xi32>
    %add3A_425 = arith.addi %get3A_424, %mul3A_5 : vector<16xi32>
    %swap3A_426 = arith.constant 3 : i32
    %swap3A_427 = arith.index_cast %swap3A_426 : i32 to index
    %swap3A_428 = arith.constant 96 : index
    %swap3A_429 = tpu.vector_load %arg5[%swap3A_427, %swap3A_428] {strides = array<i32>} : memref<4x128xi32, #tpu.memory_space<vmem>>, vector<1x16xi32>,
    %swap3A_430 = vector.shape_cast %swap3A_429 : vector<1x16xi32> to vector<16xi32>
    %swap3A_431 = vector.shape_cast %add3A_425 : vector<16xi32> to vector<1x16xi32>
    tpu.vector_store %arg5[%swap3A_427, %swap3A_428], %swap3A_431 {strides = array<i32>} : memref<4x128xi32, #tpu.memory_space<vmem>>, vector<1x16xi32>,
    %get3A_432 = arith.constant 3 : i32
    %get3A_433 = arith.index_cast %get3A_432 : i32 to index
    %get3A_434 = arith.constant 112 : index
    %get3A_435 = tpu.vector_load %arg5[%get3A_433, %get3A_434] {strides = array<i32>} : memref<4x128xi32, #tpu.memory_space<vmem>>, vector<1x16xi32>,
    %get3A_436 = vector.shape_cast %get3A_435 : vector<1x16xi32> to vector<16xi32>
    %add3A_437 = arith.addi %get3A_436, %mul3A_5 : vector<16xi32>
    %swap3A_438 = arith.constant 3 : i32
    %swap3A_439 = arith.index_cast %swap3A_438 : i32 to index
    %swap3A_440 = arith.constant 112 : index
    %swap3A_441 = tpu.vector_load %arg5[%swap3A_439, %swap3A_440] {strides = array<i32>} : memref<4x128xi32, #tpu.memory_space<vmem>>, vector<1x16xi32>,
    %swap3A_442 = vector.shape_cast %swap3A_441 : vector<1x16xi32> to vector<16xi32>
    %swap3A_443 = vector.shape_cast %add3A_437 : vector<16xi32> to vector<1x16xi32>
    tpu.vector_store %arg5[%swap3A_439, %swap3A_440], %swap3A_443 {strides = array<i32>} : memref<4x128xi32, #tpu.memory_space<vmem>>, vector<1x16xi32>,
    %dma_start3A_444 = arith.constant 0 : i32
    %dma_start3A_445 = arith.constant 0 : i32
    %dma_start3A_446 = arith.constant 0 : i32
    %dma_start3A_447 = tpu.memref_slice %arg7[%dma_start3A_445, %dma_start3A_446] : memref<512x64xf32, #tpu.memory_space<vmem>> -> memref<128x64xf32, #tpu.memory_space<vmem>>
    %dma_start3A_448 = arith.constant 0 : i32
    %dma_start3A_449 = tpu.memref_slice %arg5[%dma_start3A_444, %dma_start3A_448] : memref<4x128xi32, #tpu.memory_space<vmem>> -> memref<1x128xi32, #tpu.memory_space<vmem>>
    %dma_start3A_450 = tpu.memref_squeeze %dma_start3A_449 : memref<1x128xi32, #tpu.memory_space<vmem>> -> memref<128xi32, #tpu.memory_space<vmem>>
    %dma_start3A_451 = arith.constant 0 : i32
    %dma_start3A_452 = arith.constant 0 : i32
    %dma_start3A_453 = tpu.memref_slice %arg3[%dma_start3A_451, %dma_start3A_452] : memref<400000x64xf32, #tpu.memory_space<hbm>> -> memref<400000x64xf32, #tpu.memory_space<hbm>>
    tpu.enqueue_indirect_dma source(%dma_start3A_453 : memref<400000x64xf32, #tpu.memory_space<hbm>>) target(%dma_start3A_447 : memref<128x64xf32, #tpu.memory_space<vmem>>) offsets(%dma_start3A_450 : memref<128xi32, #tpu.memory_space<vmem>>) semaphore(%arg11 : memref<!tpu.dma_semaphore, #tpu.memory_space<semaphore_mem>>)
    %dma_start3A_454 = arith.constant 1 : i32
    %dma_start3A_455 = arith.constant 128 : i32
    %dma_start3A_456 = arith.constant 0 : i32
    %dma_start3A_457 = tpu.memref_slice %arg7[%dma_start3A_455, %dma_start3A_456] : memref<512x64xf32, #tpu.memory_space<vmem>> -> memref<128x64xf32, #tpu.memory_space<vmem>>
    %dma_start3A_458 = arith.constant 0 : i32
    %dma_start3A_459 = tpu.memref_slice %arg5[%dma_start3A_454, %dma_start3A_458] : memref<4x128xi32, #tpu.memory_space<vmem>> -> memref<1x128xi32, #tpu.memory_space<vmem>>
    %dma_start3A_460 = tpu.memref_squeeze %dma_start3A_459 : memref<1x128xi32, #tpu.memory_space<vmem>> -> memref<128xi32, #tpu.memory_space<vmem>>
    %dma_start3A_461 = arith.constant 0 : i32
    %dma_start3A_462 = arith.constant 0 : i32
    %dma_start3A_463 = tpu.memref_slice %arg3[%dma_start3A_461, %dma_start3A_462] : memref<400000x64xf32, #tpu.memory_space<hbm>> -> memref<400000x64xf32, #tpu.memory_space<hbm>>
    tpu.enqueue_indirect_dma source(%dma_start3A_463 : memref<400000x64xf32, #tpu.memory_space<hbm>>) target(%dma_start3A_457 : memref<128x64xf32, #tpu.memory_space<vmem>>) offsets(%dma_start3A_460 : memref<128xi32, #tpu.memory_space<vmem>>) semaphore(%arg11 : memref<!tpu.dma_semaphore, #tpu.memory_space<semaphore_mem>>)
    %dma_start3A_464 = arith.constant 2 : i32
    %dma_start3A_465 = arith.constant 256 : i32
    %dma_start3A_466 = arith.constant 0 : i32
    %dma_start3A_467 = tpu.memref_slice %arg7[%dma_start3A_465, %dma_start3A_466] : memref<512x64xf32, #tpu.memory_space<vmem>> -> memref<128x64xf32, #tpu.memory_space<vmem>>
    %dma_start3A_468 = arith.constant 0 : i32
    %dma_start3A_469 = tpu.memref_slice %arg5[%dma_start3A_464, %dma_start3A_468] : memref<4x128xi32, #tpu.memory_space<vmem>> -> memref<1x128xi32, #tpu.memory_space<vmem>>
    %dma_start3A_470 = tpu.memref_squeeze %dma_start3A_469 : memref<1x128xi32, #tpu.memory_space<vmem>> -> memref<128xi32, #tpu.memory_space<vmem>>
    %dma_start3A_471 = arith.constant 0 : i32
    %dma_start3A_472 = arith.constant 0 : i32
    %dma_start3A_473 = tpu.memref_slice %arg3[%dma_start3A_471, %dma_start3A_472] : memref<400000x64xf32, #tpu.memory_space<hbm>> -> memref<400000x64xf32, #tpu.memory_space<hbm>>
    tpu.enqueue_indirect_dma source(%dma_start3A_473 : memref<400000x64xf32, #tpu.memory_space<hbm>>) target(%dma_start3A_467 : memref<128x64xf32, #tpu.memory_space<vmem>>) offsets(%dma_start3A_470 : memref<128xi32, #tpu.memory_space<vmem>>) semaphore(%arg11 : memref<!tpu.dma_semaphore, #tpu.memory_space<semaphore_mem>>)
    %dma_start3A_474 = arith.constant 3 : i32
    %dma_start3A_475 = arith.constant 384 : i32
    %dma_start3A_476 = arith.constant 0 : i32
    %dma_start3A_477 = tpu.memref_slice %arg7[%dma_start3A_475, %dma_start3A_476] : memref<512x64xf32, #tpu.memory_space<vmem>> -> memref<128x64xf32, #tpu.memory_space<vmem>>
    %dma_start3A_478 = arith.constant 0 : i32
    %dma_start3A_479 = tpu.memref_slice %arg5[%dma_start3A_474, %dma_start3A_478] : memref<4x128xi32, #tpu.memory_space<vmem>> -> memref<1x128xi32, #tpu.memory_space<vmem>>
    %dma_start3A_480 = tpu.memref_squeeze %dma_start3A_479 : memref<1x128xi32, #tpu.memory_space<vmem>> -> memref<128xi32, #tpu.memory_space<vmem>>
    %dma_start3A_481 = arith.constant 0 : i32
    %dma_start3A_482 = arith.constant 0 : i32
    %dma_start3A_483 = tpu.memref_slice %arg3[%dma_start3A_481, %dma_start3A_482] : memref<400000x64xf32, #tpu.memory_space<hbm>> -> memref<400000x64xf32, #tpu.memory_space<hbm>>
    tpu.enqueue_indirect_dma source(%dma_start3A_483 : memref<400000x64xf32, #tpu.memory_space<hbm>>) target(%dma_start3A_477 : memref<128x64xf32, #tpu.memory_space<vmem>>) offsets(%dma_start3A_480 : memref<128xi32, #tpu.memory_space<vmem>>) semaphore(%arg11 : memref<!tpu.dma_semaphore, #tpu.memory_space<semaphore_mem>>)
    %add3A_484 = arith.constant 128 : i32
    %add3A_485 = arith.addi %mul3A_7, %add3A_484 : i32
    %multiple_of3A_486 = tpu.assume_multiple %add3A_485, 128 : i32
    %mul3A_487 = arith.constant 4 : i32
    %mul3A_488 = arith.muli %multiple_of3A_486, %mul3A_487 : i32
    %jit3A_489 = arith.constant 128 : i32
    %div3A_490 = arith.divsi %mul3A_488, %jit3A_489 : i32
    %sign3A_491 = arith.constant 0 : i32
    %sign3A_492 = arith.cmpi sgt, %mul3A_488, %sign3A_491 : i32
    %sign3A_493 = arith.extui %sign3A_492 : i1 to i32
    %sign3A_494 = arith.constant 0 : i32
    %sign3A_495 = arith.cmpi slt, %mul3A_488, %sign3A_494 : i32
    %sign3A_496 = arith.extui %sign3A_495 : i1 to i32
    %sign3A_497 = arith.subi %sign3A_493, %sign3A_496 : i32
    %sign3A_498 = arith.constant 0 : i32
    %sign3A_499 = arith.cmpi sgt, %jit3A_489, %sign3A_498 : i32
    %sign3A_500 = arith.extui %sign3A_499 : i1 to i32
    %sign3A_501 = arith.constant 0 : i32
    %sign3A_502 = arith.cmpi slt, %jit3A_489, %sign3A_501 : i32
    %sign3A_503 = arith.extui %sign3A_502 : i1 to i32
    %sign3A_504 = arith.subi %sign3A_500, %sign3A_503 : i32
    %ne3A_505 = arith.cmpi ne, %sign3A_497, %sign3A_504 : i32
    %rem3A_506 = arith.remsi %mul3A_488, %jit3A_489 : i32
    %ne3A_507 = arith.constant 0 : i32
    %ne3A_508 = arith.cmpi ne, %rem3A_506, %ne3A_507 : i32
    %and3A_509 = arith.andi %ne3A_505, %ne3A_508 : i1
    %sub3A_510 = arith.constant 1 : i32
    %sub3A_511 = arith.subi %div3A_490, %sub3A_510 : i32
    %select_n3A_512 = arith.select %and3A_509, %sub3A_511, %div3A_490 : i32
    %multiple_of3A_513 = tpu.assume_multiple %select_n3A_512, 4 : i32
    %dma_start3A_514 = arith.constant 0 : i32
    %dma_start3A_515 = tpu.memref_slice %arg2[%multiple_of3A_513, %dma_start3A_514] : memref<25600x128xi32, #tpu.memory_space<hbm>> -> memref<4x128xi32, #tpu.memory_space<hbm>>
    %dma_start3A_516 = arith.constant 0 : i32
    %dma_start3A_517 = tpu.memref_slice %arg2[%multiple_of3A_513, %dma_start3A_516] : memref<25600x128xi32, #tpu.memory_space<hbm>> -> memref<4x128xi32, #tpu.memory_space<hbm>>
    tpu.enqueue_dma source(%dma_start3A_517 : memref<4x128xi32, #tpu.memory_space<hbm>>) target(%arg6 : memref<4x128xi32, #tpu.memory_space<vmem>>) target_semaphore(%arg16 : memref<!tpu.dma_semaphore, #tpu.memory_space<semaphore_mem>>)
    %scan3A = arith.constant 0 : i32
    %scan3A_518 = arith.constant 0 : i32
    %scan3A_519 = arith.constant 100 : i32
    %scan3A_520 = arith.addi %scan3A_518, %scan3A_519 : i32
    %scan3A_521 = arith.constant 1 : i32
    scf.for %scan3A_558 = %scan3A_518 to %scan3A_520 step %scan3A_521  : i32 {
      %mul3A_559 = arith.constant 2 : i32
      %mul3A_560 = arith.muli %mul3A_559, %scan3A_558 : i32
      %mul3A_561 = arith.constant 128 : i32
      %mul3A_562 = arith.muli %mul3A_560, %mul3A_561 : i32
      %add3A_563 = arith.addi %mul3A_7, %mul3A_562 : i32
      %multiple_of3A_564 = tpu.assume_multiple %add3A_563, 128 : i32
      %add3A_565 = arith.constant 128 : i32
      %add3A_566 = arith.addi %multiple_of3A_564, %add3A_565 : i32
      %multiple_of3A_567 = tpu.assume_multiple %add3A_566, 128 : i32
      %add3A_568 = arith.constant 256 : i32
      %add3A_569 = arith.addi %multiple_of3A_564, %add3A_568 : i32
      %multiple_of3A_570 = tpu.assume_multiple %add3A_569, 128 : i32
      %add3A_571 = arith.constant 384 : i32
      %add3A_572 = arith.addi %multiple_of3A_564, %add3A_571 : i32
      %multiple_of3A_573 = tpu.assume_multiple %add3A_572, 128 : i32
      %mul3A_574 = arith.constant 4 : i32
      %mul3A_575 = arith.muli %multiple_of3A_567, %mul3A_574 : i32
      %jit3A_576 = arith.constant 128 : i32
      %div3A_577 = arith.divsi %mul3A_575, %jit3A_576 : i32
      %sign3A_578 = arith.constant 0 : i32
      %sign3A_579 = arith.cmpi sgt, %mul3A_575, %sign3A_578 : i32
      %sign3A_580 = arith.extui %sign3A_579 : i1 to i32
      %sign3A_581 = arith.constant 0 : i32
      %sign3A_582 = arith.cmpi slt, %mul3A_575, %sign3A_581 : i32
      %sign3A_583 = arith.extui %sign3A_582 : i1 to i32
      %sign3A_584 = arith.subi %sign3A_580, %sign3A_583 : i32
      %sign3A_585 = arith.constant 0 : i32
      %sign3A_586 = arith.cmpi sgt, %jit3A_576, %sign3A_585 : i32
      %sign3A_587 = arith.extui %sign3A_586 : i1 to i32
      %sign3A_588 = arith.constant 0 : i32
      %sign3A_589 = arith.cmpi slt, %jit3A_576, %sign3A_588 : i32
      %sign3A_590 = arith.extui %sign3A_589 : i1 to i32
      %sign3A_591 = arith.subi %sign3A_587, %sign3A_590 : i32
      %ne3A_592 = arith.cmpi ne, %sign3A_584, %sign3A_591 : i32
      %rem3A_593 = arith.remsi %mul3A_575, %jit3A_576 : i32
      %ne3A_594 = arith.constant 0 : i32
      %ne3A_595 = arith.cmpi ne, %rem3A_593, %ne3A_594 : i32
      %and3A_596 = arith.andi %ne3A_592, %ne3A_595 : i1
      %sub3A_597 = arith.constant 1 : i32
      %sub3A_598 = arith.subi %div3A_577, %sub3A_597 : i32
      %select_n3A_599 = arith.select %and3A_596, %sub3A_598, %div3A_577 : i32
      %multiple_of3A_600 = tpu.assume_multiple %select_n3A_599, 4 : i32
      %dma_wait3A_601 = arith.constant 0 : i32
      %dma_wait3A_602 = tpu.memref_slice %arg2[%multiple_of3A_600, %dma_wait3A_601] : memref<25600x128xi32, #tpu.memory_space<hbm>> -> memref<4x128xi32, #tpu.memory_space<hbm>>
      %dma_wait3A_603 = arith.constant 0 : i32
      %dma_wait3A_604 = tpu.memref_slice %arg2[%multiple_of3A_600, %dma_wait3A_603] : memref<25600x128xi32, #tpu.memory_space<hbm>> -> memref<4x128xi32, #tpu.memory_space<hbm>>
      tpu.wait_dma2 semaphore(%arg16 : memref<!tpu.dma_semaphore, #tpu.memory_space<semaphore_mem>>) src(%dma_wait3A_604 : memref<4x128xi32, #tpu.memory_space<hbm>>) dst(%arg6 : memref<4x128xi32, #tpu.memory_space<vmem>>)
      %get3A_605 = arith.constant 0 : i32
      %get3A_606 = arith.index_cast %get3A_605 : i32 to index
      %get3A_607 = arith.constant 0 : index
      %get3A_608 = tpu.vector_load %arg6[%get3A_606, %get3A_607] {strides = array<i32>} : memref<4x128xi32, #tpu.memory_space<vmem>>, vector<1x16xi32>,
      %get3A_609 = vector.shape_cast %get3A_608 : vector<1x16xi32> to vector<16xi32>
      %add3A_610 = arith.addi %get3A_609, %mul3A_5 : vector<16xi32>
      %swap3A_611 = arith.constant 0 : i32
      %swap3A_612 = arith.index_cast %swap3A_611 : i32 to index
      %swap3A_613 = arith.constant 0 : index
      %swap3A_614 = tpu.vector_load %arg6[%swap3A_612, %swap3A_613] {strides = array<i32>} : memref<4x128xi32, #tpu.memory_space<vmem>>, vector<1x16xi32>,
      %swap3A_615 = vector.shape_cast %swap3A_614 : vector<1x16xi32> to vector<16xi32>
      %swap3A_616 = vector.shape_cast %add3A_610 : vector<16xi32> to vector<1x16xi32>
      tpu.vector_store %arg6[%swap3A_612, %swap3A_613], %swap3A_616 {strides = array<i32>} : memref<4x128xi32, #tpu.memory_space<vmem>>, vector<1x16xi32>,
      %get3A_617 = arith.constant 0 : i32
      %get3A_618 = arith.index_cast %get3A_617 : i32 to index
      %get3A_619 = arith.constant 16 : index
      %get3A_620 = tpu.vector_load %arg6[%get3A_618, %get3A_619] {strides = array<i32>} : memref<4x128xi32, #tpu.memory_space<vmem>>, vector<1x16xi32>,
      %get3A_621 = vector.shape_cast %get3A_620 : vector<1x16xi32> to vector<16xi32>
      %add3A_622 = arith.addi %get3A_621, %mul3A_5 : vector<16xi32>
      %swap3A_623 = arith.constant 0 : i32
      %swap3A_624 = arith.index_cast %swap3A_623 : i32 to index
      %swap3A_625 = arith.constant 16 : index
      %swap3A_626 = tpu.vector_load %arg6[%swap3A_624, %swap3A_625] {strides = array<i32>} : memref<4x128xi32, #tpu.memory_space<vmem>>, vector<1x16xi32>,
      %swap3A_627 = vector.shape_cast %swap3A_626 : vector<1x16xi32> to vector<16xi32>
      %swap3A_628 = vector.shape_cast %add3A_622 : vector<16xi32> to vector<1x16xi32>
      tpu.vector_store %arg6[%swap3A_624, %swap3A_625], %swap3A_628 {strides = array<i32>} : memref<4x128xi32, #tpu.memory_space<vmem>>, vector<1x16xi32>,
      %get3A_629 = arith.constant 0 : i32
      %get3A_630 = arith.index_cast %get3A_629 : i32 to index
      %get3A_631 = arith.constant 32 : index
      %get3A_632 = tpu.vector_load %arg6[%get3A_630, %get3A_631] {strides = array<i32>} : memref<4x128xi32, #tpu.memory_space<vmem>>, vector<1x16xi32>,
      %get3A_633 = vector.shape_cast %get3A_632 : vector<1x16xi32> to vector<16xi32>
      %add3A_634 = arith.addi %get3A_633, %mul3A_5 : vector<16xi32>
      %swap3A_635 = arith.constant 0 : i32
      %swap3A_636 = arith.index_cast %swap3A_635 : i32 to index
      %swap3A_637 = arith.constant 32 : index
      %swap3A_638 = tpu.vector_load %arg6[%swap3A_636, %swap3A_637] {strides = array<i32>} : memref<4x128xi32, #tpu.memory_space<vmem>>, vector<1x16xi32>,
      %swap3A_639 = vector.shape_cast %swap3A_638 : vector<1x16xi32> to vector<16xi32>
      %swap3A_640 = vector.shape_cast %add3A_634 : vector<16xi32> to vector<1x16xi32>
      tpu.vector_store %arg6[%swap3A_636, %swap3A_637], %swap3A_640 {strides = array<i32>} : memref<4x128xi32, #tpu.memory_space<vmem>>, vector<1x16xi32>,
      %get3A_641 = arith.constant 0 : i32
      %get3A_642 = arith.index_cast %get3A_641 : i32 to index
      %get3A_643 = arith.constant 48 : index
      %get3A_644 = tpu.vector_load %arg6[%get3A_642, %get3A_643] {strides = array<i32>} : memref<4x128xi32, #tpu.memory_space<vmem>>, vector<1x16xi32>,
      %get3A_645 = vector.shape_cast %get3A_644 : vector<1x16xi32> to vector<16xi32>
      %add3A_646 = arith.addi %get3A_645, %mul3A_5 : vector<16xi32>
      %swap3A_647 = arith.constant 0 : i32
      %swap3A_648 = arith.index_cast %swap3A_647 : i32 to index
      %swap3A_649 = arith.constant 48 : index
      %swap3A_650 = tpu.vector_load %arg6[%swap3A_648, %swap3A_649] {strides = array<i32>} : memref<4x128xi32, #tpu.memory_space<vmem>>, vector<1x16xi32>,
      %swap3A_651 = vector.shape_cast %swap3A_650 : vector<1x16xi32> to vector<16xi32>
      %swap3A_652 = vector.shape_cast %add3A_646 : vector<16xi32> to vector<1x16xi32>
      tpu.vector_store %arg6[%swap3A_648, %swap3A_649], %swap3A_652 {strides = array<i32>} : memref<4x128xi32, #tpu.memory_space<vmem>>, vector<1x16xi32>,
      %get3A_653 = arith.constant 0 : i32
      %get3A_654 = arith.index_cast %get3A_653 : i32 to index
      %get3A_655 = arith.constant 64 : index
      %get3A_656 = tpu.vector_load %arg6[%get3A_654, %get3A_655] {strides = array<i32>} : memref<4x128xi32, #tpu.memory_space<vmem>>, vector<1x16xi32>,
      %get3A_657 = vector.shape_cast %get3A_656 : vector<1x16xi32> to vector<16xi32>
      %add3A_658 = arith.addi %get3A_657, %mul3A_5 : vector<16xi32>
      %swap3A_659 = arith.constant 0 : i32
      %swap3A_660 = arith.index_cast %swap3A_659 : i32 to index
      %swap3A_661 = arith.constant 64 : index
      %swap3A_662 = tpu.vector_load %arg6[%swap3A_660, %swap3A_661] {strides = array<i32>} : memref<4x128xi32, #tpu.memory_space<vmem>>, vector<1x16xi32>,
      %swap3A_663 = vector.shape_cast %swap3A_662 : vector<1x16xi32> to vector<16xi32>
      %swap3A_664 = vector.shape_cast %add3A_658 : vector<16xi32> to vector<1x16xi32>
      tpu.vector_store %arg6[%swap3A_660, %swap3A_661], %swap3A_664 {strides = array<i32>} : memref<4x128xi32, #tpu.memory_space<vmem>>, vector<1x16xi32>,
      %get3A_665 = arith.constant 0 : i32
      %get3A_666 = arith.index_cast %get3A_665 : i32 to index
      %get3A_667 = arith.constant 80 : index
      %get3A_668 = tpu.vector_load %arg6[%get3A_666, %get3A_667] {strides = array<i32>} : memref<4x128xi32, #tpu.memory_space<vmem>>, vector<1x16xi32>,
      %get3A_669 = vector.shape_cast %get3A_668 : vector<1x16xi32> to vector<16xi32>
      %add3A_670 = arith.addi %get3A_669, %mul3A_5 : vector<16xi32>
      %swap3A_671 = arith.constant 0 : i32
      %swap3A_672 = arith.index_cast %swap3A_671 : i32 to index
      %swap3A_673 = arith.constant 80 : index
      %swap3A_674 = tpu.vector_load %arg6[%swap3A_672, %swap3A_673] {strides = array<i32>} : memref<4x128xi32, #tpu.memory_space<vmem>>, vector<1x16xi32>,
      %swap3A_675 = vector.shape_cast %swap3A_674 : vector<1x16xi32> to vector<16xi32>
      %swap3A_676 = vector.shape_cast %add3A_670 : vector<16xi32> to vector<1x16xi32>
      tpu.vector_store %arg6[%swap3A_672, %swap3A_673], %swap3A_676 {strides = array<i32>} : memref<4x128xi32, #tpu.memory_space<vmem>>, vector<1x16xi32>,
      %get3A_677 = arith.constant 0 : i32
      %get3A_678 = arith.index_cast %get3A_677 : i32 to index
      %get3A_679 = arith.constant 96 : index
      %get3A_680 = tpu.vector_load %arg6[%get3A_678, %get3A_679] {strides = array<i32>} : memref<4x128xi32, #tpu.memory_space<vmem>>, vector<1x16xi32>,
      %get3A_681 = vector.shape_cast %get3A_680 : vector<1x16xi32> to vector<16xi32>
      %add3A_682 = arith.addi %get3A_681, %mul3A_5 : vector<16xi32>
      %swap3A_683 = arith.constant 0 : i32
      %swap3A_684 = arith.index_cast %swap3A_683 : i32 to index
      %swap3A_685 = arith.constant 96 : index
      %swap3A_686 = tpu.vector_load %arg6[%swap3A_684, %swap3A_685] {strides = array<i32>} : memref<4x128xi32, #tpu.memory_space<vmem>>, vector<1x16xi32>,
      %swap3A_687 = vector.shape_cast %swap3A_686 : vector<1x16xi32> to vector<16xi32>
      %swap3A_688 = vector.shape_cast %add3A_682 : vector<16xi32> to vector<1x16xi32>
      tpu.vector_store %arg6[%swap3A_684, %swap3A_685], %swap3A_688 {strides = array<i32>} : memref<4x128xi32, #tpu.memory_space<vmem>>, vector<1x16xi32>,
      %get3A_689 = arith.constant 0 : i32
      %get3A_690 = arith.index_cast %get3A_689 : i32 to index
      %get3A_691 = arith.constant 112 : index
      %get3A_692 = tpu.vector_load %arg6[%get3A_690, %get3A_691] {strides = array<i32>} : memref<4x128xi32, #tpu.memory_space<vmem>>, vector<1x16xi32>,
      %get3A_693 = vector.shape_cast %get3A_692 : vector<1x16xi32> to vector<16xi32>
      %add3A_694 = arith.addi %get3A_693, %mul3A_5 : vector<16xi32>
      %swap3A_695 = arith.constant 0 : i32
      %swap3A_696 = arith.index_cast %swap3A_695 : i32 to index
      %swap3A_697 = arith.constant 112 : index
      %swap3A_698 = tpu.vector_load %arg6[%swap3A_696, %swap3A_697] {strides = array<i32>} : memref<4x128xi32, #tpu.memory_space<vmem>>, vector<1x16xi32>,
      %swap3A_699 = vector.shape_cast %swap3A_698 : vector<1x16xi32> to vector<16xi32>
      %swap3A_700 = vector.shape_cast %add3A_694 : vector<16xi32> to vector<1x16xi32>
      tpu.vector_store %arg6[%swap3A_696, %swap3A_697], %swap3A_700 {strides = array<i32>} : memref<4x128xi32, #tpu.memory_space<vmem>>, vector<1x16xi32>,
      %get3A_701 = arith.constant 1 : i32
      %get3A_702 = arith.index_cast %get3A_701 : i32 to index
      %get3A_703 = arith.constant 0 : index
      %get3A_704 = tpu.vector_load %arg6[%get3A_702, %get3A_703] {strides = array<i32>} : memref<4x128xi32, #tpu.memory_space<vmem>>, vector<1x16xi32>,
      %get3A_705 = vector.shape_cast %get3A_704 : vector<1x16xi32> to vector<16xi32>
      %add3A_706 = arith.addi %get3A_705, %mul3A_5 : vector<16xi32>
      %swap3A_707 = arith.constant 1 : i32
      %swap3A_708 = arith.index_cast %swap3A_707 : i32 to index
      %swap3A_709 = arith.constant 0 : index
      %swap3A_710 = tpu.vector_load %arg6[%swap3A_708, %swap3A_709] {strides = array<i32>} : memref<4x128xi32, #tpu.memory_space<vmem>>, vector<1x16xi32>,
      %swap3A_711 = vector.shape_cast %swap3A_710 : vector<1x16xi32> to vector<16xi32>
      %swap3A_712 = vector.shape_cast %add3A_706 : vector<16xi32> to vector<1x16xi32>
      tpu.vector_store %arg6[%swap3A_708, %swap3A_709], %swap3A_712 {strides = array<i32>} : memref<4x128xi32, #tpu.memory_space<vmem>>, vector<1x16xi32>,
      %get3A_713 = arith.constant 1 : i32
      %get3A_714 = arith.index_cast %get3A_713 : i32 to index
      %get3A_715 = arith.constant 16 : index
      %get3A_716 = tpu.vector_load %arg6[%get3A_714, %get3A_715] {strides = array<i32>} : memref<4x128xi32, #tpu.memory_space<vmem>>, vector<1x16xi32>,
      %get3A_717 = vector.shape_cast %get3A_716 : vector<1x16xi32> to vector<16xi32>
      %add3A_718 = arith.addi %get3A_717, %mul3A_5 : vector<16xi32>
      %swap3A_719 = arith.constant 1 : i32
      %swap3A_720 = arith.index_cast %swap3A_719 : i32 to index
      %swap3A_721 = arith.constant 16 : index
      %swap3A_722 = tpu.vector_load %arg6[%swap3A_720, %swap3A_721] {strides = array<i32>} : memref<4x128xi32, #tpu.memory_space<vmem>>, vector<1x16xi32>,
      %swap3A_723 = vector.shape_cast %swap3A_722 : vector<1x16xi32> to vector<16xi32>
      %swap3A_724 = vector.shape_cast %add3A_718 : vector<16xi32> to vector<1x16xi32>
      tpu.vector_store %arg6[%swap3A_720, %swap3A_721], %swap3A_724 {strides = array<i32>} : memref<4x128xi32, #tpu.memory_space<vmem>>, vector<1x16xi32>,
      %get3A_725 = arith.constant 1 : i32
      %get3A_726 = arith.index_cast %get3A_725 : i32 to index
      %get3A_727 = arith.constant 32 : index
      %get3A_728 = tpu.vector_load %arg6[%get3A_726, %get3A_727] {strides = array<i32>} : memref<4x128xi32, #tpu.memory_space<vmem>>, vector<1x16xi32>,
      %get3A_729 = vector.shape_cast %get3A_728 : vector<1x16xi32> to vector<16xi32>
      %add3A_730 = arith.addi %get3A_729, %mul3A_5 : vector<16xi32>
      %swap3A_731 = arith.constant 1 : i32
      %swap3A_732 = arith.index_cast %swap3A_731 : i32 to index
      %swap3A_733 = arith.constant 32 : index
      %swap3A_734 = tpu.vector_load %arg6[%swap3A_732, %swap3A_733] {strides = array<i32>} : memref<4x128xi32, #tpu.memory_space<vmem>>, vector<1x16xi32>,
      %swap3A_735 = vector.shape_cast %swap3A_734 : vector<1x16xi32> to vector<16xi32>
      %swap3A_736 = vector.shape_cast %add3A_730 : vector<16xi32> to vector<1x16xi32>
      tpu.vector_store %arg6[%swap3A_732, %swap3A_733], %swap3A_736 {strides = array<i32>} : memref<4x128xi32, #tpu.memory_space<vmem>>, vector<1x16xi32>,
      %get3A_737 = arith.constant 1 : i32
      %get3A_738 = arith.index_cast %get3A_737 : i32 to index
      %get3A_739 = arith.constant 48 : index
      %get3A_740 = tpu.vector_load %arg6[%get3A_738, %get3A_739] {strides = array<i32>} : memref<4x128xi32, #tpu.memory_space<vmem>>, vector<1x16xi32>,
      %get3A_741 = vector.shape_cast %get3A_740 : vector<1x16xi32> to vector<16xi32>
      %add3A_742 = arith.addi %get3A_741, %mul3A_5 : vector<16xi32>
      %swap3A_743 = arith.constant 1 : i32
      %swap3A_744 = arith.index_cast %swap3A_743 : i32 to index
      %swap3A_745 = arith.constant 48 : index
      %swap3A_746 = tpu.vector_load %arg6[%swap3A_744, %swap3A_745] {strides = array<i32>} : memref<4x128xi32, #tpu.memory_space<vmem>>, vector<1x16xi32>,
      %swap3A_747 = vector.shape_cast %swap3A_746 : vector<1x16xi32> to vector<16xi32>
      %swap3A_748 = vector.shape_cast %add3A_742 : vector<16xi32> to vector<1x16xi32>
      tpu.vector_store %arg6[%swap3A_744, %swap3A_745], %swap3A_748 {strides = array<i32>} : memref<4x128xi32, #tpu.memory_space<vmem>>, vector<1x16xi32>,
      %get3A_749 = arith.constant 1 : i32
      %get3A_750 = arith.index_cast %get3A_749 : i32 to index
      %get3A_751 = arith.constant 64 : index
      %get3A_752 = tpu.vector_load %arg6[%get3A_750, %get3A_751] {strides = array<i32>} : memref<4x128xi32, #tpu.memory_space<vmem>>, vector<1x16xi32>,
      %get3A_753 = vector.shape_cast %get3A_752 : vector<1x16xi32> to vector<16xi32>
      %add3A_754 = arith.addi %get3A_753, %mul3A_5 : vector<16xi32>
      %swap3A_755 = arith.constant 1 : i32
      %swap3A_756 = arith.index_cast %swap3A_755 : i32 to index
      %swap3A_757 = arith.constant 64 : index
      %swap3A_758 = tpu.vector_load %arg6[%swap3A_756, %swap3A_757] {strides = array<i32>} : memref<4x128xi32, #tpu.memory_space<vmem>>, vector<1x16xi32>,
      %swap3A_759 = vector.shape_cast %swap3A_758 : vector<1x16xi32> to vector<16xi32>
      %swap3A_760 = vector.shape_cast %add3A_754 : vector<16xi32> to vector<1x16xi32>
      tpu.vector_store %arg6[%swap3A_756, %swap3A_757], %swap3A_760 {strides = array<i32>} : memref<4x128xi32, #tpu.memory_space<vmem>>, vector<1x16xi32>,
      %get3A_761 = arith.constant 1 : i32
      %get3A_762 = arith.index_cast %get3A_761 : i32 to index
      %get3A_763 = arith.constant 80 : index
      %get3A_764 = tpu.vector_load %arg6[%get3A_762, %get3A_763] {strides = array<i32>} : memref<4x128xi32, #tpu.memory_space<vmem>>, vector<1x16xi32>,
      %get3A_765 = vector.shape_cast %get3A_764 : vector<1x16xi32> to vector<16xi32>
      %add3A_766 = arith.addi %get3A_765, %mul3A_5 : vector<16xi32>
      %swap3A_767 = arith.constant 1 : i32
      %swap3A_768 = arith.index_cast %swap3A_767 : i32 to index
      %swap3A_769 = arith.constant 80 : index
      %swap3A_770 = tpu.vector_load %arg6[%swap3A_768, %swap3A_769] {strides = array<i32>} : memref<4x128xi32, #tpu.memory_space<vmem>>, vector<1x16xi32>,
      %swap3A_771 = vector.shape_cast %swap3A_770 : vector<1x16xi32> to vector<16xi32>
      %swap3A_772 = vector.shape_cast %add3A_766 : vector<16xi32> to vector<1x16xi32>
      tpu.vector_store %arg6[%swap3A_768, %swap3A_769], %swap3A_772 {strides = array<i32>} : memref<4x128xi32, #tpu.memory_space<vmem>>, vector<1x16xi32>,
      %get3A_773 = arith.constant 1 : i32
      %get3A_774 = arith.index_cast %get3A_773 : i32 to index
      %get3A_775 = arith.constant 96 : index
      %get3A_776 = tpu.vector_load %arg6[%get3A_774, %get3A_775] {strides = array<i32>} : memref<4x128xi32, #tpu.memory_space<vmem>>, vector<1x16xi32>,
      %get3A_777 = vector.shape_cast %get3A_776 : vector<1x16xi32> to vector<16xi32>
      %add3A_778 = arith.addi %get3A_777, %mul3A_5 : vector<16xi32>
      %swap3A_779 = arith.constant 1 : i32
      %swap3A_780 = arith.index_cast %swap3A_779 : i32 to index
      %swap3A_781 = arith.constant 96 : index
      %swap3A_782 = tpu.vector_load %arg6[%swap3A_780, %swap3A_781] {strides = array<i32>} : memref<4x128xi32, #tpu.memory_space<vmem>>, vector<1x16xi32>,
      %swap3A_783 = vector.shape_cast %swap3A_782 : vector<1x16xi32> to vector<16xi32>
      %swap3A_784 = vector.shape_cast %add3A_778 : vector<16xi32> to vector<1x16xi32>
      tpu.vector_store %arg6[%swap3A_780, %swap3A_781], %swap3A_784 {strides = array<i32>} : memref<4x128xi32, #tpu.memory_space<vmem>>, vector<1x16xi32>,
      %get3A_785 = arith.constant 1 : i32
      %get3A_786 = arith.index_cast %get3A_785 : i32 to index
      %get3A_787 = arith.constant 112 : index
      %get3A_788 = tpu.vector_load %arg6[%get3A_786, %get3A_787] {strides = array<i32>} : memref<4x128xi32, #tpu.memory_space<vmem>>, vector<1x16xi32>,
      %get3A_789 = vector.shape_cast %get3A_788 : vector<1x16xi32> to vector<16xi32>
      %add3A_790 = arith.addi %get3A_789, %mul3A_5 : vector<16xi32>
      %swap3A_791 = arith.constant 1 : i32
      %swap3A_792 = arith.index_cast %swap3A_791 : i32 to index
      %swap3A_793 = arith.constant 112 : index
      %swap3A_794 = tpu.vector_load %arg6[%swap3A_792, %swap3A_793] {strides = array<i32>} : memref<4x128xi32, #tpu.memory_space<vmem>>, vector<1x16xi32>,
      %swap3A_795 = vector.shape_cast %swap3A_794 : vector<1x16xi32> to vector<16xi32>
      %swap3A_796 = vector.shape_cast %add3A_790 : vector<16xi32> to vector<1x16xi32>
      tpu.vector_store %arg6[%swap3A_792, %swap3A_793], %swap3A_796 {strides = array<i32>} : memref<4x128xi32, #tpu.memory_space<vmem>>, vector<1x16xi32>,
      %get3A_797 = arith.constant 2 : i32
      %get3A_798 = arith.index_cast %get3A_797 : i32 to index
      %get3A_799 = arith.constant 0 : index
      %get3A_800 = tpu.vector_load %arg6[%get3A_798, %get3A_799] {strides = array<i32>} : memref<4x128xi32, #tpu.memory_space<vmem>>, vector<1x16xi32>,
      %get3A_801 = vector.shape_cast %get3A_800 : vector<1x16xi32> to vector<16xi32>
      %add3A_802 = arith.addi %get3A_801, %mul3A_5 : vector<16xi32>
      %swap3A_803 = arith.constant 2 : i32
      %swap3A_804 = arith.index_cast %swap3A_803 : i32 to index
      %swap3A_805 = arith.constant 0 : index
      %swap3A_806 = tpu.vector_load %arg6[%swap3A_804, %swap3A_805] {strides = array<i32>} : memref<4x128xi32, #tpu.memory_space<vmem>>, vector<1x16xi32>,
      %swap3A_807 = vector.shape_cast %swap3A_806 : vector<1x16xi32> to vector<16xi32>
      %swap3A_808 = vector.shape_cast %add3A_802 : vector<16xi32> to vector<1x16xi32>
      tpu.vector_store %arg6[%swap3A_804, %swap3A_805], %swap3A_808 {strides = array<i32>} : memref<4x128xi32, #tpu.memory_space<vmem>>, vector<1x16xi32>,
      %get3A_809 = arith.constant 2 : i32
      %get3A_810 = arith.index_cast %get3A_809 : i32 to index
      %get3A_811 = arith.constant 16 : index
      %get3A_812 = tpu.vector_load %arg6[%get3A_810, %get3A_811] {strides = array<i32>} : memref<4x128xi32, #tpu.memory_space<vmem>>, vector<1x16xi32>,
      %get3A_813 = vector.shape_cast %get3A_812 : vector<1x16xi32> to vector<16xi32>
      %add3A_814 = arith.addi %get3A_813, %mul3A_5 : vector<16xi32>
      %swap3A_815 = arith.constant 2 : i32
      %swap3A_816 = arith.index_cast %swap3A_815 : i32 to index
      %swap3A_817 = arith.constant 16 : index
      %swap3A_818 = tpu.vector_load %arg6[%swap3A_816, %swap3A_817] {strides = array<i32>} : memref<4x128xi32, #tpu.memory_space<vmem>>, vector<1x16xi32>,
      %swap3A_819 = vector.shape_cast %swap3A_818 : vector<1x16xi32> to vector<16xi32>
      %swap3A_820 = vector.shape_cast %add3A_814 : vector<16xi32> to vector<1x16xi32>
      tpu.vector_store %arg6[%swap3A_816, %swap3A_817], %swap3A_820 {strides = array<i32>} : memref<4x128xi32, #tpu.memory_space<vmem>>, vector<1x16xi32>,
      %get3A_821 = arith.constant 2 : i32
      %get3A_822 = arith.index_cast %get3A_821 : i32 to index
      %get3A_823 = arith.constant 32 : index
      %get3A_824 = tpu.vector_load %arg6[%get3A_822, %get3A_823] {strides = array<i32>} : memref<4x128xi32, #tpu.memory_space<vmem>>, vector<1x16xi32>,
      %get3A_825 = vector.shape_cast %get3A_824 : vector<1x16xi32> to vector<16xi32>
      %add3A_826 = arith.addi %get3A_825, %mul3A_5 : vector<16xi32>
      %swap3A_827 = arith.constant 2 : i32
      %swap3A_828 = arith.index_cast %swap3A_827 : i32 to index
      %swap3A_829 = arith.constant 32 : index
      %swap3A_830 = tpu.vector_load %arg6[%swap3A_828, %swap3A_829] {strides = array<i32>} : memref<4x128xi32, #tpu.memory_space<vmem>>, vector<1x16xi32>,
      %swap3A_831 = vector.shape_cast %swap3A_830 : vector<1x16xi32> to vector<16xi32>
      %swap3A_832 = vector.shape_cast %add3A_826 : vector<16xi32> to vector<1x16xi32>
      tpu.vector_store %arg6[%swap3A_828, %swap3A_829], %swap3A_832 {strides = array<i32>} : memref<4x128xi32, #tpu.memory_space<vmem>>, vector<1x16xi32>,
      %get3A_833 = arith.constant 2 : i32
      %get3A_834 = arith.index_cast %get3A_833 : i32 to index
      %get3A_835 = arith.constant 48 : index
      %get3A_836 = tpu.vector_load %arg6[%get3A_834, %get3A_835] {strides = array<i32>} : memref<4x128xi32, #tpu.memory_space<vmem>>, vector<1x16xi32>,
      %get3A_837 = vector.shape_cast %get3A_836 : vector<1x16xi32> to vector<16xi32>
      %add3A_838 = arith.addi %get3A_837, %mul3A_5 : vector<16xi32>
      %swap3A_839 = arith.constant 2 : i32
      %swap3A_840 = arith.index_cast %swap3A_839 : i32 to index
      %swap3A_841 = arith.constant 48 : index
      %swap3A_842 = tpu.vector_load %arg6[%swap3A_840, %swap3A_841] {strides = array<i32>} : memref<4x128xi32, #tpu.memory_space<vmem>>, vector<1x16xi32>,
      %swap3A_843 = vector.shape_cast %swap3A_842 : vector<1x16xi32> to vector<16xi32>
      %swap3A_844 = vector.shape_cast %add3A_838 : vector<16xi32> to vector<1x16xi32>
      tpu.vector_store %arg6[%swap3A_840, %swap3A_841], %swap3A_844 {strides = array<i32>} : memref<4x128xi32, #tpu.memory_space<vmem>>, vector<1x16xi32>,
      %get3A_845 = arith.constant 2 : i32
      %get3A_846 = arith.index_cast %get3A_845 : i32 to index
      %get3A_847 = arith.constant 64 : index
      %get3A_848 = tpu.vector_load %arg6[%get3A_846, %get3A_847] {strides = array<i32>} : memref<4x128xi32, #tpu.memory_space<vmem>>, vector<1x16xi32>,
      %get3A_849 = vector.shape_cast %get3A_848 : vector<1x16xi32> to vector<16xi32>
      %add3A_850 = arith.addi %get3A_849, %mul3A_5 : vector<16xi32>
      %swap3A_851 = arith.constant 2 : i32
      %swap3A_852 = arith.index_cast %swap3A_851 : i32 to index
      %swap3A_853 = arith.constant 64 : index
      %swap3A_854 = tpu.vector_load %arg6[%swap3A_852, %swap3A_853] {strides = array<i32>} : memref<4x128xi32, #tpu.memory_space<vmem>>, vector<1x16xi32>,
      %swap3A_855 = vector.shape_cast %swap3A_854 : vector<1x16xi32> to vector<16xi32>
      %swap3A_856 = vector.shape_cast %add3A_850 : vector<16xi32> to vector<1x16xi32>
      tpu.vector_store %arg6[%swap3A_852, %swap3A_853], %swap3A_856 {strides = array<i32>} : memref<4x128xi32, #tpu.memory_space<vmem>>, vector<1x16xi32>,
      %get3A_857 = arith.constant 2 : i32
      %get3A_858 = arith.index_cast %get3A_857 : i32 to index
      %get3A_859 = arith.constant 80 : index
      %get3A_860 = tpu.vector_load %arg6[%get3A_858, %get3A_859] {strides = array<i32>} : memref<4x128xi32, #tpu.memory_space<vmem>>, vector<1x16xi32>,
      %get3A_861 = vector.shape_cast %get3A_860 : vector<1x16xi32> to vector<16xi32>
      %add3A_862 = arith.addi %get3A_861, %mul3A_5 : vector<16xi32>
      %swap3A_863 = arith.constant 2 : i32
      %swap3A_864 = arith.index_cast %swap3A_863 : i32 to index
      %swap3A_865 = arith.constant 80 : index
      %swap3A_866 = tpu.vector_load %arg6[%swap3A_864, %swap3A_865] {strides = array<i32>} : memref<4x128xi32, #tpu.memory_space<vmem>>, vector<1x16xi32>,
      %swap3A_867 = vector.shape_cast %swap3A_866 : vector<1x16xi32> to vector<16xi32>
      %swap3A_868 = vector.shape_cast %add3A_862 : vector<16xi32> to vector<1x16xi32>
      tpu.vector_store %arg6[%swap3A_864, %swap3A_865], %swap3A_868 {strides = array<i32>} : memref<4x128xi32, #tpu.memory_space<vmem>>, vector<1x16xi32>,
      %get3A_869 = arith.constant 2 : i32
      %get3A_870 = arith.index_cast %get3A_869 : i32 to index
      %get3A_871 = arith.constant 96 : index
      %get3A_872 = tpu.vector_load %arg6[%get3A_870, %get3A_871] {strides = array<i32>} : memref<4x128xi32, #tpu.memory_space<vmem>>, vector<1x16xi32>,
      %get3A_873 = vector.shape_cast %get3A_872 : vector<1x16xi32> to vector<16xi32>
      %add3A_874 = arith.addi %get3A_873, %mul3A_5 : vector<16xi32>
      %swap3A_875 = arith.constant 2 : i32
      %swap3A_876 = arith.index_cast %swap3A_875 : i32 to index
      %swap3A_877 = arith.constant 96 : index
      %swap3A_878 = tpu.vector_load %arg6[%swap3A_876, %swap3A_877] {strides = array<i32>} : memref<4x128xi32, #tpu.memory_space<vmem>>, vector<1x16xi32>,
      %swap3A_879 = vector.shape_cast %swap3A_878 : vector<1x16xi32> to vector<16xi32>
      %swap3A_880 = vector.shape_cast %add3A_874 : vector<16xi32> to vector<1x16xi32>
      tpu.vector_store %arg6[%swap3A_876, %swap3A_877], %swap3A_880 {strides = array<i32>} : memref<4x128xi32, #tpu.memory_space<vmem>>, vector<1x16xi32>,
      %get3A_881 = arith.constant 2 : i32
      %get3A_882 = arith.index_cast %get3A_881 : i32 to index
      %get3A_883 = arith.constant 112 : index
      %get3A_884 = tpu.vector_load %arg6[%get3A_882, %get3A_883] {strides = array<i32>} : memref<4x128xi32, #tpu.memory_space<vmem>>, vector<1x16xi32>,
      %get3A_885 = vector.shape_cast %get3A_884 : vector<1x16xi32> to vector<16xi32>
      %add3A_886 = arith.addi %get3A_885, %mul3A_5 : vector<16xi32>
      %swap3A_887 = arith.constant 2 : i32
      %swap3A_888 = arith.index_cast %swap3A_887 : i32 to index
      %swap3A_889 = arith.constant 112 : index
      %swap3A_890 = tpu.vector_load %arg6[%swap3A_888, %swap3A_889] {strides = array<i32>} : memref<4x128xi32, #tpu.memory_space<vmem>>, vector<1x16xi32>,
      %swap3A_891 = vector.shape_cast %swap3A_890 : vector<1x16xi32> to vector<16xi32>
      %swap3A_892 = vector.shape_cast %add3A_886 : vector<16xi32> to vector<1x16xi32>
      tpu.vector_store %arg6[%swap3A_888, %swap3A_889], %swap3A_892 {strides = array<i32>} : memref<4x128xi32, #tpu.memory_space<vmem>>, vector<1x16xi32>,
      %get3A_893 = arith.constant 3 : i32
      %get3A_894 = arith.index_cast %get3A_893 : i32 to index
      %get3A_895 = arith.constant 0 : index
      %get3A_896 = tpu.vector_load %arg6[%get3A_894, %get3A_895] {strides = array<i32>} : memref<4x128xi32, #tpu.memory_space<vmem>>, vector<1x16xi32>,
      %get3A_897 = vector.shape_cast %get3A_896 : vector<1x16xi32> to vector<16xi32>
      %add3A_898 = arith.addi %get3A_897, %mul3A_5 : vector<16xi32>
      %swap3A_899 = arith.constant 3 : i32
      %swap3A_900 = arith.index_cast %swap3A_899 : i32 to index
      %swap3A_901 = arith.constant 0 : index
      %swap3A_902 = tpu.vector_load %arg6[%swap3A_900, %swap3A_901] {strides = array<i32>} : memref<4x128xi32, #tpu.memory_space<vmem>>, vector<1x16xi32>,
      %swap3A_903 = vector.shape_cast %swap3A_902 : vector<1x16xi32> to vector<16xi32>
      %swap3A_904 = vector.shape_cast %add3A_898 : vector<16xi32> to vector<1x16xi32>
      tpu.vector_store %arg6[%swap3A_900, %swap3A_901], %swap3A_904 {strides = array<i32>} : memref<4x128xi32, #tpu.memory_space<vmem>>, vector<1x16xi32>,
      %get3A_905 = arith.constant 3 : i32
      %get3A_906 = arith.index_cast %get3A_905 : i32 to index
      %get3A_907 = arith.constant 16 : index
      %get3A_908 = tpu.vector_load %arg6[%get3A_906, %get3A_907] {strides = array<i32>} : memref<4x128xi32, #tpu.memory_space<vmem>>, vector<1x16xi32>,
      %get3A_909 = vector.shape_cast %get3A_908 : vector<1x16xi32> to vector<16xi32>
      %add3A_910 = arith.addi %get3A_909, %mul3A_5 : vector<16xi32>
      %swap3A_911 = arith.constant 3 : i32
      %swap3A_912 = arith.index_cast %swap3A_911 : i32 to index
      %swap3A_913 = arith.constant 16 : index
      %swap3A_914 = tpu.vector_load %arg6[%swap3A_912, %swap3A_913] {strides = array<i32>} : memref<4x128xi32, #tpu.memory_space<vmem>>, vector<1x16xi32>,
      %swap3A_915 = vector.shape_cast %swap3A_914 : vector<1x16xi32> to vector<16xi32>
      %swap3A_916 = vector.shape_cast %add3A_910 : vector<16xi32> to vector<1x16xi32>
      tpu.vector_store %arg6[%swap3A_912, %swap3A_913], %swap3A_916 {strides = array<i32>} : memref<4x128xi32, #tpu.memory_space<vmem>>, vector<1x16xi32>,
      %get3A_917 = arith.constant 3 : i32
      %get3A_918 = arith.index_cast %get3A_917 : i32 to index
      %get3A_919 = arith.constant 32 : index
      %get3A_920 = tpu.vector_load %arg6[%get3A_918, %get3A_919] {strides = array<i32>} : memref<4x128xi32, #tpu.memory_space<vmem>>, vector<1x16xi32>,
      %get3A_921 = vector.shape_cast %get3A_920 : vector<1x16xi32> to vector<16xi32>
      %add3A_922 = arith.addi %get3A_921, %mul3A_5 : vector<16xi32>
      %swap3A_923 = arith.constant 3 : i32
      %swap3A_924 = arith.index_cast %swap3A_923 : i32 to index
      %swap3A_925 = arith.constant 32 : index
      %swap3A_926 = tpu.vector_load %arg6[%swap3A_924, %swap3A_925] {strides = array<i32>} : memref<4x128xi32, #tpu.memory_space<vmem>>, vector<1x16xi32>,
      %swap3A_927 = vector.shape_cast %swap3A_926 : vector<1x16xi32> to vector<16xi32>
      %swap3A_928 = vector.shape_cast %add3A_922 : vector<16xi32> to vector<1x16xi32>
      tpu.vector_store %arg6[%swap3A_924, %swap3A_925], %swap3A_928 {strides = array<i32>} : memref<4x128xi32, #tpu.memory_space<vmem>>, vector<1x16xi32>,
      %get3A_929 = arith.constant 3 : i32
      %get3A_930 = arith.index_cast %get3A_929 : i32 to index
      %get3A_931 = arith.constant 48 : index
      %get3A_932 = tpu.vector_load %arg6[%get3A_930, %get3A_931] {strides = array<i32>} : memref<4x128xi32, #tpu.memory_space<vmem>>, vector<1x16xi32>,
      %get3A_933 = vector.shape_cast %get3A_932 : vector<1x16xi32> to vector<16xi32>
      %add3A_934 = arith.addi %get3A_933, %mul3A_5 : vector<16xi32>
      %swap3A_935 = arith.constant 3 : i32
      %swap3A_936 = arith.index_cast %swap3A_935 : i32 to index
      %swap3A_937 = arith.constant 48 : index
      %swap3A_938 = tpu.vector_load %arg6[%swap3A_936, %swap3A_937] {strides = array<i32>} : memref<4x128xi32, #tpu.memory_space<vmem>>, vector<1x16xi32>,
      %swap3A_939 = vector.shape_cast %swap3A_938 : vector<1x16xi32> to vector<16xi32>
      %swap3A_940 = vector.shape_cast %add3A_934 : vector<16xi32> to vector<1x16xi32>
      tpu.vector_store %arg6[%swap3A_936, %swap3A_937], %swap3A_940 {strides = array<i32>} : memref<4x128xi32, #tpu.memory_space<vmem>>, vector<1x16xi32>,
      %get3A_941 = arith.constant 3 : i32
      %get3A_942 = arith.index_cast %get3A_941 : i32 to index
      %get3A_943 = arith.constant 64 : index
      %get3A_944 = tpu.vector_load %arg6[%get3A_942, %get3A_943] {strides = array<i32>} : memref<4x128xi32, #tpu.memory_space<vmem>>, vector<1x16xi32>,
      %get3A_945 = vector.shape_cast %get3A_944 : vector<1x16xi32> to vector<16xi32>
      %add3A_946 = arith.addi %get3A_945, %mul3A_5 : vector<16xi32>
      %swap3A_947 = arith.constant 3 : i32
      %swap3A_948 = arith.index_cast %swap3A_947 : i32 to index
      %swap3A_949 = arith.constant 64 : index
      %swap3A_950 = tpu.vector_load %arg6[%swap3A_948, %swap3A_949] {strides = array<i32>} : memref<4x128xi32, #tpu.memory_space<vmem>>, vector<1x16xi32>,
      %swap3A_951 = vector.shape_cast %swap3A_950 : vector<1x16xi32> to vector<16xi32>
      %swap3A_952 = vector.shape_cast %add3A_946 : vector<16xi32> to vector<1x16xi32>
      tpu.vector_store %arg6[%swap3A_948, %swap3A_949], %swap3A_952 {strides = array<i32>} : memref<4x128xi32, #tpu.memory_space<vmem>>, vector<1x16xi32>,
      %get3A_953 = arith.constant 3 : i32
      %get3A_954 = arith.index_cast %get3A_953 : i32 to index
      %get3A_955 = arith.constant 80 : index
      %get3A_956 = tpu.vector_load %arg6[%get3A_954, %get3A_955] {strides = array<i32>} : memref<4x128xi32, #tpu.memory_space<vmem>>, vector<1x16xi32>,
      %get3A_957 = vector.shape_cast %get3A_956 : vector<1x16xi32> to vector<16xi32>
      %add3A_958 = arith.addi %get3A_957, %mul3A_5 : vector<16xi32>
      %swap3A_959 = arith.constant 3 : i32
      %swap3A_960 = arith.index_cast %swap3A_959 : i32 to index
      %swap3A_961 = arith.constant 80 : index
      %swap3A_962 = tpu.vector_load %arg6[%swap3A_960, %swap3A_961] {strides = array<i32>} : memref<4x128xi32, #tpu.memory_space<vmem>>, vector<1x16xi32>,
      %swap3A_963 = vector.shape_cast %swap3A_962 : vector<1x16xi32> to vector<16xi32>
      %swap3A_964 = vector.shape_cast %add3A_958 : vector<16xi32> to vector<1x16xi32>
      tpu.vector_store %arg6[%swap3A_960, %swap3A_961], %swap3A_964 {strides = array<i32>} : memref<4x128xi32, #tpu.memory_space<vmem>>, vector<1x16xi32>,
      %get3A_965 = arith.constant 3 : i32
      %get3A_966 = arith.index_cast %get3A_965 : i32 to index
      %get3A_967 = arith.constant 96 : index
      %get3A_968 = tpu.vector_load %arg6[%get3A_966, %get3A_967] {strides = array<i32>} : memref<4x128xi32, #tpu.memory_space<vmem>>, vector<1x16xi32>,
      %get3A_969 = vector.shape_cast %get3A_968 : vector<1x16xi32> to vector<16xi32>
      %add3A_970 = arith.addi %get3A_969, %mul3A_5 : vector<16xi32>
      %swap3A_971 = arith.constant 3 : i32
      %swap3A_972 = arith.index_cast %swap3A_971 : i32 to index
      %swap3A_973 = arith.constant 96 : index
      %swap3A_974 = tpu.vector_load %arg6[%swap3A_972, %swap3A_973] {strides = array<i32>} : memref<4x128xi32, #tpu.memory_space<vmem>>, vector<1x16xi32>,
      %swap3A_975 = vector.shape_cast %swap3A_974 : vector<1x16xi32> to vector<16xi32>
      %swap3A_976 = vector.shape_cast %add3A_970 : vector<16xi32> to vector<1x16xi32>
      tpu.vector_store %arg6[%swap3A_972, %swap3A_973], %swap3A_976 {strides = array<i32>} : memref<4x128xi32, #tpu.memory_space<vmem>>, vector<1x16xi32>,
      %get3A_977 = arith.constant 3 : i32
      %get3A_978 = arith.index_cast %get3A_977 : i32 to index
      %get3A_979 = arith.constant 112 : index
      %get3A_980 = tpu.vector_load %arg6[%get3A_978, %get3A_979] {strides = array<i32>} : memref<4x128xi32, #tpu.memory_space<vmem>>, vector<1x16xi32>,
      %get3A_981 = vector.shape_cast %get3A_980 : vector<1x16xi32> to vector<16xi32>
      %add3A_982 = arith.addi %get3A_981, %mul3A_5 : vector<16xi32>
      %swap3A_983 = arith.constant 3 : i32
      %swap3A_984 = arith.index_cast %swap3A_983 : i32 to index
      %swap3A_985 = arith.constant 112 : index
      %swap3A_986 = tpu.vector_load %arg6[%swap3A_984, %swap3A_985] {strides = array<i32>} : memref<4x128xi32, #tpu.memory_space<vmem>>, vector<1x16xi32>,
      %swap3A_987 = vector.shape_cast %swap3A_986 : vector<1x16xi32> to vector<16xi32>
      %swap3A_988 = vector.shape_cast %add3A_982 : vector<16xi32> to vector<1x16xi32>
      tpu.vector_store %arg6[%swap3A_984, %swap3A_985], %swap3A_988 {strides = array<i32>} : memref<4x128xi32, #tpu.memory_space<vmem>>, vector<1x16xi32>,
      %dma_start3A_989 = arith.constant 0 : i32
      %dma_start3A_990 = arith.constant 0 : i32
      %dma_start3A_991 = arith.constant 0 : i32
      %dma_start3A_992 = tpu.memref_slice %arg8[%dma_start3A_990, %dma_start3A_991] : memref<512x64xf32, #tpu.memory_space<vmem>> -> memref<128x64xf32, #tpu.memory_space<vmem>>
      %dma_start3A_993 = arith.constant 0 : i32
      %dma_start3A_994 = tpu.memref_slice %arg6[%dma_start3A_989, %dma_start3A_993] : memref<4x128xi32, #tpu.memory_space<vmem>> -> memref<1x128xi32, #tpu.memory_space<vmem>>
      %dma_start3A_995 = tpu.memref_squeeze %dma_start3A_994 : memref<1x128xi32, #tpu.memory_space<vmem>> -> memref<128xi32, #tpu.memory_space<vmem>>
      %dma_start3A_996 = arith.constant 0 : i32
      %dma_start3A_997 = arith.constant 0 : i32
      %dma_start3A_998 = tpu.memref_slice %arg3[%dma_start3A_996, %dma_start3A_997] : memref<400000x64xf32, #tpu.memory_space<hbm>> -> memref<400000x64xf32, #tpu.memory_space<hbm>>
      tpu.enqueue_indirect_dma source(%dma_start3A_998 : memref<400000x64xf32, #tpu.memory_space<hbm>>) target(%dma_start3A_992 : memref<128x64xf32, #tpu.memory_space<vmem>>) offsets(%dma_start3A_995 : memref<128xi32, #tpu.memory_space<vmem>>) semaphore(%arg12 : memref<!tpu.dma_semaphore, #tpu.memory_space<semaphore_mem>>)
      %dma_start3A_999 = arith.constant 1 : i32
      %dma_start3A_1000 = arith.constant 128 : i32
      %dma_start3A_1001 = arith.constant 0 : i32
      %dma_start3A_1002 = tpu.memref_slice %arg8[%dma_start3A_1000, %dma_start3A_1001] : memref<512x64xf32, #tpu.memory_space<vmem>> -> memref<128x64xf32, #tpu.memory_space<vmem>>
      %dma_start3A_1003 = arith.constant 0 : i32
      %dma_start3A_1004 = tpu.memref_slice %arg6[%dma_start3A_999, %dma_start3A_1003] : memref<4x128xi32, #tpu.memory_space<vmem>> -> memref<1x128xi32, #tpu.memory_space<vmem>>
      %dma_start3A_1005 = tpu.memref_squeeze %dma_start3A_1004 : memref<1x128xi32, #tpu.memory_space<vmem>> -> memref<128xi32, #tpu.memory_space<vmem>>
      %dma_start3A_1006 = arith.constant 0 : i32
      %dma_start3A_1007 = arith.constant 0 : i32
      %dma_start3A_1008 = tpu.memref_slice %arg3[%dma_start3A_1006, %dma_start3A_1007] : memref<400000x64xf32, #tpu.memory_space<hbm>> -> memref<400000x64xf32, #tpu.memory_space<hbm>>
      tpu.enqueue_indirect_dma source(%dma_start3A_1008 : memref<400000x64xf32, #tpu.memory_space<hbm>>) target(%dma_start3A_1002 : memref<128x64xf32, #tpu.memory_space<vmem>>) offsets(%dma_start3A_1005 : memref<128xi32, #tpu.memory_space<vmem>>) semaphore(%arg12 : memref<!tpu.dma_semaphore, #tpu.memory_space<semaphore_mem>>)
      %dma_start3A_1009 = arith.constant 2 : i32
      %dma_start3A_1010 = arith.constant 256 : i32
      %dma_start3A_1011 = arith.constant 0 : i32
      %dma_start3A_1012 = tpu.memref_slice %arg8[%dma_start3A_1010, %dma_start3A_1011] : memref<512x64xf32, #tpu.memory_space<vmem>> -> memref<128x64xf32, #tpu.memory_space<vmem>>
      %dma_start3A_1013 = arith.constant 0 : i32
      %dma_start3A_1014 = tpu.memref_slice %arg6[%dma_start3A_1009, %dma_start3A_1013] : memref<4x128xi32, #tpu.memory_space<vmem>> -> memref<1x128xi32, #tpu.memory_space<vmem>>
      %dma_start3A_1015 = tpu.memref_squeeze %dma_start3A_1014 : memref<1x128xi32, #tpu.memory_space<vmem>> -> memref<128xi32, #tpu.memory_space<vmem>>
      %dma_start3A_1016 = arith.constant 0 : i32
      %dma_start3A_1017 = arith.constant 0 : i32
      %dma_start3A_1018 = tpu.memref_slice %arg3[%dma_start3A_1016, %dma_start3A_1017] : memref<400000x64xf32, #tpu.memory_space<hbm>> -> memref<400000x64xf32, #tpu.memory_space<hbm>>
      tpu.enqueue_indirect_dma source(%dma_start3A_1018 : memref<400000x64xf32, #tpu.memory_space<hbm>>) target(%dma_start3A_1012 : memref<128x64xf32, #tpu.memory_space<vmem>>) offsets(%dma_start3A_1015 : memref<128xi32, #tpu.memory_space<vmem>>) semaphore(%arg12 : memref<!tpu.dma_semaphore, #tpu.memory_space<semaphore_mem>>)
      %dma_start3A_1019 = arith.constant 3 : i32
      %dma_start3A_1020 = arith.constant 384 : i32
      %dma_start3A_1021 = arith.constant 0 : i32
      %dma_start3A_1022 = tpu.memref_slice %arg8[%dma_start3A_1020, %dma_start3A_1021] : memref<512x64xf32, #tpu.memory_space<vmem>> -> memref<128x64xf32, #tpu.memory_space<vmem>>
      %dma_start3A_1023 = arith.constant 0 : i32
      %dma_start3A_1024 = tpu.memref_slice %arg6[%dma_start3A_1019, %dma_start3A_1023] : memref<4x128xi32, #tpu.memory_space<vmem>> -> memref<1x128xi32, #tpu.memory_space<vmem>>
      %dma_start3A_1025 = tpu.memref_squeeze %dma_start3A_1024 : memref<1x128xi32, #tpu.memory_space<vmem>> -> memref<128xi32, #tpu.memory_space<vmem>>
      %dma_start3A_1026 = arith.constant 0 : i32
      %dma_start3A_1027 = arith.constant 0 : i32
      %dma_start3A_1028 = tpu.memref_slice %arg3[%dma_start3A_1026, %dma_start3A_1027] : memref<400000x64xf32, #tpu.memory_space<hbm>> -> memref<400000x64xf32, #tpu.memory_space<hbm>>
      tpu.enqueue_indirect_dma source(%dma_start3A_1028 : memref<400000x64xf32, #tpu.memory_space<hbm>>) target(%dma_start3A_1022 : memref<128x64xf32, #tpu.memory_space<vmem>>) offsets(%dma_start3A_1025 : memref<128xi32, #tpu.memory_space<vmem>>) semaphore(%arg12 : memref<!tpu.dma_semaphore, #tpu.memory_space<semaphore_mem>>)
      %dma_wait3A_1029 = arith.constant 0 : i32
      %dma_wait3A_1030 = arith.constant 0 : i32
      %dma_wait3A_1031 = arith.constant 0 : i32
      %dma_wait3A_1032 = tpu.memref_slice %arg7[%dma_wait3A_1030, %dma_wait3A_1031] : memref<512x64xf32, #tpu.memory_space<vmem>> -> memref<128x64xf32, #tpu.memory_space<vmem>>
      %dma_wait3A_1033 = arith.constant 0 : i32
      %dma_wait3A_1034 = tpu.memref_slice %arg5[%dma_wait3A_1029, %dma_wait3A_1033] : memref<4x128xi32, #tpu.memory_space<vmem>> -> memref<1x128xi32, #tpu.memory_space<vmem>>
      %dma_wait3A_1035 = tpu.memref_squeeze %dma_wait3A_1034 : memref<1x128xi32, #tpu.memory_space<vmem>> -> memref<128xi32, #tpu.memory_space<vmem>>
      %dma_wait3A_1036 = arith.constant 0 : i32
      %dma_wait3A_1037 = arith.constant 0 : i32
      %dma_wait3A_1038 = tpu.memref_slice %arg3[%dma_wait3A_1036, %dma_wait3A_1037] : memref<400000x64xf32, #tpu.memory_space<hbm>> -> memref<400000x64xf32, #tpu.memory_space<hbm>>
      tpu.wait_indirect_dma semaphore(%arg11 : memref<!tpu.dma_semaphore, #tpu.memory_space<semaphore_mem>>) src(%dma_wait3A_1038 : memref<400000x64xf32, #tpu.memory_space<hbm>>) dst(%dma_wait3A_1032 : memref<128x64xf32, #tpu.memory_space<vmem>>)
      %dma_wait3A_1039 = arith.constant 1 : i32
      %dma_wait3A_1040 = arith.constant 128 : i32
      %dma_wait3A_1041 = arith.constant 0 : i32
      %dma_wait3A_1042 = tpu.memref_slice %arg7[%dma_wait3A_1040, %dma_wait3A_1041] : memref<512x64xf32, #tpu.memory_space<vmem>> -> memref<128x64xf32, #tpu.memory_space<vmem>>
      %dma_wait3A_1043 = arith.constant 0 : i32
      %dma_wait3A_1044 = tpu.memref_slice %arg5[%dma_wait3A_1039, %dma_wait3A_1043] : memref<4x128xi32, #tpu.memory_space<vmem>> -> memref<1x128xi32, #tpu.memory_space<vmem>>
      %dma_wait3A_1045 = tpu.memref_squeeze %dma_wait3A_1044 : memref<1x128xi32, #tpu.memory_space<vmem>> -> memref<128xi32, #tpu.memory_space<vmem>>
      %dma_wait3A_1046 = arith.constant 0 : i32
      %dma_wait3A_1047 = arith.constant 0 : i32
      %dma_wait3A_1048 = tpu.memref_slice %arg3[%dma_wait3A_1046, %dma_wait3A_1047] : memref<400000x64xf32, #tpu.memory_space<hbm>> -> memref<400000x64xf32, #tpu.memory_space<hbm>>
      tpu.wait_indirect_dma semaphore(%arg11 : memref<!tpu.dma_semaphore, #tpu.memory_space<semaphore_mem>>) src(%dma_wait3A_1048 : memref<400000x64xf32, #tpu.memory_space<hbm>>) dst(%dma_wait3A_1042 : memref<128x64xf32, #tpu.memory_space<vmem>>)
      %dma_wait3A_1049 = arith.constant 2 : i32
      %dma_wait3A_1050 = arith.constant 256 : i32
      %dma_wait3A_1051 = arith.constant 0 : i32
      %dma_wait3A_1052 = tpu.memref_slice %arg7[%dma_wait3A_1050, %dma_wait3A_1051] : memref<512x64xf32, #tpu.memory_space<vmem>> -> memref<128x64xf32, #tpu.memory_space<vmem>>
      %dma_wait3A_1053 = arith.constant 0 : i32
      %dma_wait3A_1054 = tpu.memref_slice %arg5[%dma_wait3A_1049, %dma_wait3A_1053] : memref<4x128xi32, #tpu.memory_space<vmem>> -> memref<1x128xi32, #tpu.memory_space<vmem>>
      %dma_wait3A_1055 = tpu.memref_squeeze %dma_wait3A_1054 : memref<1x128xi32, #tpu.memory_space<vmem>> -> memref<128xi32, #tpu.memory_space<vmem>>
      %dma_wait3A_1056 = arith.constant 0 : i32
      %dma_wait3A_1057 = arith.constant 0 : i32
      %dma_wait3A_1058 = tpu.memref_slice %arg3[%dma_wait3A_1056, %dma_wait3A_1057] : memref<400000x64xf32, #tpu.memory_space<hbm>> -> memref<400000x64xf32, #tpu.memory_space<hbm>>
      tpu.wait_indirect_dma semaphore(%arg11 : memref<!tpu.dma_semaphore, #tpu.memory_space<semaphore_mem>>) src(%dma_wait3A_1058 : memref<400000x64xf32, #tpu.memory_space<hbm>>) dst(%dma_wait3A_1052 : memref<128x64xf32, #tpu.memory_space<vmem>>)
      %dma_wait3A_1059 = arith.constant 3 : i32
      %dma_wait3A_1060 = arith.constant 384 : i32
      %dma_wait3A_1061 = arith.constant 0 : i32
      %dma_wait3A_1062 = tpu.memref_slice %arg7[%dma_wait3A_1060, %dma_wait3A_1061] : memref<512x64xf32, #tpu.memory_space<vmem>> -> memref<128x64xf32, #tpu.memory_space<vmem>>
      %dma_wait3A_1063 = arith.constant 0 : i32
      %dma_wait3A_1064 = tpu.memref_slice %arg5[%dma_wait3A_1059, %dma_wait3A_1063] : memref<4x128xi32, #tpu.memory_space<vmem>> -> memref<1x128xi32, #tpu.memory_space<vmem>>
      %dma_wait3A_1065 = tpu.memref_squeeze %dma_wait3A_1064 : memref<1x128xi32, #tpu.memory_space<vmem>> -> memref<128xi32, #tpu.memory_space<vmem>>
      %dma_wait3A_1066 = arith.constant 0 : i32
      %dma_wait3A_1067 = arith.constant 0 : i32
      %dma_wait3A_1068 = tpu.memref_slice %arg3[%dma_wait3A_1066, %dma_wait3A_1067] : memref<400000x64xf32, #tpu.memory_space<hbm>> -> memref<400000x64xf32, #tpu.memory_space<hbm>>
      tpu.wait_indirect_dma semaphore(%arg11 : memref<!tpu.dma_semaphore, #tpu.memory_space<semaphore_mem>>) src(%dma_wait3A_1068 : memref<400000x64xf32, #tpu.memory_space<hbm>>) dst(%dma_wait3A_1062 : memref<128x64xf32, #tpu.memory_space<vmem>>)
      %mul3A_1069 = arith.constant 2 : i32
      %mul3A_1070 = arith.muli %mul3A_1069, %scan3A_558 : i32
      %add3A_1071 = arith.constant 2 : i32
      %add3A_1072 = arith.addi %mul3A_1070, %add3A_1071 : i32
      %lt3A = arith.constant 200 : i32
      %lt3A_1073 = arith.cmpi slt, %add3A_1072, %lt3A : i32
      %convert_element_type3A = arith.extui %lt3A_1073 : i1 to i32
      %cond3A = arith.constant 0 : i32
      %cond3A_1074 = arith.cmpi ne, %convert_element_type3A, %cond3A : i32
      scf.if %cond3A_1074 {
        %mul3A_1216 = arith.constant 4 : i32
        %mul3A_1217 = arith.muli %multiple_of3A_570, %mul3A_1216 : i32
        %jit3A_1218 = arith.constant 128 : i32
        %div3A_1219 = arith.divsi %mul3A_1217, %jit3A_1218 : i32
        %sign3A_1220 = arith.constant 0 : i32
        %sign3A_1221 = arith.cmpi sgt, %mul3A_1217, %sign3A_1220 : i32
        %sign3A_1222 = arith.extui %sign3A_1221 : i1 to i32
        %sign3A_1223 = arith.constant 0 : i32
        %sign3A_1224 = arith.cmpi slt, %mul3A_1217, %sign3A_1223 : i32
        %sign3A_1225 = arith.extui %sign3A_1224 : i1 to i32
        %sign3A_1226 = arith.subi %sign3A_1222, %sign3A_1225 : i32
        %sign3A_1227 = arith.constant 0 : i32
        %sign3A_1228 = arith.cmpi sgt, %jit3A_1218, %sign3A_1227 : i32
        %sign3A_1229 = arith.extui %sign3A_1228 : i1 to i32
        %sign3A_1230 = arith.constant 0 : i32
        %sign3A_1231 = arith.cmpi slt, %jit3A_1218, %sign3A_1230 : i32
        %sign3A_1232 = arith.extui %sign3A_1231 : i1 to i32
        %sign3A_1233 = arith.subi %sign3A_1229, %sign3A_1232 : i32
        %ne3A_1234 = arith.cmpi ne, %sign3A_1226, %sign3A_1233 : i32
        %rem3A_1235 = arith.remsi %mul3A_1217, %jit3A_1218 : i32
        %ne3A_1236 = arith.constant 0 : i32
        %ne3A_1237 = arith.cmpi ne, %rem3A_1235, %ne3A_1236 : i32
        %and3A_1238 = arith.andi %ne3A_1234, %ne3A_1237 : i1
        %sub3A_1239 = arith.constant 1 : i32
        %sub3A_1240 = arith.subi %div3A_1219, %sub3A_1239 : i32
        %select_n3A_1241 = arith.select %and3A_1238, %sub3A_1240, %div3A_1219 : i32
        %multiple_of3A_1242 = tpu.assume_multiple %select_n3A_1241, 4 : i32
        %dma_start3A_1243 = arith.constant 0 : i32
        %dma_start3A_1244 = tpu.memref_slice %arg2[%multiple_of3A_1242, %dma_start3A_1243] : memref<25600x128xi32, #tpu.memory_space<hbm>> -> memref<4x128xi32, #tpu.memory_space<hbm>>
        %dma_start3A_1245 = arith.constant 0 : i32
        %dma_start3A_1246 = tpu.memref_slice %arg2[%multiple_of3A_1242, %dma_start3A_1245] : memref<25600x128xi32, #tpu.memory_space<hbm>> -> memref<4x128xi32, #tpu.memory_space<hbm>>
        tpu.enqueue_dma source(%dma_start3A_1246 : memref<4x128xi32, #tpu.memory_space<hbm>>) target(%arg5 : memref<4x128xi32, #tpu.memory_space<vmem>>) target_semaphore(%arg15 : memref<!tpu.dma_semaphore, #tpu.memory_space<semaphore_mem>>)
      } else {
      }
      %gt3A = arith.constant 0 : i32
      %gt3A_1075 = arith.cmpi sgt, %scan3A_558, %gt3A : i32
      %mul3A_1076 = arith.constant 64 : i32
      %mul3A_1077 = arith.muli %multiple_of3A_564, %mul3A_1076 : i32
      %jit3A_1078 = arith.constant 128 : i32
      %div3A_1079 = arith.divsi %mul3A_1077, %jit3A_1078 : i32
      %sign3A_1080 = arith.constant 0 : i32
      %sign3A_1081 = arith.cmpi sgt, %mul3A_1077, %sign3A_1080 : i32
      %sign3A_1082 = arith.extui %sign3A_1081 : i1 to i32
      %sign3A_1083 = arith.constant 0 : i32
      %sign3A_1084 = arith.cmpi slt, %mul3A_1077, %sign3A_1083 : i32
      %sign3A_1085 = arith.extui %sign3A_1084 : i1 to i32
      %sign3A_1086 = arith.subi %sign3A_1082, %sign3A_1085 : i32
      %sign3A_1087 = arith.constant 0 : i32
      %sign3A_1088 = arith.cmpi sgt, %jit3A_1078, %sign3A_1087 : i32
      %sign3A_1089 = arith.extui %sign3A_1088 : i1 to i32
      %sign3A_1090 = arith.constant 0 : i32
      %sign3A_1091 = arith.cmpi slt, %jit3A_1078, %sign3A_1090 : i32
      %sign3A_1092 = arith.extui %sign3A_1091 : i1 to i32
      %sign3A_1093 = arith.subi %sign3A_1089, %sign3A_1092 : i32
      %ne3A_1094 = arith.cmpi ne, %sign3A_1086, %sign3A_1093 : i32
      %rem3A_1095 = arith.remsi %mul3A_1077, %jit3A_1078 : i32
      %ne3A_1096 = arith.constant 0 : i32
      %ne3A_1097 = arith.cmpi ne, %rem3A_1095, %ne3A_1096 : i32
      %and3A_1098 = arith.andi %ne3A_1094, %ne3A_1097 : i1
      %sub3A_1099 = arith.constant 1 : i32
      %sub3A_1100 = arith.subi %div3A_1079, %sub3A_1099 : i32
      %select_n3A_1101 = arith.select %and3A_1098, %sub3A_1100, %div3A_1079 : i32
      %multiple_of3A_1102 = tpu.assume_multiple %select_n3A_1101, 64 : i32
      %convert_element_type3A_1103 = arith.extui %gt3A_1075 : i1 to i32
      %cond3A_1104 = arith.constant 0 : i32
      %cond3A_1105 = arith.cmpi ne, %convert_element_type3A_1103, %cond3A_1104 : i32
      scf.if %cond3A_1105 {
        %dma_wait3A_1216 = arith.constant 0 : i32
        %dma_wait3A_1217 = tpu.memref_slice %arg4[%multiple_of3A_1102, %dma_wait3A_1216] : memref<409600x128xf32, #tpu.memory_space<hbm>> -> memref<64x128xf32, #tpu.memory_space<hbm>>
        %dma_wait3A_1218 = arith.constant 0 : i32
        %dma_wait3A_1219 = tpu.memref_slice %arg4[%multiple_of3A_1102, %dma_wait3A_1218] : memref<409600x128xf32, #tpu.memory_space<hbm>> -> memref<64x128xf32, #tpu.memory_space<hbm>>
        tpu.wait_dma2 semaphore(%arg13 : memref<!tpu.dma_semaphore, #tpu.memory_space<semaphore_mem>>) src(%arg9 : memref<64x128xf32, #tpu.memory_space<vmem>>) dst(%dma_wait3A_1219 : memref<64x128xf32, #tpu.memory_space<hbm>>)
      } else {
      }
      %scan3A_1106 = arith.constant 0 : i32
      %scan3A_1107 = arith.constant 0 : i32
      %scan3A_1108 = arith.constant 64 : i32
      %scan3A_1109 = arith.addi %scan3A_1107, %scan3A_1108 : i32
      %scan3A_1110 = arith.constant 1 : i32
      scf.for %scan3A_1216 = %scan3A_1107 to %scan3A_1109 step %scan3A_1110  : i32 {
        %mul3A_1217 = arith.constant 2 : i32
        %mul3A_1218 = arith.muli %scan3A_1216, %mul3A_1217 : i32
        %add3A_1219 = arith.constant 0 : i32
        %add3A_1220 = arith.addi %mul3A_1218, %add3A_1219 : i32
        %mul3A_1221 = arith.constant 4 : i32
        %mul3A_1222 = arith.muli %add3A_1220, %mul3A_1221 : i32
        %get3A_1223 = arith.index_cast %mul3A_1222 : i32 to index
        %get3A_1224 = arith.constant 0 : index
        %get3A_1225 = tpu.vector_load %arg7[%get3A_1223, %get3A_1224] {strides = array<i32>} : memref<512x64xf32, #tpu.memory_space<vmem>>, vector<1x16xf32>,
        %get3A_1226 = vector.shape_cast %get3A_1225 : vector<1x16xf32> to vector<16xf32>
        %add3A_1227 = arith.constant 1 : i32
        %add3A_1228 = arith.addi %mul3A_1222, %add3A_1227 : i32
        %get3A_1229 = arith.index_cast %add3A_1228 : i32 to index
        %get3A_1230 = arith.constant 0 : index
        %get3A_1231 = tpu.vector_load %arg7[%get3A_1229, %get3A_1230] {strides = array<i32>} : memref<512x64xf32, #tpu.memory_space<vmem>>, vector<1x16xf32>,
        %get3A_1232 = vector.shape_cast %get3A_1231 : vector<1x16xf32> to vector<16xf32>
        %add3A_1233 = arith.addf %get3A_1226, %get3A_1232 : vector<16xf32>
        %add3A_1234 = arith.constant 2 : i32
        %add3A_1235 = arith.addi %mul3A_1222, %add3A_1234 : i32
        %get3A_1236 = arith.index_cast %add3A_1235 : i32 to index
        %get3A_1237 = arith.constant 0 : index
        %get3A_1238 = tpu.vector_load %arg7[%get3A_1236, %get3A_1237] {strides = array<i32>} : memref<512x64xf32, #tpu.memory_space<vmem>>, vector<1x16xf32>,
        %get3A_1239 = vector.shape_cast %get3A_1238 : vector<1x16xf32> to vector<16xf32>
        %add3A_1240 = arith.constant 3 : i32
        %add3A_1241 = arith.addi %mul3A_1222, %add3A_1240 : i32
        %get3A_1242 = arith.index_cast %add3A_1241 : i32 to index
        %get3A_1243 = arith.constant 0 : index
        %get3A_1244 = tpu.vector_load %arg7[%get3A_1242, %get3A_1243] {strides = array<i32>} : memref<512x64xf32, #tpu.memory_space<vmem>>, vector<1x16xf32>,
        %get3A_1245 = vector.shape_cast %get3A_1244 : vector<1x16xf32> to vector<16xf32>
        %add3A_1246 = arith.addf %get3A_1239, %get3A_1245 : vector<16xf32>
        %add3A_1247 = arith.addf %add3A_1233, %add3A_1246 : vector<16xf32>
        %swap3A_1248 = arith.index_cast %scan3A_1216 : i32 to index
        %swap3A_1249 = arith.constant 0 : index
        %swap3A_1250 = tpu.vector_load %arg9[%swap3A_1248, %swap3A_1249] {strides = array<i32>} : memref<64x128xf32, #tpu.memory_space<vmem>>, vector<1x16xf32>,
        %swap3A_1251 = vector.shape_cast %swap3A_1250 : vector<1x16xf32> to vector<16xf32>
        %swap3A_1252 = vector.shape_cast %add3A_1247 : vector<16xf32> to vector<1x16xf32>
        tpu.vector_store %arg9[%swap3A_1248, %swap3A_1249], %swap3A_1252 {strides = array<i32>} : memref<64x128xf32, #tpu.memory_space<vmem>>, vector<1x16xf32>,
        %get3A_1253 = arith.index_cast %mul3A_1222 : i32 to index
        %get3A_1254 = arith.constant 16 : index
        %get3A_1255 = tpu.vector_load %arg7[%get3A_1253, %get3A_1254] {strides = array<i32>} : memref<512x64xf32, #tpu.memory_space<vmem>>, vector<1x16xf32>,
        %get3A_1256 = vector.shape_cast %get3A_1255 : vector<1x16xf32> to vector<16xf32>
        %add3A_1257 = arith.constant 1 : i32
        %add3A_1258 = arith.addi %mul3A_1222, %add3A_1257 : i32
        %get3A_1259 = arith.index_cast %add3A_1258 : i32 to index
        %get3A_1260 = arith.constant 16 : index
        %get3A_1261 = tpu.vector_load %arg7[%get3A_1259, %get3A_1260] {strides = array<i32>} : memref<512x64xf32, #tpu.memory_space<vmem>>, vector<1x16xf32>,
        %get3A_1262 = vector.shape_cast %get3A_1261 : vector<1x16xf32> to vector<16xf32>
        %add3A_1263 = arith.addf %get3A_1256, %get3A_1262 : vector<16xf32>
        %add3A_1264 = arith.constant 2 : i32
        %add3A_1265 = arith.addi %mul3A_1222, %add3A_1264 : i32
        %get3A_1266 = arith.index_cast %add3A_1265 : i32 to index
        %get3A_1267 = arith.constant 16 : index
        %get3A_1268 = tpu.vector_load %arg7[%get3A_1266, %get3A_1267] {strides = array<i32>} : memref<512x64xf32, #tpu.memory_space<vmem>>, vector<1x16xf32>,
        %get3A_1269 = vector.shape_cast %get3A_1268 : vector<1x16xf32> to vector<16xf32>
        %add3A_1270 = arith.constant 3 : i32
        %add3A_1271 = arith.addi %mul3A_1222, %add3A_1270 : i32
        %get3A_1272 = arith.index_cast %add3A_1271 : i32 to index
        %get3A_1273 = arith.constant 16 : index
        %get3A_1274 = tpu.vector_load %arg7[%get3A_1272, %get3A_1273] {strides = array<i32>} : memref<512x64xf32, #tpu.memory_space<vmem>>, vector<1x16xf32>,
        %get3A_1275 = vector.shape_cast %get3A_1274 : vector<1x16xf32> to vector<16xf32>
        %add3A_1276 = arith.addf %get3A_1269, %get3A_1275 : vector<16xf32>
        %add3A_1277 = arith.addf %add3A_1263, %add3A_1276 : vector<16xf32>
        %swap3A_1278 = arith.index_cast %scan3A_1216 : i32 to index
        %swap3A_1279 = arith.constant 16 : index
        %swap3A_1280 = tpu.vector_load %arg9[%swap3A_1278, %swap3A_1279] {strides = array<i32>} : memref<64x128xf32, #tpu.memory_space<vmem>>, vector<1x16xf32>,
        %swap3A_1281 = vector.shape_cast %swap3A_1280 : vector<1x16xf32> to vector<16xf32>
        %swap3A_1282 = vector.shape_cast %add3A_1277 : vector<16xf32> to vector<1x16xf32>
        tpu.vector_store %arg9[%swap3A_1278, %swap3A_1279], %swap3A_1282 {strides = array<i32>} : memref<64x128xf32, #tpu.memory_space<vmem>>, vector<1x16xf32>,
        %get3A_1283 = arith.index_cast %mul3A_1222 : i32 to index
        %get3A_1284 = arith.constant 32 : index
        %get3A_1285 = tpu.vector_load %arg7[%get3A_1283, %get3A_1284] {strides = array<i32>} : memref<512x64xf32, #tpu.memory_space<vmem>>, vector<1x16xf32>,
        %get3A_1286 = vector.shape_cast %get3A_1285 : vector<1x16xf32> to vector<16xf32>
        %add3A_1287 = arith.constant 1 : i32
        %add3A_1288 = arith.addi %mul3A_1222, %add3A_1287 : i32
        %get3A_1289 = arith.index_cast %add3A_1288 : i32 to index
        %get3A_1290 = arith.constant 32 : index
        %get3A_1291 = tpu.vector_load %arg7[%get3A_1289, %get3A_1290] {strides = array<i32>} : memref<512x64xf32, #tpu.memory_space<vmem>>, vector<1x16xf32>,
        %get3A_1292 = vector.shape_cast %get3A_1291 : vector<1x16xf32> to vector<16xf32>
        %add3A_1293 = arith.addf %get3A_1286, %get3A_1292 : vector<16xf32>
        %add3A_1294 = arith.constant 2 : i32
        %add3A_1295 = arith.addi %mul3A_1222, %add3A_1294 : i32
        %get3A_1296 = arith.index_cast %add3A_1295 : i32 to index
        %get3A_1297 = arith.constant 32 : index
        %get3A_1298 = tpu.vector_load %arg7[%get3A_1296, %get3A_1297] {strides = array<i32>} : memref<512x64xf32, #tpu.memory_space<vmem>>, vector<1x16xf32>,
        %get3A_1299 = vector.shape_cast %get3A_1298 : vector<1x16xf32> to vector<16xf32>
        %add3A_1300 = arith.constant 3 : i32
        %add3A_1301 = arith.addi %mul3A_1222, %add3A_1300 : i32
        %get3A_1302 = arith.index_cast %add3A_1301 : i32 to index
        %get3A_1303 = arith.constant 32 : index
        %get3A_1304 = tpu.vector_load %arg7[%get3A_1302, %get3A_1303] {strides = array<i32>} : memref<512x64xf32, #tpu.memory_space<vmem>>, vector<1x16xf32>,
        %get3A_1305 = vector.shape_cast %get3A_1304 : vector<1x16xf32> to vector<16xf32>
        %add3A_1306 = arith.addf %get3A_1299, %get3A_1305 : vector<16xf32>
        %add3A_1307 = arith.addf %add3A_1293, %add3A_1306 : vector<16xf32>
        %swap3A_1308 = arith.index_cast %scan3A_1216 : i32 to index
        %swap3A_1309 = arith.constant 32 : index
        %swap3A_1310 = tpu.vector_load %arg9[%swap3A_1308, %swap3A_1309] {strides = array<i32>} : memref<64x128xf32, #tpu.memory_space<vmem>>, vector<1x16xf32>,
        %swap3A_1311 = vector.shape_cast %swap3A_1310 : vector<1x16xf32> to vector<16xf32>
        %swap3A_1312 = vector.shape_cast %add3A_1307 : vector<16xf32> to vector<1x16xf32>
        tpu.vector_store %arg9[%swap3A_1308, %swap3A_1309], %swap3A_1312 {strides = array<i32>} : memref<64x128xf32, #tpu.memory_space<vmem>>, vector<1x16xf32>,
        %get3A_1313 = arith.index_cast %mul3A_1222 : i32 to index
        %get3A_1314 = arith.constant 48 : index
        %get3A_1315 = tpu.vector_load %arg7[%get3A_1313, %get3A_1314] {strides = array<i32>} : memref<512x64xf32, #tpu.memory_space<vmem>>, vector<1x16xf32>,
        %get3A_1316 = vector.shape_cast %get3A_1315 : vector<1x16xf32> to vector<16xf32>
        %add3A_1317 = arith.constant 1 : i32
        %add3A_1318 = arith.addi %mul3A_1222, %add3A_1317 : i32
        %get3A_1319 = arith.index_cast %add3A_1318 : i32 to index
        %get3A_1320 = arith.constant 48 : index
        %get3A_1321 = tpu.vector_load %arg7[%get3A_1319, %get3A_1320] {strides = array<i32>} : memref<512x64xf32, #tpu.memory_space<vmem>>, vector<1x16xf32>,
        %get3A_1322 = vector.shape_cast %get3A_1321 : vector<1x16xf32> to vector<16xf32>
        %add3A_1323 = arith.addf %get3A_1316, %get3A_1322 : vector<16xf32>
        %add3A_1324 = arith.constant 2 : i32
        %add3A_1325 = arith.addi %mul3A_1222, %add3A_1324 : i32
        %get3A_1326 = arith.index_cast %add3A_1325 : i32 to index
        %get3A_1327 = arith.constant 48 : index
        %get3A_1328 = tpu.vector_load %arg7[%get3A_1326, %get3A_1327] {strides = array<i32>} : memref<512x64xf32, #tpu.memory_space<vmem>>, vector<1x16xf32>,
        %get3A_1329 = vector.shape_cast %get3A_1328 : vector<1x16xf32> to vector<16xf32>
        %add3A_1330 = arith.constant 3 : i32
        %add3A_1331 = arith.addi %mul3A_1222, %add3A_1330 : i32
        %get3A_1332 = arith.index_cast %add3A_1331 : i32 to index
        %get3A_1333 = arith.constant 48 : index
        %get3A_1334 = tpu.vector_load %arg7[%get3A_1332, %get3A_1333] {strides = array<i32>} : memref<512x64xf32, #tpu.memory_space<vmem>>, vector<1x16xf32>,
        %get3A_1335 = vector.shape_cast %get3A_1334 : vector<1x16xf32> to vector<16xf32>
        %add3A_1336 = arith.addf %get3A_1329, %get3A_1335 : vector<16xf32>
        %add3A_1337 = arith.addf %add3A_1323, %add3A_1336 : vector<16xf32>
        %swap3A_1338 = arith.index_cast %scan3A_1216 : i32 to index
        %swap3A_1339 = arith.constant 48 : index
        %swap3A_1340 = tpu.vector_load %arg9[%swap3A_1338, %swap3A_1339] {strides = array<i32>} : memref<64x128xf32, #tpu.memory_space<vmem>>, vector<1x16xf32>,
        %swap3A_1341 = vector.shape_cast %swap3A_1340 : vector<1x16xf32> to vector<16xf32>
        %swap3A_1342 = vector.shape_cast %add3A_1337 : vector<16xf32> to vector<1x16xf32>
        tpu.vector_store %arg9[%swap3A_1338, %swap3A_1339], %swap3A_1342 {strides = array<i32>} : memref<64x128xf32, #tpu.memory_space<vmem>>, vector<1x16xf32>,
        %mul3A_1343 = arith.constant 2 : i32
        %mul3A_1344 = arith.muli %scan3A_1216, %mul3A_1343 : i32
        %add3A_1345 = arith.constant 1 : i32
        %add3A_1346 = arith.addi %mul3A_1344, %add3A_1345 : i32
        %mul3A_1347 = arith.constant 4 : i32
        %mul3A_1348 = arith.muli %add3A_1346, %mul3A_1347 : i32
        %get3A_1349 = arith.index_cast %mul3A_1348 : i32 to index
        %get3A_1350 = arith.constant 0 : index
        %get3A_1351 = tpu.vector_load %arg7[%get3A_1349, %get3A_1350] {strides = array<i32>} : memref<512x64xf32, #tpu.memory_space<vmem>>, vector<1x16xf32>,
        %get3A_1352 = vector.shape_cast %get3A_1351 : vector<1x16xf32> to vector<16xf32>
        %add3A_1353 = arith.constant 1 : i32
        %add3A_1354 = arith.addi %mul3A_1348, %add3A_1353 : i32
        %get3A_1355 = arith.index_cast %add3A_1354 : i32 to index
        %get3A_1356 = arith.constant 0 : index
        %get3A_1357 = tpu.vector_load %arg7[%get3A_1355, %get3A_1356] {strides = array<i32>} : memref<512x64xf32, #tpu.memory_space<vmem>>, vector<1x16xf32>,
        %get3A_1358 = vector.shape_cast %get3A_1357 : vector<1x16xf32> to vector<16xf32>
        %add3A_1359 = arith.addf %get3A_1352, %get3A_1358 : vector<16xf32>
        %add3A_1360 = arith.constant 2 : i32
        %add3A_1361 = arith.addi %mul3A_1348, %add3A_1360 : i32
        %get3A_1362 = arith.index_cast %add3A_1361 : i32 to index
        %get3A_1363 = arith.constant 0 : index
        %get3A_1364 = tpu.vector_load %arg7[%get3A_1362, %get3A_1363] {strides = array<i32>} : memref<512x64xf32, #tpu.memory_space<vmem>>, vector<1x16xf32>,
        %get3A_1365 = vector.shape_cast %get3A_1364 : vector<1x16xf32> to vector<16xf32>
        %add3A_1366 = arith.constant 3 : i32
        %add3A_1367 = arith.addi %mul3A_1348, %add3A_1366 : i32
        %get3A_1368 = arith.index_cast %add3A_1367 : i32 to index
        %get3A_1369 = arith.constant 0 : index
        %get3A_1370 = tpu.vector_load %arg7[%get3A_1368, %get3A_1369] {strides = array<i32>} : memref<512x64xf32, #tpu.memory_space<vmem>>, vector<1x16xf32>,
        %get3A_1371 = vector.shape_cast %get3A_1370 : vector<1x16xf32> to vector<16xf32>
        %add3A_1372 = arith.addf %get3A_1365, %get3A_1371 : vector<16xf32>
        %add3A_1373 = arith.addf %add3A_1359, %add3A_1372 : vector<16xf32>
        %swap3A_1374 = arith.index_cast %scan3A_1216 : i32 to index
        %swap3A_1375 = arith.constant 64 : index
        %swap3A_1376 = tpu.vector_load %arg9[%swap3A_1374, %swap3A_1375] {strides = array<i32>} : memref<64x128xf32, #tpu.memory_space<vmem>>, vector<1x16xf32>,
        %swap3A_1377 = vector.shape_cast %swap3A_1376 : vector<1x16xf32> to vector<16xf32>
        %swap3A_1378 = vector.shape_cast %add3A_1373 : vector<16xf32> to vector<1x16xf32>
        tpu.vector_store %arg9[%swap3A_1374, %swap3A_1375], %swap3A_1378 {strides = array<i32>} : memref<64x128xf32, #tpu.memory_space<vmem>>, vector<1x16xf32>,
        %get3A_1379 = arith.index_cast %mul3A_1348 : i32 to index
        %get3A_1380 = arith.constant 16 : index
        %get3A_1381 = tpu.vector_load %arg7[%get3A_1379, %get3A_1380] {strides = array<i32>} : memref<512x64xf32, #tpu.memory_space<vmem>>, vector<1x16xf32>,
        %get3A_1382 = vector.shape_cast %get3A_1381 : vector<1x16xf32> to vector<16xf32>
        %add3A_1383 = arith.constant 1 : i32
        %add3A_1384 = arith.addi %mul3A_1348, %add3A_1383 : i32
        %get3A_1385 = arith.index_cast %add3A_1384 : i32 to index
        %get3A_1386 = arith.constant 16 : index
        %get3A_1387 = tpu.vector_load %arg7[%get3A_1385, %get3A_1386] {strides = array<i32>} : memref<512x64xf32, #tpu.memory_space<vmem>>, vector<1x16xf32>,
        %get3A_1388 = vector.shape_cast %get3A_1387 : vector<1x16xf32> to vector<16xf32>
        %add3A_1389 = arith.addf %get3A_1382, %get3A_1388 : vector<16xf32>
        %add3A_1390 = arith.constant 2 : i32
        %add3A_1391 = arith.addi %mul3A_1348, %add3A_1390 : i32
        %get3A_1392 = arith.index_cast %add3A_1391 : i32 to index
        %get3A_1393 = arith.constant 16 : index
        %get3A_1394 = tpu.vector_load %arg7[%get3A_1392, %get3A_1393] {strides = array<i32>} : memref<512x64xf32, #tpu.memory_space<vmem>>, vector<1x16xf32>,
        %get3A_1395 = vector.shape_cast %get3A_1394 : vector<1x16xf32> to vector<16xf32>
        %add3A_1396 = arith.constant 3 : i32
        %add3A_1397 = arith.addi %mul3A_1348, %add3A_1396 : i32
        %get3A_1398 = arith.index_cast %add3A_1397 : i32 to index
        %get3A_1399 = arith.constant 16 : index
        %get3A_1400 = tpu.vector_load %arg7[%get3A_1398, %get3A_1399] {strides = array<i32>} : memref<512x64xf32, #tpu.memory_space<vmem>>, vector<1x16xf32>,
        %get3A_1401 = vector.shape_cast %get3A_1400 : vector<1x16xf32> to vector<16xf32>
        %add3A_1402 = arith.addf %get3A_1395, %get3A_1401 : vector<16xf32>
        %add3A_1403 = arith.addf %add3A_1389, %add3A_1402 : vector<16xf32>
        %swap3A_1404 = arith.index_cast %scan3A_1216 : i32 to index
        %swap3A_1405 = arith.constant 80 : index
        %swap3A_1406 = tpu.vector_load %arg9[%swap3A_1404, %swap3A_1405] {strides = array<i32>} : memref<64x128xf32, #tpu.memory_space<vmem>>, vector<1x16xf32>,
        %swap3A_1407 = vector.shape_cast %swap3A_1406 : vector<1x16xf32> to vector<16xf32>
        %swap3A_1408 = vector.shape_cast %add3A_1403 : vector<16xf32> to vector<1x16xf32>
        tpu.vector_store %arg9[%swap3A_1404, %swap3A_1405], %swap3A_1408 {strides = array<i32>} : memref<64x128xf32, #tpu.memory_space<vmem>>, vector<1x16xf32>,
        %get3A_1409 = arith.index_cast %mul3A_1348 : i32 to index
        %get3A_1410 = arith.constant 32 : index
        %get3A_1411 = tpu.vector_load %arg7[%get3A_1409, %get3A_1410] {strides = array<i32>} : memref<512x64xf32, #tpu.memory_space<vmem>>, vector<1x16xf32>,
        %get3A_1412 = vector.shape_cast %get3A_1411 : vector<1x16xf32> to vector<16xf32>
        %add3A_1413 = arith.constant 1 : i32
        %add3A_1414 = arith.addi %mul3A_1348, %add3A_1413 : i32
        %get3A_1415 = arith.index_cast %add3A_1414 : i32 to index
        %get3A_1416 = arith.constant 32 : index
        %get3A_1417 = tpu.vector_load %arg7[%get3A_1415, %get3A_1416] {strides = array<i32>} : memref<512x64xf32, #tpu.memory_space<vmem>>, vector<1x16xf32>,
        %get3A_1418 = vector.shape_cast %get3A_1417 : vector<1x16xf32> to vector<16xf32>
        %add3A_1419 = arith.addf %get3A_1412, %get3A_1418 : vector<16xf32>
        %add3A_1420 = arith.constant 2 : i32
        %add3A_1421 = arith.addi %mul3A_1348, %add3A_1420 : i32
        %get3A_1422 = arith.index_cast %add3A_1421 : i32 to index
        %get3A_1423 = arith.constant 32 : index
        %get3A_1424 = tpu.vector_load %arg7[%get3A_1422, %get3A_1423] {strides = array<i32>} : memref<512x64xf32, #tpu.memory_space<vmem>>, vector<1x16xf32>,
        %get3A_1425 = vector.shape_cast %get3A_1424 : vector<1x16xf32> to vector<16xf32>
        %add3A_1426 = arith.constant 3 : i32
        %add3A_1427 = arith.addi %mul3A_1348, %add3A_1426 : i32
        %get3A_1428 = arith.index_cast %add3A_1427 : i32 to index
        %get3A_1429 = arith.constant 32 : index
        %get3A_1430 = tpu.vector_load %arg7[%get3A_1428, %get3A_1429] {strides = array<i32>} : memref<512x64xf32, #tpu.memory_space<vmem>>, vector<1x16xf32>,
        %get3A_1431 = vector.shape_cast %get3A_1430 : vector<1x16xf32> to vector<16xf32>
        %add3A_1432 = arith.addf %get3A_1425, %get3A_1431 : vector<16xf32>
        %add3A_1433 = arith.addf %add3A_1419, %add3A_1432 : vector<16xf32>
        %swap3A_1434 = arith.index_cast %scan3A_1216 : i32 to index
        %swap3A_1435 = arith.constant 96 : index
        %swap3A_1436 = tpu.vector_load %arg9[%swap3A_1434, %swap3A_1435] {strides = array<i32>} : memref<64x128xf32, #tpu.memory_space<vmem>>, vector<1x16xf32>,
        %swap3A_1437 = vector.shape_cast %swap3A_1436 : vector<1x16xf32> to vector<16xf32>
        %swap3A_1438 = vector.shape_cast %add3A_1433 : vector<16xf32> to vector<1x16xf32>
        tpu.vector_store %arg9[%swap3A_1434, %swap3A_1435], %swap3A_1438 {strides = array<i32>} : memref<64x128xf32, #tpu.memory_space<vmem>>, vector<1x16xf32>,
        %get3A_1439 = arith.index_cast %mul3A_1348 : i32 to index
        %get3A_1440 = arith.constant 48 : index
        %get3A_1441 = tpu.vector_load %arg7[%get3A_1439, %get3A_1440] {strides = array<i32>} : memref<512x64xf32, #tpu.memory_space<vmem>>, vector<1x16xf32>,
        %get3A_1442 = vector.shape_cast %get3A_1441 : vector<1x16xf32> to vector<16xf32>
        %add3A_1443 = arith.constant 1 : i32
        %add3A_1444 = arith.addi %mul3A_1348, %add3A_1443 : i32
        %get3A_1445 = arith.index_cast %add3A_1444 : i32 to index
        %get3A_1446 = arith.constant 48 : index
        %get3A_1447 = tpu.vector_load %arg7[%get3A_1445, %get3A_1446] {strides = array<i32>} : memref<512x64xf32, #tpu.memory_space<vmem>>, vector<1x16xf32>,
        %get3A_1448 = vector.shape_cast %get3A_1447 : vector<1x16xf32> to vector<16xf32>
        %add3A_1449 = arith.addf %get3A_1442, %get3A_1448 : vector<16xf32>
        %add3A_1450 = arith.constant 2 : i32
        %add3A_1451 = arith.addi %mul3A_1348, %add3A_1450 : i32
        %get3A_1452 = arith.index_cast %add3A_1451 : i32 to index
        %get3A_1453 = arith.constant 48 : index
        %get3A_1454 = tpu.vector_load %arg7[%get3A_1452, %get3A_1453] {strides = array<i32>} : memref<512x64xf32, #tpu.memory_space<vmem>>, vector<1x16xf32>,
        %get3A_1455 = vector.shape_cast %get3A_1454 : vector<1x16xf32> to vector<16xf32>
        %add3A_1456 = arith.constant 3 : i32
        %add3A_1457 = arith.addi %mul3A_1348, %add3A_1456 : i32
        %get3A_1458 = arith.index_cast %add3A_1457 : i32 to index
        %get3A_1459 = arith.constant 48 : index
        %get3A_1460 = tpu.vector_load %arg7[%get3A_1458, %get3A_1459] {strides = array<i32>} : memref<512x64xf32, #tpu.memory_space<vmem>>, vector<1x16xf32>,
        %get3A_1461 = vector.shape_cast %get3A_1460 : vector<1x16xf32> to vector<16xf32>
        %add3A_1462 = arith.addf %get3A_1455, %get3A_1461 : vector<16xf32>
        %add3A_1463 = arith.addf %add3A_1449, %add3A_1462 : vector<16xf32>
        %swap3A_1464 = arith.index_cast %scan3A_1216 : i32 to index
        %swap3A_1465 = arith.constant 112 : index
        %swap3A_1466 = tpu.vector_load %arg9[%swap3A_1464, %swap3A_1465] {strides = array<i32>} : memref<64x128xf32, #tpu.memory_space<vmem>>, vector<1x16xf32>,
        %swap3A_1467 = vector.shape_cast %swap3A_1466 : vector<1x16xf32> to vector<16xf32>
        %swap3A_1468 = vector.shape_cast %add3A_1463 : vector<16xf32> to vector<1x16xf32>
        tpu.vector_store %arg9[%swap3A_1464, %swap3A_1465], %swap3A_1468 {strides = array<i32>} : memref<64x128xf32, #tpu.memory_space<vmem>>, vector<1x16xf32>,
      }
      %scan3A_1111 = arith.constant 64 : i32
      %dma_start3A_1112 = arith.constant 0 : i32
      %dma_start3A_1113 = tpu.memref_slice %arg4[%multiple_of3A_1102, %dma_start3A_1112] : memref<409600x128xf32, #tpu.memory_space<hbm>> -> memref<64x128xf32, #tpu.memory_space<hbm>>
      %dma_start3A_1114 = arith.constant 0 : i32
      %dma_start3A_1115 = tpu.memref_slice %arg4[%multiple_of3A_1102, %dma_start3A_1114] : memref<409600x128xf32, #tpu.memory_space<hbm>> -> memref<64x128xf32, #tpu.memory_space<hbm>>
      tpu.enqueue_dma source(%arg9 : memref<64x128xf32, #tpu.memory_space<vmem>>) target(%dma_start3A_1115 : memref<64x128xf32, #tpu.memory_space<hbm>>) target_semaphore(%arg13 : memref<!tpu.dma_semaphore, #tpu.memory_space<semaphore_mem>>)
      %mul3A_1116 = arith.constant 2 : i32
      %mul3A_1117 = arith.muli %mul3A_1116, %scan3A_558 : i32
      %add3A_1118 = arith.constant 2 : i32
      %add3A_1119 = arith.addi %mul3A_1117, %add3A_1118 : i32
      %lt3A_1120 = arith.constant 200 : i32
      %lt3A_1121 = arith.cmpi slt, %add3A_1119, %lt3A_1120 : i32
      %convert_element_type3A_1122 = arith.extui %lt3A_1121 : i1 to i32
      %cond3A_1123 = arith.constant 0 : i32
      %cond3A_1124 = arith.cmpi ne, %convert_element_type3A_1122, %cond3A_1123 : i32
      scf.if %cond3A_1124 {
        %mul3A_1216 = arith.constant 4 : i32
        %mul3A_1217 = arith.muli %multiple_of3A_570, %mul3A_1216 : i32
        %jit3A_1218 = arith.constant 128 : i32
        %div3A_1219 = arith.divsi %mul3A_1217, %jit3A_1218 : i32
        %sign3A_1220 = arith.constant 0 : i32
        %sign3A_1221 = arith.cmpi sgt, %mul3A_1217, %sign3A_1220 : i32
        %sign3A_1222 = arith.extui %sign3A_1221 : i1 to i32
        %sign3A_1223 = arith.constant 0 : i32
        %sign3A_1224 = arith.cmpi slt, %mul3A_1217, %sign3A_1223 : i32
        %sign3A_1225 = arith.extui %sign3A_1224 : i1 to i32
        %sign3A_1226 = arith.subi %sign3A_1222, %sign3A_1225 : i32
        %sign3A_1227 = arith.constant 0 : i32
        %sign3A_1228 = arith.cmpi sgt, %jit3A_1218, %sign3A_1227 : i32
        %sign3A_1229 = arith.extui %sign3A_1228 : i1 to i32
        %sign3A_1230 = arith.constant 0 : i32
        %sign3A_1231 = arith.cmpi slt, %jit3A_1218, %sign3A_1230 : i32
        %sign3A_1232 = arith.extui %sign3A_1231 : i1 to i32
        %sign3A_1233 = arith.subi %sign3A_1229, %sign3A_1232 : i32
        %ne3A_1234 = arith.cmpi ne, %sign3A_1226, %sign3A_1233 : i32
        %rem3A_1235 = arith.remsi %mul3A_1217, %jit3A_1218 : i32
        %ne3A_1236 = arith.constant 0 : i32
        %ne3A_1237 = arith.cmpi ne, %rem3A_1235, %ne3A_1236 : i32
        %and3A_1238 = arith.andi %ne3A_1234, %ne3A_1237 : i1
        %sub3A_1239 = arith.constant 1 : i32
        %sub3A_1240 = arith.subi %div3A_1219, %sub3A_1239 : i32
        %select_n3A_1241 = arith.select %and3A_1238, %sub3A_1240, %div3A_1219 : i32
        %multiple_of3A_1242 = tpu.assume_multiple %select_n3A_1241, 4 : i32
        %dma_wait3A_1243 = arith.constant 0 : i32
        %dma_wait3A_1244 = tpu.memref_slice %arg2[%multiple_of3A_1242, %dma_wait3A_1243] : memref<25600x128xi32, #tpu.memory_space<hbm>> -> memref<4x128xi32, #tpu.memory_space<hbm>>
        %dma_wait3A_1245 = arith.constant 0 : i32
        %dma_wait3A_1246 = tpu.memref_slice %arg2[%multiple_of3A_1242, %dma_wait3A_1245] : memref<25600x128xi32, #tpu.memory_space<hbm>> -> memref<4x128xi32, #tpu.memory_space<hbm>>
        tpu.wait_dma2 semaphore(%arg15 : memref<!tpu.dma_semaphore, #tpu.memory_space<semaphore_mem>>) src(%dma_wait3A_1246 : memref<4x128xi32, #tpu.memory_space<hbm>>) dst(%arg5 : memref<4x128xi32, #tpu.memory_space<vmem>>)
        %get3A_1247 = arith.constant 0 : i32
        %get3A_1248 = arith.index_cast %get3A_1247 : i32 to index
        %get3A_1249 = arith.constant 0 : index
        %get3A_1250 = tpu.vector_load %arg5[%get3A_1248, %get3A_1249] {strides = array<i32>} : memref<4x128xi32, #tpu.memory_space<vmem>>, vector<1x16xi32>,
        %get3A_1251 = vector.shape_cast %get3A_1250 : vector<1x16xi32> to vector<16xi32>
        %add3A_1252 = arith.addi %get3A_1251, %mul3A_5 : vector<16xi32>
        %swap3A_1253 = arith.constant 0 : i32
        %swap3A_1254 = arith.index_cast %swap3A_1253 : i32 to index
        %swap3A_1255 = arith.constant 0 : index
        %swap3A_1256 = tpu.vector_load %arg5[%swap3A_1254, %swap3A_1255] {strides = array<i32>} : memref<4x128xi32, #tpu.memory_space<vmem>>, vector<1x16xi32>,
        %swap3A_1257 = vector.shape_cast %swap3A_1256 : vector<1x16xi32> to vector<16xi32>
        %swap3A_1258 = vector.shape_cast %add3A_1252 : vector<16xi32> to vector<1x16xi32>
        tpu.vector_store %arg5[%swap3A_1254, %swap3A_1255], %swap3A_1258 {strides = array<i32>} : memref<4x128xi32, #tpu.memory_space<vmem>>, vector<1x16xi32>,
        %get3A_1259 = arith.constant 0 : i32
        %get3A_1260 = arith.index_cast %get3A_1259 : i32 to index
        %get3A_1261 = arith.constant 16 : index
        %get3A_1262 = tpu.vector_load %arg5[%get3A_1260, %get3A_1261] {strides = array<i32>} : memref<4x128xi32, #tpu.memory_space<vmem>>, vector<1x16xi32>,
        %get3A_1263 = vector.shape_cast %get3A_1262 : vector<1x16xi32> to vector<16xi32>
        %add3A_1264 = arith.addi %get3A_1263, %mul3A_5 : vector<16xi32>
        %swap3A_1265 = arith.constant 0 : i32
        %swap3A_1266 = arith.index_cast %swap3A_1265 : i32 to index
        %swap3A_1267 = arith.constant 16 : index
        %swap3A_1268 = tpu.vector_load %arg5[%swap3A_1266, %swap3A_1267] {strides = array<i32>} : memref<4x128xi32, #tpu.memory_space<vmem>>, vector<1x16xi32>,
        %swap3A_1269 = vector.shape_cast %swap3A_1268 : vector<1x16xi32> to vector<16xi32>
        %swap3A_1270 = vector.shape_cast %add3A_1264 : vector<16xi32> to vector<1x16xi32>
        tpu.vector_store %arg5[%swap3A_1266, %swap3A_1267], %swap3A_1270 {strides = array<i32>} : memref<4x128xi32, #tpu.memory_space<vmem>>, vector<1x16xi32>,
        %get3A_1271 = arith.constant 0 : i32
        %get3A_1272 = arith.index_cast %get3A_1271 : i32 to index
        %get3A_1273 = arith.constant 32 : index
        %get3A_1274 = tpu.vector_load %arg5[%get3A_1272, %get3A_1273] {strides = array<i32>} : memref<4x128xi32, #tpu.memory_space<vmem>>, vector<1x16xi32>,
        %get3A_1275 = vector.shape_cast %get3A_1274 : vector<1x16xi32> to vector<16xi32>
        %add3A_1276 = arith.addi %get3A_1275, %mul3A_5 : vector<16xi32>
        %swap3A_1277 = arith.constant 0 : i32
        %swap3A_1278 = arith.index_cast %swap3A_1277 : i32 to index
        %swap3A_1279 = arith.constant 32 : index
        %swap3A_1280 = tpu.vector_load %arg5[%swap3A_1278, %swap3A_1279] {strides = array<i32>} : memref<4x128xi32, #tpu.memory_space<vmem>>, vector<1x16xi32>,
        %swap3A_1281 = vector.shape_cast %swap3A_1280 : vector<1x16xi32> to vector<16xi32>
        %swap3A_1282 = vector.shape_cast %add3A_1276 : vector<16xi32> to vector<1x16xi32>
        tpu.vector_store %arg5[%swap3A_1278, %swap3A_1279], %swap3A_1282 {strides = array<i32>} : memref<4x128xi32, #tpu.memory_space<vmem>>, vector<1x16xi32>,
        %get3A_1283 = arith.constant 0 : i32
        %get3A_1284 = arith.index_cast %get3A_1283 : i32 to index
        %get3A_1285 = arith.constant 48 : index
        %get3A_1286 = tpu.vector_load %arg5[%get3A_1284, %get3A_1285] {strides = array<i32>} : memref<4x128xi32, #tpu.memory_space<vmem>>, vector<1x16xi32>,
        %get3A_1287 = vector.shape_cast %get3A_1286 : vector<1x16xi32> to vector<16xi32>
        %add3A_1288 = arith.addi %get3A_1287, %mul3A_5 : vector<16xi32>
        %swap3A_1289 = arith.constant 0 : i32
        %swap3A_1290 = arith.index_cast %swap3A_1289 : i32 to index
        %swap3A_1291 = arith.constant 48 : index
        %swap3A_1292 = tpu.vector_load %arg5[%swap3A_1290, %swap3A_1291] {strides = array<i32>} : memref<4x128xi32, #tpu.memory_space<vmem>>, vector<1x16xi32>,
        %swap3A_1293 = vector.shape_cast %swap3A_1292 : vector<1x16xi32> to vector<16xi32>
        %swap3A_1294 = vector.shape_cast %add3A_1288 : vector<16xi32> to vector<1x16xi32>
        tpu.vector_store %arg5[%swap3A_1290, %swap3A_1291], %swap3A_1294 {strides = array<i32>} : memref<4x128xi32, #tpu.memory_space<vmem>>, vector<1x16xi32>,
        %get3A_1295 = arith.constant 0 : i32
        %get3A_1296 = arith.index_cast %get3A_1295 : i32 to index
        %get3A_1297 = arith.constant 64 : index
        %get3A_1298 = tpu.vector_load %arg5[%get3A_1296, %get3A_1297] {strides = array<i32>} : memref<4x128xi32, #tpu.memory_space<vmem>>, vector<1x16xi32>,
        %get3A_1299 = vector.shape_cast %get3A_1298 : vector<1x16xi32> to vector<16xi32>
        %add3A_1300 = arith.addi %get3A_1299, %mul3A_5 : vector<16xi32>
        %swap3A_1301 = arith.constant 0 : i32
        %swap3A_1302 = arith.index_cast %swap3A_1301 : i32 to index
        %swap3A_1303 = arith.constant 64 : index
        %swap3A_1304 = tpu.vector_load %arg5[%swap3A_1302, %swap3A_1303] {strides = array<i32>} : memref<4x128xi32, #tpu.memory_space<vmem>>, vector<1x16xi32>,
        %swap3A_1305 = vector.shape_cast %swap3A_1304 : vector<1x16xi32> to vector<16xi32>
        %swap3A_1306 = vector.shape_cast %add3A_1300 : vector<16xi32> to vector<1x16xi32>
        tpu.vector_store %arg5[%swap3A_1302, %swap3A_1303], %swap3A_1306 {strides = array<i32>} : memref<4x128xi32, #tpu.memory_space<vmem>>, vector<1x16xi32>,
        %get3A_1307 = arith.constant 0 : i32
        %get3A_1308 = arith.index_cast %get3A_1307 : i32 to index
        %get3A_1309 = arith.constant 80 : index
        %get3A_1310 = tpu.vector_load %arg5[%get3A_1308, %get3A_1309] {strides = array<i32>} : memref<4x128xi32, #tpu.memory_space<vmem>>, vector<1x16xi32>,
        %get3A_1311 = vector.shape_cast %get3A_1310 : vector<1x16xi32> to vector<16xi32>
        %add3A_1312 = arith.addi %get3A_1311, %mul3A_5 : vector<16xi32>
        %swap3A_1313 = arith.constant 0 : i32
        %swap3A_1314 = arith.index_cast %swap3A_1313 : i32 to index
        %swap3A_1315 = arith.constant 80 : index
        %swap3A_1316 = tpu.vector_load %arg5[%swap3A_1314, %swap3A_1315] {strides = array<i32>} : memref<4x128xi32, #tpu.memory_space<vmem>>, vector<1x16xi32>,
        %swap3A_1317 = vector.shape_cast %swap3A_1316 : vector<1x16xi32> to vector<16xi32>
        %swap3A_1318 = vector.shape_cast %add3A_1312 : vector<16xi32> to vector<1x16xi32>
        tpu.vector_store %arg5[%swap3A_1314, %swap3A_1315], %swap3A_1318 {strides = array<i32>} : memref<4x128xi32, #tpu.memory_space<vmem>>, vector<1x16xi32>,
        %get3A_1319 = arith.constant 0 : i32
        %get3A_1320 = arith.index_cast %get3A_1319 : i32 to index
        %get3A_1321 = arith.constant 96 : index
        %get3A_1322 = tpu.vector_load %arg5[%get3A_1320, %get3A_1321] {strides = array<i32>} : memref<4x128xi32, #tpu.memory_space<vmem>>, vector<1x16xi32>,
        %get3A_1323 = vector.shape_cast %get3A_1322 : vector<1x16xi32> to vector<16xi32>
        %add3A_1324 = arith.addi %get3A_1323, %mul3A_5 : vector<16xi32>
        %swap3A_1325 = arith.constant 0 : i32
        %swap3A_1326 = arith.index_cast %swap3A_1325 : i32 to index
        %swap3A_1327 = arith.constant 96 : index
        %swap3A_1328 = tpu.vector_load %arg5[%swap3A_1326, %swap3A_1327] {strides = array<i32>} : memref<4x128xi32, #tpu.memory_space<vmem>>, vector<1x16xi32>,
        %swap3A_1329 = vector.shape_cast %swap3A_1328 : vector<1x16xi32> to vector<16xi32>
        %swap3A_1330 = vector.shape_cast %add3A_1324 : vector<16xi32> to vector<1x16xi32>
        tpu.vector_store %arg5[%swap3A_1326, %swap3A_1327], %swap3A_1330 {strides = array<i32>} : memref<4x128xi32, #tpu.memory_space<vmem>>, vector<1x16xi32>,
        %get3A_1331 = arith.constant 0 : i32
        %get3A_1332 = arith.index_cast %get3A_1331 : i32 to index
        %get3A_1333 = arith.constant 112 : index
        %get3A_1334 = tpu.vector_load %arg5[%get3A_1332, %get3A_1333] {strides = array<i32>} : memref<4x128xi32, #tpu.memory_space<vmem>>, vector<1x16xi32>,
        %get3A_1335 = vector.shape_cast %get3A_1334 : vector<1x16xi32> to vector<16xi32>
        %add3A_1336 = arith.addi %get3A_1335, %mul3A_5 : vector<16xi32>
        %swap3A_1337 = arith.constant 0 : i32
        %swap3A_1338 = arith.index_cast %swap3A_1337 : i32 to index
        %swap3A_1339 = arith.constant 112 : index
        %swap3A_1340 = tpu.vector_load %arg5[%swap3A_1338, %swap3A_1339] {strides = array<i32>} : memref<4x128xi32, #tpu.memory_space<vmem>>, vector<1x16xi32>,
        %swap3A_1341 = vector.shape_cast %swap3A_1340 : vector<1x16xi32> to vector<16xi32>
        %swap3A_1342 = vector.shape_cast %add3A_1336 : vector<16xi32> to vector<1x16xi32>
        tpu.vector_store %arg5[%swap3A_1338, %swap3A_1339], %swap3A_1342 {strides = array<i32>} : memref<4x128xi32, #tpu.memory_space<vmem>>, vector<1x16xi32>,
        %get3A_1343 = arith.constant 1 : i32
        %get3A_1344 = arith.index_cast %get3A_1343 : i32 to index
        %get3A_1345 = arith.constant 0 : index
        %get3A_1346 = tpu.vector_load %arg5[%get3A_1344, %get3A_1345] {strides = array<i32>} : memref<4x128xi32, #tpu.memory_space<vmem>>, vector<1x16xi32>,
        %get3A_1347 = vector.shape_cast %get3A_1346 : vector<1x16xi32> to vector<16xi32>
        %add3A_1348 = arith.addi %get3A_1347, %mul3A_5 : vector<16xi32>
        %swap3A_1349 = arith.constant 1 : i32
        %swap3A_1350 = arith.index_cast %swap3A_1349 : i32 to index
        %swap3A_1351 = arith.constant 0 : index
        %swap3A_1352 = tpu.vector_load %arg5[%swap3A_1350, %swap3A_1351] {strides = array<i32>} : memref<4x128xi32, #tpu.memory_space<vmem>>, vector<1x16xi32>,
        %swap3A_1353 = vector.shape_cast %swap3A_1352 : vector<1x16xi32> to vector<16xi32>
        %swap3A_1354 = vector.shape_cast %add3A_1348 : vector<16xi32> to vector<1x16xi32>
        tpu.vector_store %arg5[%swap3A_1350, %swap3A_1351], %swap3A_1354 {strides = array<i32>} : memref<4x128xi32, #tpu.memory_space<vmem>>, vector<1x16xi32>,
        %get3A_1355 = arith.constant 1 : i32
        %get3A_1356 = arith.index_cast %get3A_1355 : i32 to index
        %get3A_1357 = arith.constant 16 : index
        %get3A_1358 = tpu.vector_load %arg5[%get3A_1356, %get3A_1357] {strides = array<i32>} : memref<4x128xi32, #tpu.memory_space<vmem>>, vector<1x16xi32>,
        %get3A_1359 = vector.shape_cast %get3A_1358 : vector<1x16xi32> to vector<16xi32>
        %add3A_1360 = arith.addi %get3A_1359, %mul3A_5 : vector<16xi32>
        %swap3A_1361 = arith.constant 1 : i32
        %swap3A_1362 = arith.index_cast %swap3A_1361 : i32 to index
        %swap3A_1363 = arith.constant 16 : index
        %swap3A_1364 = tpu.vector_load %arg5[%swap3A_1362, %swap3A_1363] {strides = array<i32>} : memref<4x128xi32, #tpu.memory_space<vmem>>, vector<1x16xi32>,
        %swap3A_1365 = vector.shape_cast %swap3A_1364 : vector<1x16xi32> to vector<16xi32>
        %swap3A_1366 = vector.shape_cast %add3A_1360 : vector<16xi32> to vector<1x16xi32>
        tpu.vector_store %arg5[%swap3A_1362, %swap3A_1363], %swap3A_1366 {strides = array<i32>} : memref<4x128xi32, #tpu.memory_space<vmem>>, vector<1x16xi32>,
        %get3A_1367 = arith.constant 1 : i32
        %get3A_1368 = arith.index_cast %get3A_1367 : i32 to index
        %get3A_1369 = arith.constant 32 : index
        %get3A_1370 = tpu.vector_load %arg5[%get3A_1368, %get3A_1369] {strides = array<i32>} : memref<4x128xi32, #tpu.memory_space<vmem>>, vector<1x16xi32>,
        %get3A_1371 = vector.shape_cast %get3A_1370 : vector<1x16xi32> to vector<16xi32>
        %add3A_1372 = arith.addi %get3A_1371, %mul3A_5 : vector<16xi32>
        %swap3A_1373 = arith.constant 1 : i32
        %swap3A_1374 = arith.index_cast %swap3A_1373 : i32 to index
        %swap3A_1375 = arith.constant 32 : index
        %swap3A_1376 = tpu.vector_load %arg5[%swap3A_1374, %swap3A_1375] {strides = array<i32>} : memref<4x128xi32, #tpu.memory_space<vmem>>, vector<1x16xi32>,
        %swap3A_1377 = vector.shape_cast %swap3A_1376 : vector<1x16xi32> to vector<16xi32>
        %swap3A_1378 = vector.shape_cast %add3A_1372 : vector<16xi32> to vector<1x16xi32>
        tpu.vector_store %arg5[%swap3A_1374, %swap3A_1375], %swap3A_1378 {strides = array<i32>} : memref<4x128xi32, #tpu.memory_space<vmem>>, vector<1x16xi32>,
        %get3A_1379 = arith.constant 1 : i32
        %get3A_1380 = arith.index_cast %get3A_1379 : i32 to index
        %get3A_1381 = arith.constant 48 : index
        %get3A_1382 = tpu.vector_load %arg5[%get3A_1380, %get3A_1381] {strides = array<i32>} : memref<4x128xi32, #tpu.memory_space<vmem>>, vector<1x16xi32>,
        %get3A_1383 = vector.shape_cast %get3A_1382 : vector<1x16xi32> to vector<16xi32>
        %add3A_1384 = arith.addi %get3A_1383, %mul3A_5 : vector<16xi32>
        %swap3A_1385 = arith.constant 1 : i32
        %swap3A_1386 = arith.index_cast %swap3A_1385 : i32 to index
        %swap3A_1387 = arith.constant 48 : index
        %swap3A_1388 = tpu.vector_load %arg5[%swap3A_1386, %swap3A_1387] {strides = array<i32>} : memref<4x128xi32, #tpu.memory_space<vmem>>, vector<1x16xi32>,
        %swap3A_1389 = vector.shape_cast %swap3A_1388 : vector<1x16xi32> to vector<16xi32>
        %swap3A_1390 = vector.shape_cast %add3A_1384 : vector<16xi32> to vector<1x16xi32>
        tpu.vector_store %arg5[%swap3A_1386, %swap3A_1387], %swap3A_1390 {strides = array<i32>} : memref<4x128xi32, #tpu.memory_space<vmem>>, vector<1x16xi32>,
        %get3A_1391 = arith.constant 1 : i32
        %get3A_1392 = arith.index_cast %get3A_1391 : i32 to index
        %get3A_1393 = arith.constant 64 : index
        %get3A_1394 = tpu.vector_load %arg5[%get3A_1392, %get3A_1393] {strides = array<i32>} : memref<4x128xi32, #tpu.memory_space<vmem>>, vector<1x16xi32>,
        %get3A_1395 = vector.shape_cast %get3A_1394 : vector<1x16xi32> to vector<16xi32>
        %add3A_1396 = arith.addi %get3A_1395, %mul3A_5 : vector<16xi32>
        %swap3A_1397 = arith.constant 1 : i32
        %swap3A_1398 = arith.index_cast %swap3A_1397 : i32 to index
        %swap3A_1399 = arith.constant 64 : index
        %swap3A_1400 = tpu.vector_load %arg5[%swap3A_1398, %swap3A_1399] {strides = array<i32>} : memref<4x128xi32, #tpu.memory_space<vmem>>, vector<1x16xi32>,
        %swap3A_1401 = vector.shape_cast %swap3A_1400 : vector<1x16xi32> to vector<16xi32>
        %swap3A_1402 = vector.shape_cast %add3A_1396 : vector<16xi32> to vector<1x16xi32>
        tpu.vector_store %arg5[%swap3A_1398, %swap3A_1399], %swap3A_1402 {strides = array<i32>} : memref<4x128xi32, #tpu.memory_space<vmem>>, vector<1x16xi32>,
        %get3A_1403 = arith.constant 1 : i32
        %get3A_1404 = arith.index_cast %get3A_1403 : i32 to index
        %get3A_1405 = arith.constant 80 : index
        %get3A_1406 = tpu.vector_load %arg5[%get3A_1404, %get3A_1405] {strides = array<i32>} : memref<4x128xi32, #tpu.memory_space<vmem>>, vector<1x16xi32>,
        %get3A_1407 = vector.shape_cast %get3A_1406 : vector<1x16xi32> to vector<16xi32>
        %add3A_1408 = arith.addi %get3A_1407, %mul3A_5 : vector<16xi32>
        %swap3A_1409 = arith.constant 1 : i32
        %swap3A_1410 = arith.index_cast %swap3A_1409 : i32 to index
        %swap3A_1411 = arith.constant 80 : index
        %swap3A_1412 = tpu.vector_load %arg5[%swap3A_1410, %swap3A_1411] {strides = array<i32>} : memref<4x128xi32, #tpu.memory_space<vmem>>, vector<1x16xi32>,
        %swap3A_1413 = vector.shape_cast %swap3A_1412 : vector<1x16xi32> to vector<16xi32>
        %swap3A_1414 = vector.shape_cast %add3A_1408 : vector<16xi32> to vector<1x16xi32>
        tpu.vector_store %arg5[%swap3A_1410, %swap3A_1411], %swap3A_1414 {strides = array<i32>} : memref<4x128xi32, #tpu.memory_space<vmem>>, vector<1x16xi32>,
        %get3A_1415 = arith.constant 1 : i32
        %get3A_1416 = arith.index_cast %get3A_1415 : i32 to index
        %get3A_1417 = arith.constant 96 : index
        %get3A_1418 = tpu.vector_load %arg5[%get3A_1416, %get3A_1417] {strides = array<i32>} : memref<4x128xi32, #tpu.memory_space<vmem>>, vector<1x16xi32>,
        %get3A_1419 = vector.shape_cast %get3A_1418 : vector<1x16xi32> to vector<16xi32>
        %add3A_1420 = arith.addi %get3A_1419, %mul3A_5 : vector<16xi32>
        %swap3A_1421 = arith.constant 1 : i32
        %swap3A_1422 = arith.index_cast %swap3A_1421 : i32 to index
        %swap3A_1423 = arith.constant 96 : index
        %swap3A_1424 = tpu.vector_load %arg5[%swap3A_1422, %swap3A_1423] {strides = array<i32>} : memref<4x128xi32, #tpu.memory_space<vmem>>, vector<1x16xi32>,
        %swap3A_1425 = vector.shape_cast %swap3A_1424 : vector<1x16xi32> to vector<16xi32>
        %swap3A_1426 = vector.shape_cast %add3A_1420 : vector<16xi32> to vector<1x16xi32>
        tpu.vector_store %arg5[%swap3A_1422, %swap3A_1423], %swap3A_1426 {strides = array<i32>} : memref<4x128xi32, #tpu.memory_space<vmem>>, vector<1x16xi32>,
        %get3A_1427 = arith.constant 1 : i32
        %get3A_1428 = arith.index_cast %get3A_1427 : i32 to index
        %get3A_1429 = arith.constant 112 : index
        %get3A_1430 = tpu.vector_load %arg5[%get3A_1428, %get3A_1429] {strides = array<i32>} : memref<4x128xi32, #tpu.memory_space<vmem>>, vector<1x16xi32>,
        %get3A_1431 = vector.shape_cast %get3A_1430 : vector<1x16xi32> to vector<16xi32>
        %add3A_1432 = arith.addi %get3A_1431, %mul3A_5 : vector<16xi32>
        %swap3A_1433 = arith.constant 1 : i32
        %swap3A_1434 = arith.index_cast %swap3A_1433 : i32 to index
        %swap3A_1435 = arith.constant 112 : index
        %swap3A_1436 = tpu.vector_load %arg5[%swap3A_1434, %swap3A_1435] {strides = array<i32>} : memref<4x128xi32, #tpu.memory_space<vmem>>, vector<1x16xi32>,
        %swap3A_1437 = vector.shape_cast %swap3A_1436 : vector<1x16xi32> to vector<16xi32>
        %swap3A_1438 = vector.shape_cast %add3A_1432 : vector<16xi32> to vector<1x16xi32>
        tpu.vector_store %arg5[%swap3A_1434, %swap3A_1435], %swap3A_1438 {strides = array<i32>} : memref<4x128xi32, #tpu.memory_space<vmem>>, vector<1x16xi32>,
        %get3A_1439 = arith.constant 2 : i32
        %get3A_1440 = arith.index_cast %get3A_1439 : i32 to index
        %get3A_1441 = arith.constant 0 : index
        %get3A_1442 = tpu.vector_load %arg5[%get3A_1440, %get3A_1441] {strides = array<i32>} : memref<4x128xi32, #tpu.memory_space<vmem>>, vector<1x16xi32>,
        %get3A_1443 = vector.shape_cast %get3A_1442 : vector<1x16xi32> to vector<16xi32>
        %add3A_1444 = arith.addi %get3A_1443, %mul3A_5 : vector<16xi32>
        %swap3A_1445 = arith.constant 2 : i32
        %swap3A_1446 = arith.index_cast %swap3A_1445 : i32 to index
        %swap3A_1447 = arith.constant 0 : index
        %swap3A_1448 = tpu.vector_load %arg5[%swap3A_1446, %swap3A_1447] {strides = array<i32>} : memref<4x128xi32, #tpu.memory_space<vmem>>, vector<1x16xi32>,
        %swap3A_1449 = vector.shape_cast %swap3A_1448 : vector<1x16xi32> to vector<16xi32>
        %swap3A_1450 = vector.shape_cast %add3A_1444 : vector<16xi32> to vector<1x16xi32>
        tpu.vector_store %arg5[%swap3A_1446, %swap3A_1447], %swap3A_1450 {strides = array<i32>} : memref<4x128xi32, #tpu.memory_space<vmem>>, vector<1x16xi32>,
        %get3A_1451 = arith.constant 2 : i32
        %get3A_1452 = arith.index_cast %get3A_1451 : i32 to index
        %get3A_1453 = arith.constant 16 : index
        %get3A_1454 = tpu.vector_load %arg5[%get3A_1452, %get3A_1453] {strides = array<i32>} : memref<4x128xi32, #tpu.memory_space<vmem>>, vector<1x16xi32>,
        %get3A_1455 = vector.shape_cast %get3A_1454 : vector<1x16xi32> to vector<16xi32>
        %add3A_1456 = arith.addi %get3A_1455, %mul3A_5 : vector<16xi32>
        %swap3A_1457 = arith.constant 2 : i32
        %swap3A_1458 = arith.index_cast %swap3A_1457 : i32 to index
        %swap3A_1459 = arith.constant 16 : index
        %swap3A_1460 = tpu.vector_load %arg5[%swap3A_1458, %swap3A_1459] {strides = array<i32>} : memref<4x128xi32, #tpu.memory_space<vmem>>, vector<1x16xi32>,
        %swap3A_1461 = vector.shape_cast %swap3A_1460 : vector<1x16xi32> to vector<16xi32>
        %swap3A_1462 = vector.shape_cast %add3A_1456 : vector<16xi32> to vector<1x16xi32>
        tpu.vector_store %arg5[%swap3A_1458, %swap3A_1459], %swap3A_1462 {strides = array<i32>} : memref<4x128xi32, #tpu.memory_space<vmem>>, vector<1x16xi32>,
        %get3A_1463 = arith.constant 2 : i32
        %get3A_1464 = arith.index_cast %get3A_1463 : i32 to index
        %get3A_1465 = arith.constant 32 : index
        %get3A_1466 = tpu.vector_load %arg5[%get3A_1464, %get3A_1465] {strides = array<i32>} : memref<4x128xi32, #tpu.memory_space<vmem>>, vector<1x16xi32>,
        %get3A_1467 = vector.shape_cast %get3A_1466 : vector<1x16xi32> to vector<16xi32>
        %add3A_1468 = arith.addi %get3A_1467, %mul3A_5 : vector<16xi32>
        %swap3A_1469 = arith.constant 2 : i32
        %swap3A_1470 = arith.index_cast %swap3A_1469 : i32 to index
        %swap3A_1471 = arith.constant 32 : index
        %swap3A_1472 = tpu.vector_load %arg5[%swap3A_1470, %swap3A_1471] {strides = array<i32>} : memref<4x128xi32, #tpu.memory_space<vmem>>, vector<1x16xi32>,
        %swap3A_1473 = vector.shape_cast %swap3A_1472 : vector<1x16xi32> to vector<16xi32>
        %swap3A_1474 = vector.shape_cast %add3A_1468 : vector<16xi32> to vector<1x16xi32>
        tpu.vector_store %arg5[%swap3A_1470, %swap3A_1471], %swap3A_1474 {strides = array<i32>} : memref<4x128xi32, #tpu.memory_space<vmem>>, vector<1x16xi32>,
        %get3A_1475 = arith.constant 2 : i32
        %get3A_1476 = arith.index_cast %get3A_1475 : i32 to index
        %get3A_1477 = arith.constant 48 : index
        %get3A_1478 = tpu.vector_load %arg5[%get3A_1476, %get3A_1477] {strides = array<i32>} : memref<4x128xi32, #tpu.memory_space<vmem>>, vector<1x16xi32>,
        %get3A_1479 = vector.shape_cast %get3A_1478 : vector<1x16xi32> to vector<16xi32>
        %add3A_1480 = arith.addi %get3A_1479, %mul3A_5 : vector<16xi32>
        %swap3A_1481 = arith.constant 2 : i32
        %swap3A_1482 = arith.index_cast %swap3A_1481 : i32 to index
        %swap3A_1483 = arith.constant 48 : index
        %swap3A_1484 = tpu.vector_load %arg5[%swap3A_1482, %swap3A_1483] {strides = array<i32>} : memref<4x128xi32, #tpu.memory_space<vmem>>, vector<1x16xi32>,
        %swap3A_1485 = vector.shape_cast %swap3A_1484 : vector<1x16xi32> to vector<16xi32>
        %swap3A_1486 = vector.shape_cast %add3A_1480 : vector<16xi32> to vector<1x16xi32>
        tpu.vector_store %arg5[%swap3A_1482, %swap3A_1483], %swap3A_1486 {strides = array<i32>} : memref<4x128xi32, #tpu.memory_space<vmem>>, vector<1x16xi32>,
        %get3A_1487 = arith.constant 2 : i32
        %get3A_1488 = arith.index_cast %get3A_1487 : i32 to index
        %get3A_1489 = arith.constant 64 : index
        %get3A_1490 = tpu.vector_load %arg5[%get3A_1488, %get3A_1489] {strides = array<i32>} : memref<4x128xi32, #tpu.memory_space<vmem>>, vector<1x16xi32>,
        %get3A_1491 = vector.shape_cast %get3A_1490 : vector<1x16xi32> to vector<16xi32>
        %add3A_1492 = arith.addi %get3A_1491, %mul3A_5 : vector<16xi32>
        %swap3A_1493 = arith.constant 2 : i32
        %swap3A_1494 = arith.index_cast %swap3A_1493 : i32 to index
        %swap3A_1495 = arith.constant 64 : index
        %swap3A_1496 = tpu.vector_load %arg5[%swap3A_1494, %swap3A_1495] {strides = array<i32>} : memref<4x128xi32, #tpu.memory_space<vmem>>, vector<1x16xi32>,
        %swap3A_1497 = vector.shape_cast %swap3A_1496 : vector<1x16xi32> to vector<16xi32>
        %swap3A_1498 = vector.shape_cast %add3A_1492 : vector<16xi32> to vector<1x16xi32>
        tpu.vector_store %arg5[%swap3A_1494, %swap3A_1495], %swap3A_1498 {strides = array<i32>} : memref<4x128xi32, #tpu.memory_space<vmem>>, vector<1x16xi32>,
        %get3A_1499 = arith.constant 2 : i32
        %get3A_1500 = arith.index_cast %get3A_1499 : i32 to index
        %get3A_1501 = arith.constant 80 : index
        %get3A_1502 = tpu.vector_load %arg5[%get3A_1500, %get3A_1501] {strides = array<i32>} : memref<4x128xi32, #tpu.memory_space<vmem>>, vector<1x16xi32>,
        %get3A_1503 = vector.shape_cast %get3A_1502 : vector<1x16xi32> to vector<16xi32>
        %add3A_1504 = arith.addi %get3A_1503, %mul3A_5 : vector<16xi32>
        %swap3A_1505 = arith.constant 2 : i32
        %swap3A_1506 = arith.index_cast %swap3A_1505 : i32 to index
        %swap3A_1507 = arith.constant 80 : index
        %swap3A_1508 = tpu.vector_load %arg5[%swap3A_1506, %swap3A_1507] {strides = array<i32>} : memref<4x128xi32, #tpu.memory_space<vmem>>, vector<1x16xi32>,
        %swap3A_1509 = vector.shape_cast %swap3A_1508 : vector<1x16xi32> to vector<16xi32>
        %swap3A_1510 = vector.shape_cast %add3A_1504 : vector<16xi32> to vector<1x16xi32>
        tpu.vector_store %arg5[%swap3A_1506, %swap3A_1507], %swap3A_1510 {strides = array<i32>} : memref<4x128xi32, #tpu.memory_space<vmem>>, vector<1x16xi32>,
        %get3A_1511 = arith.constant 2 : i32
        %get3A_1512 = arith.index_cast %get3A_1511 : i32 to index
        %get3A_1513 = arith.constant 96 : index
        %get3A_1514 = tpu.vector_load %arg5[%get3A_1512, %get3A_1513] {strides = array<i32>} : memref<4x128xi32, #tpu.memory_space<vmem>>, vector<1x16xi32>,
        %get3A_1515 = vector.shape_cast %get3A_1514 : vector<1x16xi32> to vector<16xi32>
        %add3A_1516 = arith.addi %get3A_1515, %mul3A_5 : vector<16xi32>
        %swap3A_1517 = arith.constant 2 : i32
        %swap3A_1518 = arith.index_cast %swap3A_1517 : i32 to index
        %swap3A_1519 = arith.constant 96 : index
        %swap3A_1520 = tpu.vector_load %arg5[%swap3A_1518, %swap3A_1519] {strides = array<i32>} : memref<4x128xi32, #tpu.memory_space<vmem>>, vector<1x16xi32>,
        %swap3A_1521 = vector.shape_cast %swap3A_1520 : vector<1x16xi32> to vector<16xi32>
        %swap3A_1522 = vector.shape_cast %add3A_1516 : vector<16xi32> to vector<1x16xi32>
        tpu.vector_store %arg5[%swap3A_1518, %swap3A_1519], %swap3A_1522 {strides = array<i32>} : memref<4x128xi32, #tpu.memory_space<vmem>>, vector<1x16xi32>,
        %get3A_1523 = arith.constant 2 : i32
        %get3A_1524 = arith.index_cast %get3A_1523 : i32 to index
        %get3A_1525 = arith.constant 112 : index
        %get3A_1526 = tpu.vector_load %arg5[%get3A_1524, %get3A_1525] {strides = array<i32>} : memref<4x128xi32, #tpu.memory_space<vmem>>, vector<1x16xi32>,
        %get3A_1527 = vector.shape_cast %get3A_1526 : vector<1x16xi32> to vector<16xi32>
        %add3A_1528 = arith.addi %get3A_1527, %mul3A_5 : vector<16xi32>
        %swap3A_1529 = arith.constant 2 : i32
        %swap3A_1530 = arith.index_cast %swap3A_1529 : i32 to index
        %swap3A_1531 = arith.constant 112 : index
        %swap3A_1532 = tpu.vector_load %arg5[%swap3A_1530, %swap3A_1531] {strides = array<i32>} : memref<4x128xi32, #tpu.memory_space<vmem>>, vector<1x16xi32>,
        %swap3A_1533 = vector.shape_cast %swap3A_1532 : vector<1x16xi32> to vector<16xi32>
        %swap3A_1534 = vector.shape_cast %add3A_1528 : vector<16xi32> to vector<1x16xi32>
        tpu.vector_store %arg5[%swap3A_1530, %swap3A_1531], %swap3A_1534 {strides = array<i32>} : memref<4x128xi32, #tpu.memory_space<vmem>>, vector<1x16xi32>,
        %get3A_1535 = arith.constant 3 : i32
        %get3A_1536 = arith.index_cast %get3A_1535 : i32 to index
        %get3A_1537 = arith.constant 0 : index
        %get3A_1538 = tpu.vector_load %arg5[%get3A_1536, %get3A_1537] {strides = array<i32>} : memref<4x128xi32, #tpu.memory_space<vmem>>, vector<1x16xi32>,
        %get3A_1539 = vector.shape_cast %get3A_1538 : vector<1x16xi32> to vector<16xi32>
        %add3A_1540 = arith.addi %get3A_1539, %mul3A_5 : vector<16xi32>
        %swap3A_1541 = arith.constant 3 : i32
        %swap3A_1542 = arith.index_cast %swap3A_1541 : i32 to index
        %swap3A_1543 = arith.constant 0 : index
        %swap3A_1544 = tpu.vector_load %arg5[%swap3A_1542, %swap3A_1543] {strides = array<i32>} : memref<4x128xi32, #tpu.memory_space<vmem>>, vector<1x16xi32>,
        %swap3A_1545 = vector.shape_cast %swap3A_1544 : vector<1x16xi32> to vector<16xi32>
        %swap3A_1546 = vector.shape_cast %add3A_1540 : vector<16xi32> to vector<1x16xi32>
        tpu.vector_store %arg5[%swap3A_1542, %swap3A_1543], %swap3A_1546 {strides = array<i32>} : memref<4x128xi32, #tpu.memory_space<vmem>>, vector<1x16xi32>,
        %get3A_1547 = arith.constant 3 : i32
        %get3A_1548 = arith.index_cast %get3A_1547 : i32 to index
        %get3A_1549 = arith.constant 16 : index
        %get3A_1550 = tpu.vector_load %arg5[%get3A_1548, %get3A_1549] {strides = array<i32>} : memref<4x128xi32, #tpu.memory_space<vmem>>, vector<1x16xi32>,
        %get3A_1551 = vector.shape_cast %get3A_1550 : vector<1x16xi32> to vector<16xi32>
        %add3A_1552 = arith.addi %get3A_1551, %mul3A_5 : vector<16xi32>
        %swap3A_1553 = arith.constant 3 : i32
        %swap3A_1554 = arith.index_cast %swap3A_1553 : i32 to index
        %swap3A_1555 = arith.constant 16 : index
        %swap3A_1556 = tpu.vector_load %arg5[%swap3A_1554, %swap3A_1555] {strides = array<i32>} : memref<4x128xi32, #tpu.memory_space<vmem>>, vector<1x16xi32>,
        %swap3A_1557 = vector.shape_cast %swap3A_1556 : vector<1x16xi32> to vector<16xi32>
        %swap3A_1558 = vector.shape_cast %add3A_1552 : vector<16xi32> to vector<1x16xi32>
        tpu.vector_store %arg5[%swap3A_1554, %swap3A_1555], %swap3A_1558 {strides = array<i32>} : memref<4x128xi32, #tpu.memory_space<vmem>>, vector<1x16xi32>,
        %get3A_1559 = arith.constant 3 : i32
        %get3A_1560 = arith.index_cast %get3A_1559 : i32 to index
        %get3A_1561 = arith.constant 32 : index
        %get3A_1562 = tpu.vector_load %arg5[%get3A_1560, %get3A_1561] {strides = array<i32>} : memref<4x128xi32, #tpu.memory_space<vmem>>, vector<1x16xi32>,
        %get3A_1563 = vector.shape_cast %get3A_1562 : vector<1x16xi32> to vector<16xi32>
        %add3A_1564 = arith.addi %get3A_1563, %mul3A_5 : vector<16xi32>
        %swap3A_1565 = arith.constant 3 : i32
        %swap3A_1566 = arith.index_cast %swap3A_1565 : i32 to index
        %swap3A_1567 = arith.constant 32 : index
        %swap3A_1568 = tpu.vector_load %arg5[%swap3A_1566, %swap3A_1567] {strides = array<i32>} : memref<4x128xi32, #tpu.memory_space<vmem>>, vector<1x16xi32>,
        %swap3A_1569 = vector.shape_cast %swap3A_1568 : vector<1x16xi32> to vector<16xi32>
        %swap3A_1570 = vector.shape_cast %add3A_1564 : vector<16xi32> to vector<1x16xi32>
        tpu.vector_store %arg5[%swap3A_1566, %swap3A_1567], %swap3A_1570 {strides = array<i32>} : memref<4x128xi32, #tpu.memory_space<vmem>>, vector<1x16xi32>,
        %get3A_1571 = arith.constant 3 : i32
        %get3A_1572 = arith.index_cast %get3A_1571 : i32 to index
        %get3A_1573 = arith.constant 48 : index
        %get3A_1574 = tpu.vector_load %arg5[%get3A_1572, %get3A_1573] {strides = array<i32>} : memref<4x128xi32, #tpu.memory_space<vmem>>, vector<1x16xi32>,
        %get3A_1575 = vector.shape_cast %get3A_1574 : vector<1x16xi32> to vector<16xi32>
        %add3A_1576 = arith.addi %get3A_1575, %mul3A_5 : vector<16xi32>
        %swap3A_1577 = arith.constant 3 : i32
        %swap3A_1578 = arith.index_cast %swap3A_1577 : i32 to index
        %swap3A_1579 = arith.constant 48 : index
        %swap3A_1580 = tpu.vector_load %arg5[%swap3A_1578, %swap3A_1579] {strides = array<i32>} : memref<4x128xi32, #tpu.memory_space<vmem>>, vector<1x16xi32>,
        %swap3A_1581 = vector.shape_cast %swap3A_1580 : vector<1x16xi32> to vector<16xi32>
        %swap3A_1582 = vector.shape_cast %add3A_1576 : vector<16xi32> to vector<1x16xi32>
        tpu.vector_store %arg5[%swap3A_1578, %swap3A_1579], %swap3A_1582 {strides = array<i32>} : memref<4x128xi32, #tpu.memory_space<vmem>>, vector<1x16xi32>,
        %get3A_1583 = arith.constant 3 : i32
        %get3A_1584 = arith.index_cast %get3A_1583 : i32 to index
        %get3A_1585 = arith.constant 64 : index
        %get3A_1586 = tpu.vector_load %arg5[%get3A_1584, %get3A_1585] {strides = array<i32>} : memref<4x128xi32, #tpu.memory_space<vmem>>, vector<1x16xi32>,
        %get3A_1587 = vector.shape_cast %get3A_1586 : vector<1x16xi32> to vector<16xi32>
        %add3A_1588 = arith.addi %get3A_1587, %mul3A_5 : vector<16xi32>
        %swap3A_1589 = arith.constant 3 : i32
        %swap3A_1590 = arith.index_cast %swap3A_1589 : i32 to index
        %swap3A_1591 = arith.constant 64 : index
        %swap3A_1592 = tpu.vector_load %arg5[%swap3A_1590, %swap3A_1591] {strides = array<i32>} : memref<4x128xi32, #tpu.memory_space<vmem>>, vector<1x16xi32>,
        %swap3A_1593 = vector.shape_cast %swap3A_1592 : vector<1x16xi32> to vector<16xi32>
        %swap3A_1594 = vector.shape_cast %add3A_1588 : vector<16xi32> to vector<1x16xi32>
        tpu.vector_store %arg5[%swap3A_1590, %swap3A_1591], %swap3A_1594 {strides = array<i32>} : memref<4x128xi32, #tpu.memory_space<vmem>>, vector<1x16xi32>,
        %get3A_1595 = arith.constant 3 : i32
        %get3A_1596 = arith.index_cast %get3A_1595 : i32 to index
        %get3A_1597 = arith.constant 80 : index
        %get3A_1598 = tpu.vector_load %arg5[%get3A_1596, %get3A_1597] {strides = array<i32>} : memref<4x128xi32, #tpu.memory_space<vmem>>, vector<1x16xi32>,
        %get3A_1599 = vector.shape_cast %get3A_1598 : vector<1x16xi32> to vector<16xi32>
        %add3A_1600 = arith.addi %get3A_1599, %mul3A_5 : vector<16xi32>
        %swap3A_1601 = arith.constant 3 : i32
        %swap3A_1602 = arith.index_cast %swap3A_1601 : i32 to index
        %swap3A_1603 = arith.constant 80 : index
        %swap3A_1604 = tpu.vector_load %arg5[%swap3A_1602, %swap3A_1603] {strides = array<i32>} : memref<4x128xi32, #tpu.memory_space<vmem>>, vector<1x16xi32>,
        %swap3A_1605 = vector.shape_cast %swap3A_1604 : vector<1x16xi32> to vector<16xi32>
        %swap3A_1606 = vector.shape_cast %add3A_1600 : vector<16xi32> to vector<1x16xi32>
        tpu.vector_store %arg5[%swap3A_1602, %swap3A_1603], %swap3A_1606 {strides = array<i32>} : memref<4x128xi32, #tpu.memory_space<vmem>>, vector<1x16xi32>,
        %get3A_1607 = arith.constant 3 : i32
        %get3A_1608 = arith.index_cast %get3A_1607 : i32 to index
        %get3A_1609 = arith.constant 96 : index
        %get3A_1610 = tpu.vector_load %arg5[%get3A_1608, %get3A_1609] {strides = array<i32>} : memref<4x128xi32, #tpu.memory_space<vmem>>, vector<1x16xi32>,
        %get3A_1611 = vector.shape_cast %get3A_1610 : vector<1x16xi32> to vector<16xi32>
        %add3A_1612 = arith.addi %get3A_1611, %mul3A_5 : vector<16xi32>
        %swap3A_1613 = arith.constant 3 : i32
        %swap3A_1614 = arith.index_cast %swap3A_1613 : i32 to index
        %swap3A_1615 = arith.constant 96 : index
        %swap3A_1616 = tpu.vector_load %arg5[%swap3A_1614, %swap3A_1615] {strides = array<i32>} : memref<4x128xi32, #tpu.memory_space<vmem>>, vector<1x16xi32>,
        %swap3A_1617 = vector.shape_cast %swap3A_1616 : vector<1x16xi32> to vector<16xi32>
        %swap3A_1618 = vector.shape_cast %add3A_1612 : vector<16xi32> to vector<1x16xi32>
        tpu.vector_store %arg5[%swap3A_1614, %swap3A_1615], %swap3A_1618 {strides = array<i32>} : memref<4x128xi32, #tpu.memory_space<vmem>>, vector<1x16xi32>,
        %get3A_1619 = arith.constant 3 : i32
        %get3A_1620 = arith.index_cast %get3A_1619 : i32 to index
        %get3A_1621 = arith.constant 112 : index
        %get3A_1622 = tpu.vector_load %arg5[%get3A_1620, %get3A_1621] {strides = array<i32>} : memref<4x128xi32, #tpu.memory_space<vmem>>, vector<1x16xi32>,
        %get3A_1623 = vector.shape_cast %get3A_1622 : vector<1x16xi32> to vector<16xi32>
        %add3A_1624 = arith.addi %get3A_1623, %mul3A_5 : vector<16xi32>
        %swap3A_1625 = arith.constant 3 : i32
        %swap3A_1626 = arith.index_cast %swap3A_1625 : i32 to index
        %swap3A_1627 = arith.constant 112 : index
        %swap3A_1628 = tpu.vector_load %arg5[%swap3A_1626, %swap3A_1627] {strides = array<i32>} : memref<4x128xi32, #tpu.memory_space<vmem>>, vector<1x16xi32>,
        %swap3A_1629 = vector.shape_cast %swap3A_1628 : vector<1x16xi32> to vector<16xi32>
        %swap3A_1630 = vector.shape_cast %add3A_1624 : vector<16xi32> to vector<1x16xi32>
        tpu.vector_store %arg5[%swap3A_1626, %swap3A_1627], %swap3A_1630 {strides = array<i32>} : memref<4x128xi32, #tpu.memory_space<vmem>>, vector<1x16xi32>,
        %dma_start3A_1631 = arith.constant 0 : i32
        %dma_start3A_1632 = arith.constant 0 : i32
        %dma_start3A_1633 = arith.constant 0 : i32
        %dma_start3A_1634 = tpu.memref_slice %arg7[%dma_start3A_1632, %dma_start3A_1633] : memref<512x64xf32, #tpu.memory_space<vmem>> -> memref<128x64xf32, #tpu.memory_space<vmem>>
        %dma_start3A_1635 = arith.constant 0 : i32
        %dma_start3A_1636 = tpu.memref_slice %arg5[%dma_start3A_1631, %dma_start3A_1635] : memref<4x128xi32, #tpu.memory_space<vmem>> -> memref<1x128xi32, #tpu.memory_space<vmem>>
        %dma_start3A_1637 = tpu.memref_squeeze %dma_start3A_1636 : memref<1x128xi32, #tpu.memory_space<vmem>> -> memref<128xi32, #tpu.memory_space<vmem>>
        %dma_start3A_1638 = arith.constant 0 : i32
        %dma_start3A_1639 = arith.constant 0 : i32
        %dma_start3A_1640 = tpu.memref_slice %arg3[%dma_start3A_1638, %dma_start3A_1639] : memref<400000x64xf32, #tpu.memory_space<hbm>> -> memref<400000x64xf32, #tpu.memory_space<hbm>>
        tpu.enqueue_indirect_dma source(%dma_start3A_1640 : memref<400000x64xf32, #tpu.memory_space<hbm>>) target(%dma_start3A_1634 : memref<128x64xf32, #tpu.memory_space<vmem>>) offsets(%dma_start3A_1637 : memref<128xi32, #tpu.memory_space<vmem>>) semaphore(%arg11 : memref<!tpu.dma_semaphore, #tpu.memory_space<semaphore_mem>>)
        %dma_start3A_1641 = arith.constant 1 : i32
        %dma_start3A_1642 = arith.constant 128 : i32
        %dma_start3A_1643 = arith.constant 0 : i32
        %dma_start3A_1644 = tpu.memref_slice %arg7[%dma_start3A_1642, %dma_start3A_1643] : memref<512x64xf32, #tpu.memory_space<vmem>> -> memref<128x64xf32, #tpu.memory_space<vmem>>
        %dma_start3A_1645 = arith.constant 0 : i32
        %dma_start3A_1646 = tpu.memref_slice %arg5[%dma_start3A_1641, %dma_start3A_1645] : memref<4x128xi32, #tpu.memory_space<vmem>> -> memref<1x128xi32, #tpu.memory_space<vmem>>
        %dma_start3A_1647 = tpu.memref_squeeze %dma_start3A_1646 : memref<1x128xi32, #tpu.memory_space<vmem>> -> memref<128xi32, #tpu.memory_space<vmem>>
        %dma_start3A_1648 = arith.constant 0 : i32
        %dma_start3A_1649 = arith.constant 0 : i32
        %dma_start3A_1650 = tpu.memref_slice %arg3[%dma_start3A_1648, %dma_start3A_1649] : memref<400000x64xf32, #tpu.memory_space<hbm>> -> memref<400000x64xf32, #tpu.memory_space<hbm>>
        tpu.enqueue_indirect_dma source(%dma_start3A_1650 : memref<400000x64xf32, #tpu.memory_space<hbm>>) target(%dma_start3A_1644 : memref<128x64xf32, #tpu.memory_space<vmem>>) offsets(%dma_start3A_1647 : memref<128xi32, #tpu.memory_space<vmem>>) semaphore(%arg11 : memref<!tpu.dma_semaphore, #tpu.memory_space<semaphore_mem>>)
        %dma_start3A_1651 = arith.constant 2 : i32
        %dma_start3A_1652 = arith.constant 256 : i32
        %dma_start3A_1653 = arith.constant 0 : i32
        %dma_start3A_1654 = tpu.memref_slice %arg7[%dma_start3A_1652, %dma_start3A_1653] : memref<512x64xf32, #tpu.memory_space<vmem>> -> memref<128x64xf32, #tpu.memory_space<vmem>>
        %dma_start3A_1655 = arith.constant 0 : i32
        %dma_start3A_1656 = tpu.memref_slice %arg5[%dma_start3A_1651, %dma_start3A_1655] : memref<4x128xi32, #tpu.memory_space<vmem>> -> memref<1x128xi32, #tpu.memory_space<vmem>>
        %dma_start3A_1657 = tpu.memref_squeeze %dma_start3A_1656 : memref<1x128xi32, #tpu.memory_space<vmem>> -> memref<128xi32, #tpu.memory_space<vmem>>
        %dma_start3A_1658 = arith.constant 0 : i32
        %dma_start3A_1659 = arith.constant 0 : i32
        %dma_start3A_1660 = tpu.memref_slice %arg3[%dma_start3A_1658, %dma_start3A_1659] : memref<400000x64xf32, #tpu.memory_space<hbm>> -> memref<400000x64xf32, #tpu.memory_space<hbm>>
        tpu.enqueue_indirect_dma source(%dma_start3A_1660 : memref<400000x64xf32, #tpu.memory_space<hbm>>) target(%dma_start3A_1654 : memref<128x64xf32, #tpu.memory_space<vmem>>) offsets(%dma_start3A_1657 : memref<128xi32, #tpu.memory_space<vmem>>) semaphore(%arg11 : memref<!tpu.dma_semaphore, #tpu.memory_space<semaphore_mem>>)
        %dma_start3A_1661 = arith.constant 3 : i32
        %dma_start3A_1662 = arith.constant 384 : i32
        %dma_start3A_1663 = arith.constant 0 : i32
        %dma_start3A_1664 = tpu.memref_slice %arg7[%dma_start3A_1662, %dma_start3A_1663] : memref<512x64xf32, #tpu.memory_space<vmem>> -> memref<128x64xf32, #tpu.memory_space<vmem>>
        %dma_start3A_1665 = arith.constant 0 : i32
        %dma_start3A_1666 = tpu.memref_slice %arg5[%dma_start3A_1661, %dma_start3A_1665] : memref<4x128xi32, #tpu.memory_space<vmem>> -> memref<1x128xi32, #tpu.memory_space<vmem>>
        %dma_start3A_1667 = tpu.memref_squeeze %dma_start3A_1666 : memref<1x128xi32, #tpu.memory_space<vmem>> -> memref<128xi32, #tpu.memory_space<vmem>>
        %dma_start3A_1668 = arith.constant 0 : i32
        %dma_start3A_1669 = arith.constant 0 : i32
        %dma_start3A_1670 = tpu.memref_slice %arg3[%dma_start3A_1668, %dma_start3A_1669] : memref<400000x64xf32, #tpu.memory_space<hbm>> -> memref<400000x64xf32, #tpu.memory_space<hbm>>
        tpu.enqueue_indirect_dma source(%dma_start3A_1670 : memref<400000x64xf32, #tpu.memory_space<hbm>>) target(%dma_start3A_1664 : memref<128x64xf32, #tpu.memory_space<vmem>>) offsets(%dma_start3A_1667 : memref<128xi32, #tpu.memory_space<vmem>>) semaphore(%arg11 : memref<!tpu.dma_semaphore, #tpu.memory_space<semaphore_mem>>)
      } else {
      }
      %dma_wait3A_1125 = arith.constant 0 : i32
      %dma_wait3A_1126 = arith.constant 0 : i32
      %dma_wait3A_1127 = arith.constant 0 : i32
      %dma_wait3A_1128 = tpu.memref_slice %arg8[%dma_wait3A_1126, %dma_wait3A_1127] : memref<512x64xf32, #tpu.memory_space<vmem>> -> memref<128x64xf32, #tpu.memory_space<vmem>>
      %dma_wait3A_1129 = arith.constant 0 : i32
      %dma_wait3A_1130 = tpu.memref_slice %arg6[%dma_wait3A_1125, %dma_wait3A_1129] : memref<4x128xi32, #tpu.memory_space<vmem>> -> memref<1x128xi32, #tpu.memory_space<vmem>>
      %dma_wait3A_1131 = tpu.memref_squeeze %dma_wait3A_1130 : memref<1x128xi32, #tpu.memory_space<vmem>> -> memref<128xi32, #tpu.memory_space<vmem>>
      %dma_wait3A_1132 = arith.constant 0 : i32
      %dma_wait3A_1133 = arith.constant 0 : i32
      %dma_wait3A_1134 = tpu.memref_slice %arg3[%dma_wait3A_1132, %dma_wait3A_1133] : memref<400000x64xf32, #tpu.memory_space<hbm>> -> memref<400000x64xf32, #tpu.memory_space<hbm>>
      tpu.wait_indirect_dma semaphore(%arg12 : memref<!tpu.dma_semaphore, #tpu.memory_space<semaphore_mem>>) src(%dma_wait3A_1134 : memref<400000x64xf32, #tpu.memory_space<hbm>>) dst(%dma_wait3A_1128 : memref<128x64xf32, #tpu.memory_space<vmem>>)
      %dma_wait3A_1135 = arith.constant 1 : i32
      %dma_wait3A_1136 = arith.constant 128 : i32
      %dma_wait3A_1137 = arith.constant 0 : i32
      %dma_wait3A_1138 = tpu.memref_slice %arg8[%dma_wait3A_1136, %dma_wait3A_1137] : memref<512x64xf32, #tpu.memory_space<vmem>> -> memref<128x64xf32, #tpu.memory_space<vmem>>
      %dma_wait3A_1139 = arith.constant 0 : i32
      %dma_wait3A_1140 = tpu.memref_slice %arg6[%dma_wait3A_1135, %dma_wait3A_1139] : memref<4x128xi32, #tpu.memory_space<vmem>> -> memref<1x128xi32, #tpu.memory_space<vmem>>
      %dma_wait3A_1141 = tpu.memref_squeeze %dma_wait3A_1140 : memref<1x128xi32, #tpu.memory_space<vmem>> -> memref<128xi32, #tpu.memory_space<vmem>>
      %dma_wait3A_1142 = arith.constant 0 : i32
      %dma_wait3A_1143 = arith.constant 0 : i32
      %dma_wait3A_1144 = tpu.memref_slice %arg3[%dma_wait3A_1142, %dma_wait3A_1143] : memref<400000x64xf32, #tpu.memory_space<hbm>> -> memref<400000x64xf32, #tpu.memory_space<hbm>>
      tpu.wait_indirect_dma semaphore(%arg12 : memref<!tpu.dma_semaphore, #tpu.memory_space<semaphore_mem>>) src(%dma_wait3A_1144 : memref<400000x64xf32, #tpu.memory_space<hbm>>) dst(%dma_wait3A_1138 : memref<128x64xf32, #tpu.memory_space<vmem>>)
      %dma_wait3A_1145 = arith.constant 2 : i32
      %dma_wait3A_1146 = arith.constant 256 : i32
      %dma_wait3A_1147 = arith.constant 0 : i32
      %dma_wait3A_1148 = tpu.memref_slice %arg8[%dma_wait3A_1146, %dma_wait3A_1147] : memref<512x64xf32, #tpu.memory_space<vmem>> -> memref<128x64xf32, #tpu.memory_space<vmem>>
      %dma_wait3A_1149 = arith.constant 0 : i32
      %dma_wait3A_1150 = tpu.memref_slice %arg6[%dma_wait3A_1145, %dma_wait3A_1149] : memref<4x128xi32, #tpu.memory_space<vmem>> -> memref<1x128xi32, #tpu.memory_space<vmem>>
      %dma_wait3A_1151 = tpu.memref_squeeze %dma_wait3A_1150 : memref<1x128xi32, #tpu.memory_space<vmem>> -> memref<128xi32, #tpu.memory_space<vmem>>
      %dma_wait3A_1152 = arith.constant 0 : i32
      %dma_wait3A_1153 = arith.constant 0 : i32
      %dma_wait3A_1154 = tpu.memref_slice %arg3[%dma_wait3A_1152, %dma_wait3A_1153] : memref<400000x64xf32, #tpu.memory_space<hbm>> -> memref<400000x64xf32, #tpu.memory_space<hbm>>
      tpu.wait_indirect_dma semaphore(%arg12 : memref<!tpu.dma_semaphore, #tpu.memory_space<semaphore_mem>>) src(%dma_wait3A_1154 : memref<400000x64xf32, #tpu.memory_space<hbm>>) dst(%dma_wait3A_1148 : memref<128x64xf32, #tpu.memory_space<vmem>>)
      %dma_wait3A_1155 = arith.constant 3 : i32
      %dma_wait3A_1156 = arith.constant 384 : i32
      %dma_wait3A_1157 = arith.constant 0 : i32
      %dma_wait3A_1158 = tpu.memref_slice %arg8[%dma_wait3A_1156, %dma_wait3A_1157] : memref<512x64xf32, #tpu.memory_space<vmem>> -> memref<128x64xf32, #tpu.memory_space<vmem>>
      %dma_wait3A_1159 = arith.constant 0 : i32
      %dma_wait3A_1160 = tpu.memref_slice %arg6[%dma_wait3A_1155, %dma_wait3A_1159] : memref<4x128xi32, #tpu.memory_space<vmem>> -> memref<1x128xi32, #tpu.memory_space<vmem>>
      %dma_wait3A_1161 = tpu.memref_squeeze %dma_wait3A_1160 : memref<1x128xi32, #tpu.memory_space<vmem>> -> memref<128xi32, #tpu.memory_space<vmem>>
      %dma_wait3A_1162 = arith.constant 0 : i32
      %dma_wait3A_1163 = arith.constant 0 : i32
      %dma_wait3A_1164 = tpu.memref_slice %arg3[%dma_wait3A_1162, %dma_wait3A_1163] : memref<400000x64xf32, #tpu.memory_space<hbm>> -> memref<400000x64xf32, #tpu.memory_space<hbm>>
      tpu.wait_indirect_dma semaphore(%arg12 : memref<!tpu.dma_semaphore, #tpu.memory_space<semaphore_mem>>) src(%dma_wait3A_1164 : memref<400000x64xf32, #tpu.memory_space<hbm>>) dst(%dma_wait3A_1158 : memref<128x64xf32, #tpu.memory_space<vmem>>)
      %mul3A_1165 = arith.constant 2 : i32
      %mul3A_1166 = arith.muli %mul3A_1165, %scan3A_558 : i32
      %add3A_1167 = arith.constant 3 : i32
      %add3A_1168 = arith.addi %mul3A_1166, %add3A_1167 : i32
      %lt3A_1169 = arith.constant 200 : i32
      %lt3A_1170 = arith.cmpi slt, %add3A_1168, %lt3A_1169 : i32
      %convert_element_type3A_1171 = arith.extui %lt3A_1170 : i1 to i32
      %cond3A_1172 = arith.constant 0 : i32
      %cond3A_1173 = arith.cmpi ne, %convert_element_type3A_1171, %cond3A_1172 : i32
      scf.if %cond3A_1173 {
        %mul3A_1216 = arith.constant 4 : i32
        %mul3A_1217 = arith.muli %multiple_of3A_573, %mul3A_1216 : i32
        %jit3A_1218 = arith.constant 128 : i32
        %div3A_1219 = arith.divsi %mul3A_1217, %jit3A_1218 : i32
        %sign3A_1220 = arith.constant 0 : i32
        %sign3A_1221 = arith.cmpi sgt, %mul3A_1217, %sign3A_1220 : i32
        %sign3A_1222 = arith.extui %sign3A_1221 : i1 to i32
        %sign3A_1223 = arith.constant 0 : i32
        %sign3A_1224 = arith.cmpi slt, %mul3A_1217, %sign3A_1223 : i32
        %sign3A_1225 = arith.extui %sign3A_1224 : i1 to i32
        %sign3A_1226 = arith.subi %sign3A_1222, %sign3A_1225 : i32
        %sign3A_1227 = arith.constant 0 : i32
        %sign3A_1228 = arith.cmpi sgt, %jit3A_1218, %sign3A_1227 : i32
        %sign3A_1229 = arith.extui %sign3A_1228 : i1 to i32
        %sign3A_1230 = arith.constant 0 : i32
        %sign3A_1231 = arith.cmpi slt, %jit3A_1218, %sign3A_1230 : i32
        %sign3A_1232 = arith.extui %sign3A_1231 : i1 to i32
        %sign3A_1233 = arith.subi %sign3A_1229, %sign3A_1232 : i32
        %ne3A_1234 = arith.cmpi ne, %sign3A_1226, %sign3A_1233 : i32
        %rem3A_1235 = arith.remsi %mul3A_1217, %jit3A_1218 : i32
        %ne3A_1236 = arith.constant 0 : i32
        %ne3A_1237 = arith.cmpi ne, %rem3A_1235, %ne3A_1236 : i32
        %and3A_1238 = arith.andi %ne3A_1234, %ne3A_1237 : i1
        %sub3A_1239 = arith.constant 1 : i32
        %sub3A_1240 = arith.subi %div3A_1219, %sub3A_1239 : i32
        %select_n3A_1241 = arith.select %and3A_1238, %sub3A_1240, %div3A_1219 : i32
        %multiple_of3A_1242 = tpu.assume_multiple %select_n3A_1241, 4 : i32
        %dma_start3A_1243 = arith.constant 0 : i32
        %dma_start3A_1244 = tpu.memref_slice %arg2[%multiple_of3A_1242, %dma_start3A_1243] : memref<25600x128xi32, #tpu.memory_space<hbm>> -> memref<4x128xi32, #tpu.memory_space<hbm>>
        %dma_start3A_1245 = arith.constant 0 : i32
        %dma_start3A_1246 = tpu.memref_slice %arg2[%multiple_of3A_1242, %dma_start3A_1245] : memref<25600x128xi32, #tpu.memory_space<hbm>> -> memref<4x128xi32, #tpu.memory_space<hbm>>
        tpu.enqueue_dma source(%dma_start3A_1246 : memref<4x128xi32, #tpu.memory_space<hbm>>) target(%arg6 : memref<4x128xi32, #tpu.memory_space<vmem>>) target_semaphore(%arg16 : memref<!tpu.dma_semaphore, #tpu.memory_space<semaphore_mem>>)
      } else {
      }
      %gt3A_1174 = arith.constant 0 : i32
      %gt3A_1175 = arith.cmpi sgt, %scan3A_558, %gt3A_1174 : i32
      %mul3A_1176 = arith.constant 64 : i32
      %mul3A_1177 = arith.muli %multiple_of3A_567, %mul3A_1176 : i32
      %jit3A_1178 = arith.constant 128 : i32
      %div3A_1179 = arith.divsi %mul3A_1177, %jit3A_1178 : i32
      %sign3A_1180 = arith.constant 0 : i32
      %sign3A_1181 = arith.cmpi sgt, %mul3A_1177, %sign3A_1180 : i32
      %sign3A_1182 = arith.extui %sign3A_1181 : i1 to i32
      %sign3A_1183 = arith.constant 0 : i32
      %sign3A_1184 = arith.cmpi slt, %mul3A_1177, %sign3A_1183 : i32
      %sign3A_1185 = arith.extui %sign3A_1184 : i1 to i32
      %sign3A_1186 = arith.subi %sign3A_1182, %sign3A_1185 : i32
      %sign3A_1187 = arith.constant 0 : i32
      %sign3A_1188 = arith.cmpi sgt, %jit3A_1178, %sign3A_1187 : i32
      %sign3A_1189 = arith.extui %sign3A_1188 : i1 to i32
      %sign3A_1190 = arith.constant 0 : i32
      %sign3A_1191 = arith.cmpi slt, %jit3A_1178, %sign3A_1190 : i32
      %sign3A_1192 = arith.extui %sign3A_1191 : i1 to i32
      %sign3A_1193 = arith.subi %sign3A_1189, %sign3A_1192 : i32
      %ne3A_1194 = arith.cmpi ne, %sign3A_1186, %sign3A_1193 : i32
      %rem3A_1195 = arith.remsi %mul3A_1177, %jit3A_1178 : i32
      %ne3A_1196 = arith.constant 0 : i32
      %ne3A_1197 = arith.cmpi ne, %rem3A_1195, %ne3A_1196 : i32
      %and3A_1198 = arith.andi %ne3A_1194, %ne3A_1197 : i1
      %sub3A_1199 = arith.constant 1 : i32
      %sub3A_1200 = arith.subi %div3A_1179, %sub3A_1199 : i32
      %select_n3A_1201 = arith.select %and3A_1198, %sub3A_1200, %div3A_1179 : i32
      %multiple_of3A_1202 = tpu.assume_multiple %select_n3A_1201, 64 : i32
      %convert_element_type3A_1203 = arith.extui %gt3A_1175 : i1 to i32
      %cond3A_1204 = arith.constant 0 : i32
      %cond3A_1205 = arith.cmpi ne, %convert_element_type3A_1203, %cond3A_1204 : i32
      scf.if %cond3A_1205 {
        %dma_wait3A_1216 = arith.constant 0 : i32
        %dma_wait3A_1217 = tpu.memref_slice %arg4[%multiple_of3A_1202, %dma_wait3A_1216] : memref<409600x128xf32, #tpu.memory_space<hbm>> -> memref<64x128xf32, #tpu.memory_space<hbm>>
        %dma_wait3A_1218 = arith.constant 0 : i32
        %dma_wait3A_1219 = tpu.memref_slice %arg4[%multiple_of3A_1202, %dma_wait3A_1218] : memref<409600x128xf32, #tpu.memory_space<hbm>> -> memref<64x128xf32, #tpu.memory_space<hbm>>
        tpu.wait_dma2 semaphore(%arg14 : memref<!tpu.dma_semaphore, #tpu.memory_space<semaphore_mem>>) src(%arg10 : memref<64x128xf32, #tpu.memory_space<vmem>>) dst(%dma_wait3A_1219 : memref<64x128xf32, #tpu.memory_space<hbm>>)
      } else {
      }
      %scan3A_1206 = arith.constant 0 : i32
      %scan3A_1207 = arith.constant 0 : i32
      %scan3A_1208 = arith.constant 64 : i32
      %scan3A_1209 = arith.addi %scan3A_1207, %scan3A_1208 : i32
      %scan3A_1210 = arith.constant 1 : i32
      scf.for %scan3A_1216 = %scan3A_1207 to %scan3A_1209 step %scan3A_1210  : i32 {
        %mul3A_1217 = arith.constant 2 : i32
        %mul3A_1218 = arith.muli %scan3A_1216, %mul3A_1217 : i32
        %add3A_1219 = arith.constant 0 : i32
        %add3A_1220 = arith.addi %mul3A_1218, %add3A_1219 : i32
        %mul3A_1221 = arith.constant 4 : i32
        %mul3A_1222 = arith.muli %add3A_1220, %mul3A_1221 : i32
        %get3A_1223 = arith.index_cast %mul3A_1222 : i32 to index
        %get3A_1224 = arith.constant 0 : index
        %get3A_1225 = tpu.vector_load %arg8[%get3A_1223, %get3A_1224] {strides = array<i32>} : memref<512x64xf32, #tpu.memory_space<vmem>>, vector<1x16xf32>,
        %get3A_1226 = vector.shape_cast %get3A_1225 : vector<1x16xf32> to vector<16xf32>
        %add3A_1227 = arith.constant 1 : i32
        %add3A_1228 = arith.addi %mul3A_1222, %add3A_1227 : i32
        %get3A_1229 = arith.index_cast %add3A_1228 : i32 to index
        %get3A_1230 = arith.constant 0 : index
        %get3A_1231 = tpu.vector_load %arg8[%get3A_1229, %get3A_1230] {strides = array<i32>} : memref<512x64xf32, #tpu.memory_space<vmem>>, vector<1x16xf32>,
        %get3A_1232 = vector.shape_cast %get3A_1231 : vector<1x16xf32> to vector<16xf32>
        %add3A_1233 = arith.addf %get3A_1226, %get3A_1232 : vector<16xf32>
        %add3A_1234 = arith.constant 2 : i32
        %add3A_1235 = arith.addi %mul3A_1222, %add3A_1234 : i32
        %get3A_1236 = arith.index_cast %add3A_1235 : i32 to index
        %get3A_1237 = arith.constant 0 : index
        %get3A_1238 = tpu.vector_load %arg8[%get3A_1236, %get3A_1237] {strides = array<i32>} : memref<512x64xf32, #tpu.memory_space<vmem>>, vector<1x16xf32>,
        %get3A_1239 = vector.shape_cast %get3A_1238 : vector<1x16xf32> to vector<16xf32>
        %add3A_1240 = arith.constant 3 : i32
        %add3A_1241 = arith.addi %mul3A_1222, %add3A_1240 : i32
        %get3A_1242 = arith.index_cast %add3A_1241 : i32 to index
        %get3A_1243 = arith.constant 0 : index
        %get3A_1244 = tpu.vector_load %arg8[%get3A_1242, %get3A_1243] {strides = array<i32>} : memref<512x64xf32, #tpu.memory_space<vmem>>, vector<1x16xf32>,
        %get3A_1245 = vector.shape_cast %get3A_1244 : vector<1x16xf32> to vector<16xf32>
        %add3A_1246 = arith.addf %get3A_1239, %get3A_1245 : vector<16xf32>
        %add3A_1247 = arith.addf %add3A_1233, %add3A_1246 : vector<16xf32>
        %swap3A_1248 = arith.index_cast %scan3A_1216 : i32 to index
        %swap3A_1249 = arith.constant 0 : index
        %swap3A_1250 = tpu.vector_load %arg10[%swap3A_1248, %swap3A_1249] {strides = array<i32>} : memref<64x128xf32, #tpu.memory_space<vmem>>, vector<1x16xf32>,
        %swap3A_1251 = vector.shape_cast %swap3A_1250 : vector<1x16xf32> to vector<16xf32>
        %swap3A_1252 = vector.shape_cast %add3A_1247 : vector<16xf32> to vector<1x16xf32>
        tpu.vector_store %arg10[%swap3A_1248, %swap3A_1249], %swap3A_1252 {strides = array<i32>} : memref<64x128xf32, #tpu.memory_space<vmem>>, vector<1x16xf32>,
        %get3A_1253 = arith.index_cast %mul3A_1222 : i32 to index
        %get3A_1254 = arith.constant 16 : index
        %get3A_1255 = tpu.vector_load %arg8[%get3A_1253, %get3A_1254] {strides = array<i32>} : memref<512x64xf32, #tpu.memory_space<vmem>>, vector<1x16xf32>,
        %get3A_1256 = vector.shape_cast %get3A_1255 : vector<1x16xf32> to vector<16xf32>
        %add3A_1257 = arith.constant 1 : i32
        %add3A_1258 = arith.addi %mul3A_1222, %add3A_1257 : i32
        %get3A_1259 = arith.index_cast %add3A_1258 : i32 to index
        %get3A_1260 = arith.constant 16 : index
        %get3A_1261 = tpu.vector_load %arg8[%get3A_1259, %get3A_1260] {strides = array<i32>} : memref<512x64xf32, #tpu.memory_space<vmem>>, vector<1x16xf32>,
        %get3A_1262 = vector.shape_cast %get3A_1261 : vector<1x16xf32> to vector<16xf32>
        %add3A_1263 = arith.addf %get3A_1256, %get3A_1262 : vector<16xf32>
        %add3A_1264 = arith.constant 2 : i32
        %add3A_1265 = arith.addi %mul3A_1222, %add3A_1264 : i32
        %get3A_1266 = arith.index_cast %add3A_1265 : i32 to index
        %get3A_1267 = arith.constant 16 : index
        %get3A_1268 = tpu.vector_load %arg8[%get3A_1266, %get3A_1267] {strides = array<i32>} : memref<512x64xf32, #tpu.memory_space<vmem>>, vector<1x16xf32>,
        %get3A_1269 = vector.shape_cast %get3A_1268 : vector<1x16xf32> to vector<16xf32>
        %add3A_1270 = arith.constant 3 : i32
        %add3A_1271 = arith.addi %mul3A_1222, %add3A_1270 : i32
        %get3A_1272 = arith.index_cast %add3A_1271 : i32 to index
        %get3A_1273 = arith.constant 16 : index
        %get3A_1274 = tpu.vector_load %arg8[%get3A_1272, %get3A_1273] {strides = array<i32>} : memref<512x64xf32, #tpu.memory_space<vmem>>, vector<1x16xf32>,
        %get3A_1275 = vector.shape_cast %get3A_1274 : vector<1x16xf32> to vector<16xf32>
        %add3A_1276 = arith.addf %get3A_1269, %get3A_1275 : vector<16xf32>
        %add3A_1277 = arith.addf %add3A_1263, %add3A_1276 : vector<16xf32>
        %swap3A_1278 = arith.index_cast %scan3A_1216 : i32 to index
        %swap3A_1279 = arith.constant 16 : index
        %swap3A_1280 = tpu.vector_load %arg10[%swap3A_1278, %swap3A_1279] {strides = array<i32>} : memref<64x128xf32, #tpu.memory_space<vmem>>, vector<1x16xf32>,
        %swap3A_1281 = vector.shape_cast %swap3A_1280 : vector<1x16xf32> to vector<16xf32>
        %swap3A_1282 = vector.shape_cast %add3A_1277 : vector<16xf32> to vector<1x16xf32>
        tpu.vector_store %arg10[%swap3A_1278, %swap3A_1279], %swap3A_1282 {strides = array<i32>} : memref<64x128xf32, #tpu.memory_space<vmem>>, vector<1x16xf32>,
        %get3A_1283 = arith.index_cast %mul3A_1222 : i32 to index
        %get3A_1284 = arith.constant 32 : index
        %get3A_1285 = tpu.vector_load %arg8[%get3A_1283, %get3A_1284] {strides = array<i32>} : memref<512x64xf32, #tpu.memory_space<vmem>>, vector<1x16xf32>,
        %get3A_1286 = vector.shape_cast %get3A_1285 : vector<1x16xf32> to vector<16xf32>
        %add3A_1287 = arith.constant 1 : i32
        %add3A_1288 = arith.addi %mul3A_1222, %add3A_1287 : i32
        %get3A_1289 = arith.index_cast %add3A_1288 : i32 to index
        %get3A_1290 = arith.constant 32 : index
        %get3A_1291 = tpu.vector_load %arg8[%get3A_1289, %get3A_1290] {strides = array<i32>} : memref<512x64xf32, #tpu.memory_space<vmem>>, vector<1x16xf32>,
        %get3A_1292 = vector.shape_cast %get3A_1291 : vector<1x16xf32> to vector<16xf32>
        %add3A_1293 = arith.addf %get3A_1286, %get3A_1292 : vector<16xf32>
        %add3A_1294 = arith.constant 2 : i32
        %add3A_1295 = arith.addi %mul3A_1222, %add3A_1294 : i32
        %get3A_1296 = arith.index_cast %add3A_1295 : i32 to index
        %get3A_1297 = arith.constant 32 : index
        %get3A_1298 = tpu.vector_load %arg8[%get3A_1296, %get3A_1297] {strides = array<i32>} : memref<512x64xf32, #tpu.memory_space<vmem>>, vector<1x16xf32>,
        %get3A_1299 = vector.shape_cast %get3A_1298 : vector<1x16xf32> to vector<16xf32>
        %add3A_1300 = arith.constant 3 : i32
        %add3A_1301 = arith.addi %mul3A_1222, %add3A_1300 : i32
        %get3A_1302 = arith.index_cast %add3A_1301 : i32 to index
        %get3A_1303 = arith.constant 32 : index
        %get3A_1304 = tpu.vector_load %arg8[%get3A_1302, %get3A_1303] {strides = array<i32>} : memref<512x64xf32, #tpu.memory_space<vmem>>, vector<1x16xf32>,
        %get3A_1305 = vector.shape_cast %get3A_1304 : vector<1x16xf32> to vector<16xf32>
        %add3A_1306 = arith.addf %get3A_1299, %get3A_1305 : vector<16xf32>
        %add3A_1307 = arith.addf %add3A_1293, %add3A_1306 : vector<16xf32>
        %swap3A_1308 = arith.index_cast %scan3A_1216 : i32 to index
        %swap3A_1309 = arith.constant 32 : index
        %swap3A_1310 = tpu.vector_load %arg10[%swap3A_1308, %swap3A_1309] {strides = array<i32>} : memref<64x128xf32, #tpu.memory_space<vmem>>, vector<1x16xf32>,
        %swap3A_1311 = vector.shape_cast %swap3A_1310 : vector<1x16xf32> to vector<16xf32>
        %swap3A_1312 = vector.shape_cast %add3A_1307 : vector<16xf32> to vector<1x16xf32>
        tpu.vector_store %arg10[%swap3A_1308, %swap3A_1309], %swap3A_1312 {strides = array<i32>} : memref<64x128xf32, #tpu.memory_space<vmem>>, vector<1x16xf32>,
        %get3A_1313 = arith.index_cast %mul3A_1222 : i32 to index
        %get3A_1314 = arith.constant 48 : index
        %get3A_1315 = tpu.vector_load %arg8[%get3A_1313, %get3A_1314] {strides = array<i32>} : memref<512x64xf32, #tpu.memory_space<vmem>>, vector<1x16xf32>,
        %get3A_1316 = vector.shape_cast %get3A_1315 : vector<1x16xf32> to vector<16xf32>
        %add3A_1317 = arith.constant 1 : i32
        %add3A_1318 = arith.addi %mul3A_1222, %add3A_1317 : i32
        %get3A_1319 = arith.index_cast %add3A_1318 : i32 to index
        %get3A_1320 = arith.constant 48 : index
        %get3A_1321 = tpu.vector_load %arg8[%get3A_1319, %get3A_1320] {strides = array<i32>} : memref<512x64xf32, #tpu.memory_space<vmem>>, vector<1x16xf32>,
        %get3A_1322 = vector.shape_cast %get3A_1321 : vector<1x16xf32> to vector<16xf32>
        %add3A_1323 = arith.addf %get3A_1316, %get3A_1322 : vector<16xf32>
        %add3A_1324 = arith.constant 2 : i32
        %add3A_1325 = arith.addi %mul3A_1222, %add3A_1324 : i32
        %get3A_1326 = arith.index_cast %add3A_1325 : i32 to index
        %get3A_1327 = arith.constant 48 : index
        %get3A_1328 = tpu.vector_load %arg8[%get3A_1326, %get3A_1327] {strides = array<i32>} : memref<512x64xf32, #tpu.memory_space<vmem>>, vector<1x16xf32>,
        %get3A_1329 = vector.shape_cast %get3A_1328 : vector<1x16xf32> to vector<16xf32>
        %add3A_1330 = arith.constant 3 : i32
        %add3A_1331 = arith.addi %mul3A_1222, %add3A_1330 : i32
        %get3A_1332 = arith.index_cast %add3A_1331 : i32 to index
        %get3A_1333 = arith.constant 48 : index
        %get3A_1334 = tpu.vector_load %arg8[%get3A_1332, %get3A_1333] {strides = array<i32>} : memref<512x64xf32, #tpu.memory_space<vmem>>, vector<1x16xf32>,
        %get3A_1335 = vector.shape_cast %get3A_1334 : vector<1x16xf32> to vector<16xf32>
        %add3A_1336 = arith.addf %get3A_1329, %get3A_1335 : vector<16xf32>
        %add3A_1337 = arith.addf %add3A_1323, %add3A_1336 : vector<16xf32>
        %swap3A_1338 = arith.index_cast %scan3A_1216 : i32 to index
        %swap3A_1339 = arith.constant 48 : index
        %swap3A_1340 = tpu.vector_load %arg10[%swap3A_1338, %swap3A_1339] {strides = array<i32>} : memref<64x128xf32, #tpu.memory_space<vmem>>, vector<1x16xf32>,
        %swap3A_1341 = vector.shape_cast %swap3A_1340 : vector<1x16xf32> to vector<16xf32>
        %swap3A_1342 = vector.shape_cast %add3A_1337 : vector<16xf32> to vector<1x16xf32>
        tpu.vector_store %arg10[%swap3A_1338, %swap3A_1339], %swap3A_1342 {strides = array<i32>} : memref<64x128xf32, #tpu.memory_space<vmem>>, vector<1x16xf32>,
        %mul3A_1343 = arith.constant 2 : i32
        %mul3A_1344 = arith.muli %scan3A_1216, %mul3A_1343 : i32
        %add3A_1345 = arith.constant 1 : i32
        %add3A_1346 = arith.addi %mul3A_1344, %add3A_1345 : i32
        %mul3A_1347 = arith.constant 4 : i32
        %mul3A_1348 = arith.muli %add3A_1346, %mul3A_1347 : i32
        %get3A_1349 = arith.index_cast %mul3A_1348 : i32 to index
        %get3A_1350 = arith.constant 0 : index
        %get3A_1351 = tpu.vector_load %arg8[%get3A_1349, %get3A_1350] {strides = array<i32>} : memref<512x64xf32, #tpu.memory_space<vmem>>, vector<1x16xf32>,
        %get3A_1352 = vector.shape_cast %get3A_1351 : vector<1x16xf32> to vector<16xf32>
        %add3A_1353 = arith.constant 1 : i32
        %add3A_1354 = arith.addi %mul3A_1348, %add3A_1353 : i32
        %get3A_1355 = arith.index_cast %add3A_1354 : i32 to index
        %get3A_1356 = arith.constant 0 : index
        %get3A_1357 = tpu.vector_load %arg8[%get3A_1355, %get3A_1356] {strides = array<i32>} : memref<512x64xf32, #tpu.memory_space<vmem>>, vector<1x16xf32>,
        %get3A_1358 = vector.shape_cast %get3A_1357 : vector<1x16xf32> to vector<16xf32>
        %add3A_1359 = arith.addf %get3A_1352, %get3A_1358 : vector<16xf32>
        %add3A_1360 = arith.constant 2 : i32
        %add3A_1361 = arith.addi %mul3A_1348, %add3A_1360 : i32
        %get3A_1362 = arith.index_cast %add3A_1361 : i32 to index
        %get3A_1363 = arith.constant 0 : index
        %get3A_1364 = tpu.vector_load %arg8[%get3A_1362, %get3A_1363] {strides = array<i32>} : memref<512x64xf32, #tpu.memory_space<vmem>>, vector<1x16xf32>,
        %get3A_1365 = vector.shape_cast %get3A_1364 : vector<1x16xf32> to vector<16xf32>
        %add3A_1366 = arith.constant 3 : i32
        %add3A_1367 = arith.addi %mul3A_1348, %add3A_1366 : i32
        %get3A_1368 = arith.index_cast %add3A_1367 : i32 to index
        %get3A_1369 = arith.constant 0 : index
        %get3A_1370 = tpu.vector_load %arg8[%get3A_1368, %get3A_1369] {strides = array<i32>} : memref<512x64xf32, #tpu.memory_space<vmem>>, vector<1x16xf32>,
        %get3A_1371 = vector.shape_cast %get3A_1370 : vector<1x16xf32> to vector<16xf32>
        %add3A_1372 = arith.addf %get3A_1365, %get3A_1371 : vector<16xf32>
        %add3A_1373 = arith.addf %add3A_1359, %add3A_1372 : vector<16xf32>
        %swap3A_1374 = arith.index_cast %scan3A_1216 : i32 to index
        %swap3A_1375 = arith.constant 64 : index
        %swap3A_1376 = tpu.vector_load %arg10[%swap3A_1374, %swap3A_1375] {strides = array<i32>} : memref<64x128xf32, #tpu.memory_space<vmem>>, vector<1x16xf32>,
        %swap3A_1377 = vector.shape_cast %swap3A_1376 : vector<1x16xf32> to vector<16xf32>
        %swap3A_1378 = vector.shape_cast %add3A_1373 : vector<16xf32> to vector<1x16xf32>
        tpu.vector_store %arg10[%swap3A_1374, %swap3A_1375], %swap3A_1378 {strides = array<i32>} : memref<64x128xf32, #tpu.memory_space<vmem>>, vector<1x16xf32>,
        %get3A_1379 = arith.index_cast %mul3A_1348 : i32 to index
        %get3A_1380 = arith.constant 16 : index
        %get3A_1381 = tpu.vector_load %arg8[%get3A_1379, %get3A_1380] {strides = array<i32>} : memref<512x64xf32, #tpu.memory_space<vmem>>, vector<1x16xf32>,
        %get3A_1382 = vector.shape_cast %get3A_1381 : vector<1x16xf32> to vector<16xf32>
        %add3A_1383 = arith.constant 1 : i32
        %add3A_1384 = arith.addi %mul3A_1348, %add3A_1383 : i32
        %get3A_1385 = arith.index_cast %add3A_1384 : i32 to index
        %get3A_1386 = arith.constant 16 : index
        %get3A_1387 = tpu.vector_load %arg8[%get3A_1385, %get3A_1386] {strides = array<i32>} : memref<512x64xf32, #tpu.memory_space<vmem>>, vector<1x16xf32>,
        %get3A_1388 = vector.shape_cast %get3A_1387 : vector<1x16xf32> to vector<16xf32>
        %add3A_1389 = arith.addf %get3A_1382, %get3A_1388 : vector<16xf32>
        %add3A_1390 = arith.constant 2 : i32
        %add3A_1391 = arith.addi %mul3A_1348, %add3A_1390 : i32
        %get3A_1392 = arith.index_cast %add3A_1391 : i32 to index
        %get3A_1393 = arith.constant 16 : index
        %get3A_1394 = tpu.vector_load %arg8[%get3A_1392, %get3A_1393] {strides = array<i32>} : memref<512x64xf32, #tpu.memory_space<vmem>>, vector<1x16xf32>,
        %get3A_1395 = vector.shape_cast %get3A_1394 : vector<1x16xf32> to vector<16xf32>
        %add3A_1396 = arith.constant 3 : i32
        %add3A_1397 = arith.addi %mul3A_1348, %add3A_1396 : i32
        %get3A_1398 = arith.index_cast %add3A_1397 : i32 to index
        %get3A_1399 = arith.constant 16 : index
        %get3A_1400 = tpu.vector_load %arg8[%get3A_1398, %get3A_1399] {strides = array<i32>} : memref<512x64xf32, #tpu.memory_space<vmem>>, vector<1x16xf32>,
        %get3A_1401 = vector.shape_cast %get3A_1400 : vector<1x16xf32> to vector<16xf32>
        %add3A_1402 = arith.addf %get3A_1395, %get3A_1401 : vector<16xf32>
        %add3A_1403 = arith.addf %add3A_1389, %add3A_1402 : vector<16xf32>
        %swap3A_1404 = arith.index_cast %scan3A_1216 : i32 to index
        %swap3A_1405 = arith.constant 80 : index
        %swap3A_1406 = tpu.vector_load %arg10[%swap3A_1404, %swap3A_1405] {strides = array<i32>} : memref<64x128xf32, #tpu.memory_space<vmem>>, vector<1x16xf32>,
        %swap3A_1407 = vector.shape_cast %swap3A_1406 : vector<1x16xf32> to vector<16xf32>
        %swap3A_1408 = vector.shape_cast %add3A_1403 : vector<16xf32> to vector<1x16xf32>
        tpu.vector_store %arg10[%swap3A_1404, %swap3A_1405], %swap3A_1408 {strides = array<i32>} : memref<64x128xf32, #tpu.memory_space<vmem>>, vector<1x16xf32>,
        %get3A_1409 = arith.index_cast %mul3A_1348 : i32 to index
        %get3A_1410 = arith.constant 32 : index
        %get3A_1411 = tpu.vector_load %arg8[%get3A_1409, %get3A_1410] {strides = array<i32>} : memref<512x64xf32, #tpu.memory_space<vmem>>, vector<1x16xf32>,
        %get3A_1412 = vector.shape_cast %get3A_1411 : vector<1x16xf32> to vector<16xf32>
        %add3A_1413 = arith.constant 1 : i32
        %add3A_1414 = arith.addi %mul3A_1348, %add3A_1413 : i32
        %get3A_1415 = arith.index_cast %add3A_1414 : i32 to index
        %get3A_1416 = arith.constant 32 : index
        %get3A_1417 = tpu.vector_load %arg8[%get3A_1415, %get3A_1416] {strides = array<i32>} : memref<512x64xf32, #tpu.memory_space<vmem>>, vector<1x16xf32>,
        %get3A_1418 = vector.shape_cast %get3A_1417 : vector<1x16xf32> to vector<16xf32>
        %add3A_1419 = arith.addf %get3A_1412, %get3A_1418 : vector<16xf32>
        %add3A_1420 = arith.constant 2 : i32
        %add3A_1421 = arith.addi %mul3A_1348, %add3A_1420 : i32
        %get3A_1422 = arith.index_cast %add3A_1421 : i32 to index
        %get3A_1423 = arith.constant 32 : index
        %get3A_1424 = tpu.vector_load %arg8[%get3A_1422, %get3A_1423] {strides = array<i32>} : memref<512x64xf32, #tpu.memory_space<vmem>>, vector<1x16xf32>,
        %get3A_1425 = vector.shape_cast %get3A_1424 : vector<1x16xf32> to vector<16xf32>
        %add3A_1426 = arith.constant 3 : i32
        %add3A_1427 = arith.addi %mul3A_1348, %add3A_1426 : i32
        %get3A_1428 = arith.index_cast %add3A_1427 : i32 to index
        %get3A_1429 = arith.constant 32 : index
        %get3A_1430 = tpu.vector_load %arg8[%get3A_1428, %get3A_1429] {strides = array<i32>} : memref<512x64xf32, #tpu.memory_space<vmem>>, vector<1x16xf32>,
        %get3A_1431 = vector.shape_cast %get3A_1430 : vector<1x16xf32> to vector<16xf32>
        %add3A_1432 = arith.addf %get3A_1425, %get3A_1431 : vector<16xf32>
        %add3A_1433 = arith.addf %add3A_1419, %add3A_1432 : vector<16xf32>
        %swap3A_1434 = arith.index_cast %scan3A_1216 : i32 to index
        %swap3A_1435 = arith.constant 96 : index
        %swap3A_1436 = tpu.vector_load %arg10[%swap3A_1434, %swap3A_1435] {strides = array<i32>} : memref<64x128xf32, #tpu.memory_space<vmem>>, vector<1x16xf32>,
        %swap3A_1437 = vector.shape_cast %swap3A_1436 : vector<1x16xf32> to vector<16xf32>
        %swap3A_1438 = vector.shape_cast %add3A_1433 : vector<16xf32> to vector<1x16xf32>
        tpu.vector_store %arg10[%swap3A_1434, %swap3A_1435], %swap3A_1438 {strides = array<i32>} : memref<64x128xf32, #tpu.memory_space<vmem>>, vector<1x16xf32>,
        %get3A_1439 = arith.index_cast %mul3A_1348 : i32 to index
        %get3A_1440 = arith.constant 48 : index
        %get3A_1441 = tpu.vector_load %arg8[%get3A_1439, %get3A_1440] {strides = array<i32>} : memref<512x64xf32, #tpu.memory_space<vmem>>, vector<1x16xf32>,
        %get3A_1442 = vector.shape_cast %get3A_1441 : vector<1x16xf32> to vector<16xf32>
        %add3A_1443 = arith.constant 1 : i32
        %add3A_1444 = arith.addi %mul3A_1348, %add3A_1443 : i32
        %get3A_1445 = arith.index_cast %add3A_1444 : i32 to index
        %get3A_1446 = arith.constant 48 : index
        %get3A_1447 = tpu.vector_load %arg8[%get3A_1445, %get3A_1446] {strides = array<i32>} : memref<512x64xf32, #tpu.memory_space<vmem>>, vector<1x16xf32>,
        %get3A_1448 = vector.shape_cast %get3A_1447 : vector<1x16xf32> to vector<16xf32>
        %add3A_1449 = arith.addf %get3A_1442, %get3A_1448 : vector<16xf32>
        %add3A_1450 = arith.constant 2 : i32
        %add3A_1451 = arith.addi %mul3A_1348, %add3A_1450 : i32
        %get3A_1452 = arith.index_cast %add3A_1451 : i32 to index
        %get3A_1453 = arith.constant 48 : index
        %get3A_1454 = tpu.vector_load %arg8[%get3A_1452, %get3A_1453] {strides = array<i32>} : memref<512x64xf32, #tpu.memory_space<vmem>>, vector<1x16xf32>,
        %get3A_1455 = vector.shape_cast %get3A_1454 : vector<1x16xf32> to vector<16xf32>
        %add3A_1456 = arith.constant 3 : i32
        %add3A_1457 = arith.addi %mul3A_1348, %add3A_1456 : i32
        %get3A_1458 = arith.index_cast %add3A_1457 : i32 to index
        %get3A_1459 = arith.constant 48 : index
        %get3A_1460 = tpu.vector_load %arg8[%get3A_1458, %get3A_1459] {strides = array<i32>} : memref<512x64xf32, #tpu.memory_space<vmem>>, vector<1x16xf32>,
        %get3A_1461 = vector.shape_cast %get3A_1460 : vector<1x16xf32> to vector<16xf32>
        %add3A_1462 = arith.addf %get3A_1455, %get3A_1461 : vector<16xf32>
        %add3A_1463 = arith.addf %add3A_1449, %add3A_1462 : vector<16xf32>
        %swap3A_1464 = arith.index_cast %scan3A_1216 : i32 to index
        %swap3A_1465 = arith.constant 112 : index
        %swap3A_1466 = tpu.vector_load %arg10[%swap3A_1464, %swap3A_1465] {strides = array<i32>} : memref<64x128xf32, #tpu.memory_space<vmem>>, vector<1x16xf32>,
        %swap3A_1467 = vector.shape_cast %swap3A_1466 : vector<1x16xf32> to vector<16xf32>
        %swap3A_1468 = vector.shape_cast %add3A_1463 : vector<16xf32> to vector<1x16xf32>
        tpu.vector_store %arg10[%swap3A_1464, %swap3A_1465], %swap3A_1468 {strides = array<i32>} : memref<64x128xf32, #tpu.memory_space<vmem>>, vector<1x16xf32>,
      }
      %scan3A_1211 = arith.constant 64 : i32
      %dma_start3A_1212 = arith.constant 0 : i32
      %dma_start3A_1213 = tpu.memref_slice %arg4[%multiple_of3A_1202, %dma_start3A_1212] : memref<409600x128xf32, #tpu.memory_space<hbm>> -> memref<64x128xf32, #tpu.memory_space<hbm>>
      %dma_start3A_1214 = arith.constant 0 : i32
      %dma_start3A_1215 = tpu.memref_slice %arg4[%multiple_of3A_1202, %dma_start3A_1214] : memref<409600x128xf32, #tpu.memory_space<hbm>> -> memref<64x128xf32, #tpu.memory_space<hbm>>
      tpu.enqueue_dma source(%arg10 : memref<64x128xf32, #tpu.memory_space<vmem>>) target(%dma_start3A_1215 : memref<64x128xf32, #tpu.memory_space<hbm>>) target_semaphore(%arg14 : memref<!tpu.dma_semaphore, #tpu.memory_space<semaphore_mem>>)
    }
    %scan3A_522 = arith.constant 100 : i32
    %mul3A_523 = arith.constant 64 : i32
    %mul3A_524 = arith.muli %mul3A_7, %mul3A_523 : i32
    %jit3A_525 = arith.constant 128 : i32
    %div3A_526 = arith.divsi %mul3A_524, %jit3A_525 : i32
    %sign3A_527 = arith.constant 0 : i32
    %sign3A_528 = arith.cmpi sgt, %mul3A_524, %sign3A_527 : i32
    %sign3A_529 = arith.extui %sign3A_528 : i1 to i32
    %sign3A_530 = arith.constant 0 : i32
    %sign3A_531 = arith.cmpi slt, %mul3A_524, %sign3A_530 : i32
    %sign3A_532 = arith.extui %sign3A_531 : i1 to i32
    %sign3A_533 = arith.subi %sign3A_529, %sign3A_532 : i32
    %sign3A_534 = arith.constant 0 : i32
    %sign3A_535 = arith.cmpi sgt, %jit3A_525, %sign3A_534 : i32
    %sign3A_536 = arith.extui %sign3A_535 : i1 to i32
    %sign3A_537 = arith.constant 0 : i32
    %sign3A_538 = arith.cmpi slt, %jit3A_525, %sign3A_537 : i32
    %sign3A_539 = arith.extui %sign3A_538 : i1 to i32
    %sign3A_540 = arith.subi %sign3A_536, %sign3A_539 : i32
    %ne3A_541 = arith.cmpi ne, %sign3A_533, %sign3A_540 : i32
    %rem3A_542 = arith.remsi %mul3A_524, %jit3A_525 : i32
    %ne3A_543 = arith.constant 0 : i32
    %ne3A_544 = arith.cmpi ne, %rem3A_542, %ne3A_543 : i32
    %and3A_545 = arith.andi %ne3A_541, %ne3A_544 : i1
    %sub3A_546 = arith.constant 1 : i32
    %sub3A_547 = arith.subi %div3A_526, %sub3A_546 : i32
    %select_n3A_548 = arith.select %and3A_545, %sub3A_547, %div3A_526 : i32
    %multiple_of3A_549 = tpu.assume_multiple %select_n3A_548, 64 : i32
    %dma_wait3A_550 = arith.constant 0 : i32
    %dma_wait3A_551 = tpu.memref_slice %arg4[%multiple_of3A_549, %dma_wait3A_550] : memref<409600x128xf32, #tpu.memory_space<hbm>> -> memref<64x128xf32, #tpu.memory_space<hbm>>
    %dma_wait3A_552 = arith.constant 0 : i32
    %dma_wait3A_553 = tpu.memref_slice %arg4[%multiple_of3A_549, %dma_wait3A_552] : memref<409600x128xf32, #tpu.memory_space<hbm>> -> memref<64x128xf32, #tpu.memory_space<hbm>>
    tpu.wait_dma2 semaphore(%arg13 : memref<!tpu.dma_semaphore, #tpu.memory_space<semaphore_mem>>) src(%arg9 : memref<64x128xf32, #tpu.memory_space<vmem>>) dst(%dma_wait3A_553 : memref<64x128xf32, #tpu.memory_space<hbm>>)
    %dma_wait3A_554 = arith.constant 0 : i32
    %dma_wait3A_555 = tpu.memref_slice %arg4[%multiple_of3A_549, %dma_wait3A_554] : memref<409600x128xf32, #tpu.memory_space<hbm>> -> memref<64x128xf32, #tpu.memory_space<hbm>>
    %dma_wait3A_556 = arith.constant 0 : i32
    %dma_wait3A_557 = tpu.memref_slice %arg4[%multiple_of3A_549, %dma_wait3A_556] : memref<409600x128xf32, #tpu.memory_space<hbm>> -> memref<64x128xf32, #tpu.memory_space<hbm>>
    tpu.wait_dma2 semaphore(%arg14 : memref<!tpu.dma_semaphore, #tpu.memory_space<semaphore_mem>>) src(%arg10 : memref<64x128xf32, #tpu.memory_space<vmem>>) dst(%dma_wait3A_557 : memref<64x128xf32, #tpu.memory_space<hbm>>)
    return
  }
}

</mosaic_0001>

<sc_bundles>
// kernel: kernel.3.cloned.1.call-start
scs
__scs_entry_jumppad:
0x0: {  	(pc) =	sbr.rel $0x88, $3  }
0x1: {  	(tag) =	ssettag $0x0;
	lr =	simm.s32 $0x1  }
0x2: {  	[smem:$0x3F9F] =	sst lr;
	_ =	strace $0xD0000000  }
0x3: {  	_ = 	snop  }
0x4: {  	_ = 	snop  }
0x5: {  	_ = 	snop  }
0x6: {  	_ = 	snop  }
0x7: {  	_ = 	snop  }
__scs_overlays_trampoline_lowered:
0x8: {  	[smem:$0x3FAE] =	sst s0  }
0x9: {  	[smem:$0x3FAF] =	sst s1  }
0xa: {  	[smem:$0x3FB0] =	sst s2  }
0xb: {  	[smem:$0x3FB1] =	sst s3  }
0xc: {  	[smem:$0x3FB2] =	sst s4  }
0xd: {  	[smem:$0x3FB3] =	sst s5  }
0xe: {  	[smem:$0x3FB4] =	sst s6  }
0xf: {  	[smem:$0x3FB5] =	sst s7  }
0x10: {  	[smem:$0x3FB6] =	sst s8  }
0x11: {  	[smem:$0x3FB7] =	sst s9;
	s0 =	simm.s32 @!p0 $0x0  }
0x12: {  	s1 =	sld [smem:$0x3F9D];
	s0 =	simm.s32 @p0 $0x1  }
0x13: {  	[smem:$0x3FB8] =	sst s0;
	s0 =	simm.s32 @!p1 $0x0  }
0x14: {  	s2 =	sld [smem:$0x3F9C];
	s0 =	simm.s32 @p1 $0x1  }
0x15: {  	[smem:$0x3FB9] =	sst s0;
	s0 =	simm.s32 @!p2 $0x0  }
0x16: {  	s3 =	sld [smem:$0x3FDB];
	s0 =	simm.s32 @p2 $0x1  }
0x17: {  	s4 =	simm.s32 $0x1BF5;
	[smem:$0x3FBB] =	sst s0  }
0x18: {  	s0 =	sld [smem:$0x3F9E];
	_ =	swait.ge [sflag:s4], $0x0  }
0x19: {  	s7 =	sld [smem:$0x3F9F]  }
0x1a: {  	s8 =	sadd.s32 $0xFFFFE003, lr  }
0x1b: {  	s9 =	sadd.s32 $0xFFFFFEF7, lr;
	s5 =	simm.s32 $0xFFFFFFFF;
	p2 =	slt.u32 s8, $0xFFFFF086  }
0x1c: {  	p1 =	slt.u32 s9, $0xF7A;
	s5 =	simm.s32 @!p2 $0x0  }
0x1d: {  	s5 =	simm.s32 @p1 $0x1;
	p0 =	seq.s32 s7, s2  }
0x1e: {  	s7 =	smul.u32 @!p0 $0xF7A, s2;
	p2 =	seq.s32 @!p0 s5, $0x0  }
0x1f: {  	s9 =	smul.u32 $0xF7A, s1;
	s8 =	simm.s32 @!p0 $0x1BF5;
	p2 =	por !p2, p0  }
0x20: {  	[sflag:s8] =	ssyncset.s32 @!p0 $0xFFFFF086;
	s6 =	sadd.s32 @!p0 s3, s7;
	s7 =	simm.s32 @!p0 $0x108  }
0x21: {  	s3 =	sadd.s32 s3, s9;
	s6 =	sadd.s32 @!p0 $0x88, s6;
	s7 =	simm.s32 @p2 $0x1082  }
0x22: {  	[simem:s7], [sflag:s8] =	dma.local @!p0 [hbm:s6], $0xF7A  }
0x23: {  	s9 =	sor.u32 $0xD0000000, s2;
	s6 =	simm.s32 $0x108;
	_ =	swait.ge @!p0 [sflag:s8], $0x0  }
0x24: {  	s3 =	sadd.s32 $0x88, s3;
	s6 =	simm.s32 @!p1 $0x1082;
	[sflag:s4] =	ssyncset.s32 $0xFFFFF086  }
0x25: {  	[simem:s6], [sflag:s4] =	dma.local [hbm:s3], $0xF7A  }
0x26: {  	[smem:$0x3F9F] =	sst s1;
	(tag) =	ssettag s2;
	_ =	strace s9  }
0x27: {  	s1 =	sld [smem:$0x3FAF]  }
0x28: {  	s2 =	sld [smem:$0x3FB0]  }
0x29: {  	s4 =	sld [smem:$0x3FB2]  }
0x2a: {  	p0 =	seq.s32 s5, $0x0;
	s5 =	sld [smem:$0x3FB3]  }
0x2b: {  	s6 =	sld [smem:$0x3FB4]  }
0x2c: {  	s7 =	sld [smem:$0x3FB5]  }
0x2d: {  	s3 =	simm.s32 $0x108;
	s8 =	sld [smem:$0x3FB6]  }
0x2e: {  	s3 =	simm.s32 @!p0 $0x1082;
	s9 =	sld [smem:$0x3FB7]  }
0x2f: {  	lr =	sadd.s32 s0, s3;
	s0 =	sld [smem:$0x3FAE]  }
0x30: {  	s3 =	sld [smem:$0x3FB1]  }
0x31: {  	[smem:$0x3FBA] =	sst s10  }
0x32: {  	s10 =	sld [smem:$0x3FB8];
	_ =	sdelay $0x3  }
0x33: {  	p0 =	seq.s32 s10, $0x1;
	s10 =	sld [smem:$0x3FBA];
	_ =	sdelay $0x3  }
0x34: {  	[smem:$0x3FBA] =	sst s10  }
0x35: {  	s10 =	sld [smem:$0x3FB9];
	_ =	sdelay $0x3  }
0x36: {  	p1 =	seq.s32 s10, $0x1;
	s10 =	sld [smem:$0x3FBA];
	_ =	sdelay $0x3  }
0x37: {  	[smem:$0x3FBA] =	sst s10  }
0x38: {  	s10 =	sld [smem:$0x3FBB]  }
0x39: {  	_ = 	snop;
	(pc) =	sbr.ind lr, $3  }
0x3a: {  	_ = 	snop  }
0x3b: {  	_ = 	snop  }
0x3c: {  	p2 =	seq.s32 s10, $0x1;
	s10 =	sld [smem:$0x3FBA]  }
0x3d: {  	_ =	shalt  }
0x3e: {  	_ =	shalt  }
0x3f: {  	_ =	shalt  }
0x40: {  	_ =	shalt  }
0x41: {  	_ =	shalt  }
0x42: {  	_ =	shalt  }
0x43: {  	_ =	shalt  }
0x44: {  	_ =	shalt  }
0x45: {  	_ =	shalt  }
0x46: {  	_ =	shalt  }
0x47: {  	_ =	shalt  }
0x48: {  	_ =	shalt  }
0x49: {  	_ =	shalt  }
0x4a: {  	_ =	shalt  }
0x4b: {  	_ =	shalt  }
0x4c: {  	_ =	shalt  }
0x4d: {  	_ =	shalt  }
0x4e: {  	_ =	shalt  }
0x4f: {  	_ =	shalt  }
0x50: {  	_ =	shalt  }
0x51: {  	_ =	shalt  }
0x52: {  	_ =	shalt  }
0x53: {  	_ =	shalt  }
0x54: {  	_ =	shalt  }
0x55: {  	_ =	shalt  }
0x56: {  	_ =	shalt  }
0x57: {  	_ =	shalt  }
0x58: {  	_ =	shalt  }
0x59: {  	_ =	shalt  }
0x5a: {  	_ =	shalt  }
0x5b: {  	_ =	shalt  }
0x5c: {  	_ =	shalt  }
0x5d: {  	_ =	shalt  }
0x5e: {  	_ =	shalt  }
0x5f: {  	_ =	shalt  }
0x60: {  	_ =	shalt  }
0x61: {  	_ =	shalt  }
0x62: {  	_ =	shalt  }
0x63: {  	_ =	shalt  }
0x64: {  	_ =	shalt  }
0x65: {  	_ =	shalt  }
0x66: {  	_ =	shalt  }
0x67: {  	_ =	shalt  }
0x68: {  	_ =	shalt  }
0x69: {  	_ =	shalt  }
0x6a: {  	_ =	shalt  }
0x6b: {  	_ =	shalt  }
0x6c: {  	_ =	shalt  }
0x6d: {  	_ =	shalt  }
0x6e: {  	_ =	shalt  }
0x6f: {  	_ =	shalt  }
0x70: {  	_ =	shalt  }
0x71: {  	_ =	shalt  }
0x72: {  	_ =	shalt  }
0x73: {  	_ =	shalt  }
0x74: {  	_ =	shalt  }
0x75: {  	_ =	shalt  }
0x76: {  	_ =	shalt  }
0x77: {  	_ =	shalt  }
0x78: {  	_ =	shalt  }
0x79: {  	_ =	shalt  }
0x7a: {  	_ =	shalt  }
0x7b: {  	_ =	shalt  }
0x7c: {  	_ =	shalt  }
0x7d: {  	_ =	shalt  }
0x7e: {  	_ =	shalt  }
0x7f: {  	_ =	shalt  }
0x80: {  	_ =	shalt  }
0x81: {  	_ =	shalt  }
0x82: {  	_ =	shalt  }
0x83: {  	_ =	shalt  }
0x84: {  	_ =	shalt  }
0x85: {  	_ =	shalt  }
0x86: {  	_ =	shalt  }
0x87: {  	_ =	shalt  }
.Lfunc_end0:
.L_simem_size_0:
called_computation.1_lowered:
.L_overlay_start_0:
0x88: {  	s2 =	sld [smem:$0x3FD9]  }
0x89: {  	s3 =	sld [smem:$0x3FFE];
	_ =	sdelay $0x1  }
0x8a: {  	s1 =	srdreg.scid  }
0x8b: {  	s0 =	sand.u32 $0x1, s1  }
0x8c: {  	s17 =	sshll.u32 s0, $0xA;
	s2 =	sadd.s32 s3, s2  }
0x8d: {  	s2 =	sadd.s32 s2, s17  }
0x8e: {  	[smem:$0x3FC6] =	sst s2  }
0x8f: {  	_ = 	snop  }
0x90: {  	s2 =	sld [smem:$0x3FD0];
	(tm) =	ssettm $0x1  }
0x91: {  	s18 =	sld [smem:$0x3FFB];
	_ =	sdelay $0x3  }
0x92: {  	_ =	strace s18  }
0x93: {  	s3 =	sld [smem:$0x3FFC];
	_ =	sdelay $0x3  }
0x94: {  	_ =	strace s3  }
0x95: {  	s3 =	sld [smem:$0x3FFD];
	_ =	sdelay $0x3  }
0x96: {  	_ =	strace s3  }
0x97: {  	_ =	strace $0x8FFFFFFF  }
0x98: {  	s19 =	sld [smem:$0x3FDB];
	_ =	sdelay $0x1  }
0x99: {  	s4 =	simm.s32 $_scs_section_size  }
0x9a: {  	s5 =	simm.s32 $_size__tile_overlayer_lowered;
	s6 =	simm.s32 $_tile_overlayer_lowered  }
0x9b: {  	s22 =	simm.s32 $0x1BFF;
	s21 =	sshll.u32 s6, $0x1;
	s3 =	sadd.s32 s4, s19  }
0x9c: {  	s7 =	simm.s32 $0x0;
	s20 =	sshll.u32 s5, $0x1;
	s5 =	sadd.s32 s21, s3  }
0x9d: {  	[timem:s7], [sflag:s22] =	dma.local [hbm:s5], s20  }
0x9e: {  	_ =	swait.ge [sflag:s22], s20  }
0x9f: {  	s4 =	ssub.s32 $0x0, s20;
	[sflag:s22] =	ssyncset.done $0x0  }
0xa0: {  	[sflag:s22] =	ssyncadd.s32 s4;
	_ =	sdelay $0x1  }
0xa1: {  	s23 =	simm.s32 $0x1B8B  }
0xa2: {  	_ =	swait.ge [sflag:s23], $0x1  }
0xa3: {  	[sflag:s23] =	ssyncset.done $0x0  }
0xa4: {  	s25 =	simm.s32 $0x1B8E;
	s24 =	sld [smem:$0x3FFE];
	[sflag:s23] =	ssyncadd.s32 $0xFFFFFFFF  }
0xa5: {  	s26 =	simm.s32 $execute0_lowered;
	[smem:$0x3FD2] =	sst s25  }
0xa6: {  	s5 =	sshll.u32 s26, $0x1;
	_ =	strace $0x80000046;
	[dreg:$0x1] =	wrdreg $0xFFFFFFFF  }
0xa7: {  	s28 =	simm.s32 $_size_execute0_lowered;
	s3 =	sadd.s32 s3, s5;
	[dreg:$0x0] =	wrdreg $0x0  }
0xa8: {  	s5 =	sshll.u32 s28, $0x1;
	[dreg:$0x2] =	wrdreg s3  }
0xa9: {  	[dreg:$0x3] =	wrdreg s5  }
0xaa: {  	[dreg:$0x4] =	wrdreg $0xC0  }
0xab: {  	_ =	task [dreg:s7], $0x5FFFF  }
0xac: {  	[dreg:$0x1] =	wrdreg $0xFFFFFFFF  }
0xad: {  	[dreg:$0x0] =	wrdreg $0x60  }
0xae: {  	[dreg:$0x2] =	wrdreg s24  }
0xaf: {  	[dreg:$0x3] =	wrdreg s2  }
0xb0: {  	[dreg:$0x4] =	wrdreg $0x9  }
0xb1: {  	_ =	task.clear_ibuf [dreg:s7], $0x5FFFF;
	_ =	strace $0x90000046  }
0xb2: {  	s29 =	simm.s32 $0x9;
	_ =	strace $0x80000048  }
0xb3: {  	_ =	swait.ge [sflag:s29], $0x1  }
0xb4: {  	[sflag:s29] =	ssyncadd.s32 $0xFFFFFFFF  }
0xb5: {  	_ =	strace $0x90000048  }
0xb6: {  	_ =	sfence  }
0xb7: {  	s30 =	sld [smem:$0x0];
	_ =	sdelay $0x2  }
0xb8: {  	s31 =	sshll.u32 s1, $0xD;
	s1 =	sshrl.u32 s1, $0x2  }
0xb9: {  	s3 =	sand.u32 $0x4000, s31;
	s1 =	sadd.s32 s1, s30  }
0xba: {  	s0 =	sor.u32 s3, s0;
	s1 =	sshll.u32 s1, $0x11  }
0xbb: {  	s0 =	sor.u32 s1, s0  }
0xbc: {  	s0 =	sadd.s32 $0x8F2B, s0  }
0xbd: {  	[sflag:s0] =	ssyncadd.remote.s32 $0x1  }
0xbe: {  	_ =	sfence.sel $0xFFFF  }
0xbf: {  	[dreg:$0x0] =	wrdreg $0xFFFFFFFF;
	(pc) =	sbr.abs _section_cstart, $3  }
0xc0: {  	[dreg:$0x1] =	wrdreg $0xFFFFFFFF  }
0xc1: {  	_ =	task.clear_ibuf [dreg:s7], $0x2FFFF;
	_ =	strace $0x9FFFFFFF  }
0xc2: {  	(tm) =	ssettm $0x7FFFFFFF  }
0xc3: {  	_ =	shalt  }
tec
execute0_lowered:
.L_overlay_start_1:
0x0: {  	(tag) =	ssettag $0x1  }
0x1: {  	s0 =	rddreg [dreg:$0x0]  }
0x2: {  	s2 =	rddreg [dreg:$0x1];
	s1 =	srdreg.scid  }
0x3: {  	s4 =	stileid.u32;
	s3 =	simm.s32 $0x0;
	s11 =	simm.s32 $0x5  }
0x4: {  	s12 =	simm.s32 $0x80;
	s18 =	simm.s32 $0x6400;
	s19 =	simm.s32 $0x200  }
0x5: {  	s20 =	simm.s32 $0x6;
	s21 =	simm.s32 $0x8400;
	s22 =	simm.s32 $0x280  }
0x6: {  	s23 =	simm.s32 $0xA400;
	s24 =	simm.s32 $0x300;
	s28 =	simm.s32 $0xE400  }
0x7: {  	s29 =	simm.s32 $0x1;
	s30 =	simm.s32 $0x10400;
	s31 =	simm.s32 $0x2  }
0x8: {  	s10 =	simm.s32 $0x0;
	s1 =	sand.u32 $0x1, s1;
	s4 =	sshll.u32 s4, $0x1  }
0x9: {  	[smem:$0x7FF] =	sst s3;
	s5 =	sadd.s32 $0x1800, s0;
	s6 =	sor.u32 s1, s4  }
0xa: {  	s9 =	sadd.s32 $0x400, s2;
	s1 =	ssub.s32 $0x2, s1;
	s7 =	smul.u32 $0x3200, s6  }
0xb: {  	_ =	strace $0x80000047;
	s4 =	sadd.s32 $0xF8EC00, s0;
	s25 =	sshrl.u32 s1, $0x1  }
0xc: {  	s6 =	smul.u32 $0x6400, s6;
	s0 =	ssub.s32 s1, s25;
	s26 =	sadd.s32 s4, s7  }
0xd: {  	v0 =	vlaneseq.u32;
	s25 =	simm.s32 $0xC400;
	s0 =	smax.u32 s0, $0x1;
	[dreg:$0x3] =	wrdreg s26  }
0xe: {  	v0 =	vand.u32 $0x3, v0;
	s1 =	sadd.s32 $0x40, s26;
	[dreg:$0x5] =	wrdreg s0;
	s26 =	simm.s32 $0x380  }
0xf: {  	v0 =	vmul.u32 $0x186A0, v0;
	s0 =	simm.s32 $0x12400;
	[dreg:$0x4] =	wrdreg s1;
	s1 =	simm.s32 $0x3  }
.LBB2_1:
0x10: {  	[dreg:$0x6] =	wrdreg s10  }
0x11: {  	s7 =	rddreg [dreg:$0x3]  }
0x12: {  	[tilespmem:s3], [sflag:$0x5] =	stream.linear.gather [hbm4b:s7+s3], $0x200, $0x38;
	[tilespmem:$0x14400] =	vst v63  }
0x13: {  	_ =	swait.ge [sflag:s11], $0x200  }
0x14: {  	[sflag:s11] =	ssyncset.done $0x0  }
0x15: {  	[sflag:s11] =	ssyncadd.s32 $0xFFFFFE00  }
0x16: {  	v1 =	vld [tilespmem:$0x0]  }
0x17: {  	v2 =	vld [tilespmem:$0x10]  }
0x18: {  	v3 =	vld [tilespmem:$0x20]  }
0x19: {  	v4 =	vld [tilespmem:$0x30]  }
0x1a: {  	v5 =	vld [tilespmem:$0x40]  }
0x1b: {  	v6 =	vld [tilespmem:$0x50];
	v1 =	vadd.s32 v0, v1  }
0x1c: {  	[tilespmem:$0x0] =	vst v1;
	v1 =	vadd.s32 v0, v2;
	v2 =	vld [tilespmem:$0x60]  }
0x1d: {  	[tilespmem:$0x10] =	vst v1;
	v1 =	vadd.s32 v0, v3;
	v3 =	vld [tilespmem:$0x70]  }
0x1e: {  	v49 =	vld [tilespmem:$0x80];
	[tilespmem:$0x20] =	vst v1;
	v1 =	vadd.s32 v0, v4  }
0x1f: {  	v50 =	vld [tilespmem:$0x90];
	[tilespmem:$0x30] =	vst v1;
	v1 =	vadd.s32 v0, v5  }
0x20: {  	v51 =	vld [tilespmem:$0xA0];
	[tilespmem:$0x40] =	vst v1;
	v1 =	vadd.s32 v0, v6  }
0x21: {  	[tilespmem:$0x50] =	vst v1;
	v1 =	vadd.s32 v0, v2;
	v2 =	vld [tilespmem:$0xB0]  }
0x22: {  	[tilespmem:$0x60] =	vst v1;
	v1 =	vadd.s32 v0, v3;
	v3 =	vld [tilespmem:$0xC0]  }
0x23: {  	v52 =	vld [tilespmem:$0xD0];
	[tilespmem:$0x70] =	vst v1;
	v1 =	vadd.s32 v0, v49  }
0x24: {  	v53 =	vld [tilespmem:$0xE0];
	[tilespmem:$0x80] =	vst v1;
	v1 =	vadd.s32 v0, v50  }
0x25: {  	v54 =	vld [tilespmem:$0xF0];
	[tilespmem:$0x90] =	vst v1;
	v1 =	vadd.s32 v0, v51  }
0x26: {  	[tilespmem:$0xA0] =	vst v1;
	v1 =	vadd.s32 v0, v2;
	v2 =	vld [tilespmem:$0x100]  }
0x27: {  	[tilespmem:$0xB0] =	vst v1;
	v1 =	vadd.s32 v0, v3;
	v3 =	vld [tilespmem:$0x110]  }
0x28: {  	v55 =	vld [tilespmem:$0x120];
	[tilespmem:$0xC0] =	vst v1;
	v1 =	vadd.s32 v0, v52  }
0x29: {  	v56 =	vld [tilespmem:$0x130];
	[tilespmem:$0xD0] =	vst v1;
	v1 =	vadd.s32 v0, v53  }
0x2a: {  	v57 =	vld [tilespmem:$0x140];
	[tilespmem:$0xE0] =	vst v1;
	v1 =	vadd.s32 v0, v54  }
0x2b: {  	[tilespmem:$0xF0] =	vst v1;
	v1 =	vadd.s32 v0, v2;
	v2 =	vld [tilespmem:$0x150]  }
0x2c: {  	[tilespmem:$0x100] =	vst v1;
	v1 =	vadd.s32 v0, v3;
	v3 =	vld [tilespmem:$0x160]  }
0x2d: {  	v58 =	vld [tilespmem:$0x170];
	[tilespmem:$0x110] =	vst v1;
	v1 =	vadd.s32 v0, v55  }
0x2e: {  	v59 =	vld [tilespmem:$0x180];
	[tilespmem:$0x120] =	vst v1;
	v1 =	vadd.s32 v0, v56  }
0x2f: {  	v60 =	vld [tilespmem:$0x190];
	[tilespmem:$0x130] =	vst v1;
	v1 =	vadd.s32 v0, v57  }
0x30: {  	[tilespmem:$0x140] =	vst v1;
	v1 =	vadd.s32 v0, v2;
	v2 =	vld [tilespmem:$0x1A0]  }
0x31: {  	[tilespmem:$0x150] =	vst v1;
	v1 =	vadd.s32 v0, v3;
	v3 =	vld [tilespmem:$0x1B0]  }
0x32: {  	v61 =	vld [tilespmem:$0x1C0];
	[tilespmem:$0x160] =	vst v1;
	v1 =	vadd.s32 v0, v58  }
0x33: {  	v62 =	vld [tilespmem:$0x1D0];
	[tilespmem:$0x170] =	vst v1;
	v1 =	vadd.s32 v0, v59  }
0x34: {  	v63 =	vld [tilespmem:$0x1E0];
	[tilespmem:$0x180] =	vst v1;
	v1 =	vadd.s32 v0, v60  }
0x35: {  	[tilespmem:$0x190] =	vst v1;
	v1 =	vadd.s32 v0, v2;
	v2 =	vld [tilespmem:$0x1F0]  }
0x36: {  	[tilespmem:$0x1A0] =	vst v1;
	v1 =	vadd.s32 v0, v3  }
0x37: {  	[tilespmem:$0x1B0] =	vst v1;
	v1 =	vadd.s32 v0, v61  }
0x38: {  	[tilespmem:$0x1C0] =	vst v1;
	v1 =	vadd.s32 v0, v62  }
0x39: {  	[tilespmem:$0x1D0] =	vst v1;
	v1 =	vadd.s32 v0, v63  }
0x3a: {  	[tilespmem:$0x1E0] =	vst v1;
	v1 =	vadd.s32 v0, v2  }
0x3b: {  	s13 =	simm.s32 $0x400;
	[tilespmem:$0x1F0] =	vst v1  }
0x3c: {  	[tilespmem:s13], [sflag:$0x1] =	stream.indirect.gather [hbm4b:s5+s12], $0x40, s3, s12, $0xb8;
	[tilespmem:$0x14400] =	vst v63  }
0x3d: {  	s14 =	simm.s32 $0x2400  }
0x3e: {  	[tilespmem:s14], [sflag:$0x1] =	stream.indirect.gather [hbm4b:s5+s12], $0x40, s12, s12, $0xb8;
	[tilespmem:$0x14400] =	vst v63  }
0x3f: {  	s15 =	simm.s32 $0x100;
	s8 =	simm.s32 $0x4400  }
0x40: {  	[tilespmem:s8], [sflag:$0x1] =	stream.indirect.gather [hbm4b:s5+s12], $0x40, s15, s12, $0xb8;
	[tilespmem:$0x14400] =	vst v63  }
0x41: {  	s16 =	simm.s32 $0x180  }
0x42: {  	[tilespmem:s18], [sflag:$0x1] =	stream.indirect.gather [hbm4b:s5+s12], $0x40, s16, s12, $0xb8;
	[tilespmem:$0x14400] =	vst v63  }
0x43: {  	s7 =	simm.s32 $0x0;
	s17 =	rddreg [dreg:$0x4]  }
0x44: {  	[tilespmem:s19], [sflag:$0x6] =	stream.linear.gather [hbm4b:s17+s3], $0x200, $0x38;
	[tilespmem:$0x14400] =	vst v63  }
.LBB2_2:
0x45: {  	_ =	swait.ge [sflag:s20], $0x200  }
0x46: {  	[sflag:s20] =	ssyncset.done $0x0  }
0x47: {  	[sflag:s20] =	ssyncadd.s32 $0xFFFFFE00  }
0x48: {  	v1 =	vld [tilespmem:$0x200]  }
0x49: {  	v2 =	vld [tilespmem:$0x210]  }
0x4a: {  	v3 =	vld [tilespmem:$0x220]  }
0x4b: {  	v4 =	vld [tilespmem:$0x230]  }
0x4c: {  	v5 =	vld [tilespmem:$0x240]  }
0x4d: {  	v6 =	vld [tilespmem:$0x250];
	v1 =	vadd.s32 v0, v1  }
0x4e: {  	[tilespmem:$0x200] =	vst v1;
	v1 =	vadd.s32 v0, v2;
	v2 =	vld [tilespmem:$0x260]  }
0x4f: {  	[tilespmem:$0x210] =	vst v1;
	v1 =	vadd.s32 v0, v3;
	v3 =	vld [tilespmem:$0x270]  }
0x50: {  	v49 =	vld [tilespmem:$0x280];
	[tilespmem:$0x220] =	vst v1;
	v1 =	vadd.s32 v0, v4  }
0x51: {  	v50 =	vld [tilespmem:$0x290];
	[tilespmem:$0x230] =	vst v1;
	v1 =	vadd.s32 v0, v5  }
0x52: {  	v51 =	vld [tilespmem:$0x2A0];
	[tilespmem:$0x240] =	vst v1;
	v1 =	vadd.s32 v0, v6  }
0x53: {  	[tilespmem:$0x250] =	vst v1;
	v1 =	vadd.s32 v0, v2;
	v2 =	vld [tilespmem:$0x2B0]  }
0x54: {  	[tilespmem:$0x260] =	vst v1;
	v1 =	vadd.s32 v0, v3;
	v3 =	vld [tilespmem:$0x2C0]  }
0x55: {  	v52 =	vld [tilespmem:$0x2D0];
	[tilespmem:$0x270] =	vst v1;
	v1 =	vadd.s32 v0, v49  }
0x56: {  	v53 =	vld [tilespmem:$0x2E0];
	[tilespmem:$0x280] =	vst v1;
	v1 =	vadd.s32 v0, v50  }
0x57: {  	v54 =	vld [tilespmem:$0x2F0];
	[tilespmem:$0x290] =	vst v1;
	v1 =	vadd.s32 v0, v51  }
0x58: {  	[tilespmem:$0x2A0] =	vst v1;
	v1 =	vadd.s32 v0, v2;
	v2 =	vld [tilespmem:$0x300]  }
0x59: {  	[tilespmem:$0x2B0] =	vst v1;
	v1 =	vadd.s32 v0, v3;
	v3 =	vld [tilespmem:$0x310]  }
0x5a: {  	v55 =	vld [tilespmem:$0x320];
	[tilespmem:$0x2C0] =	vst v1;
	v1 =	vadd.s32 v0, v52  }
0x5b: {  	v56 =	vld [tilespmem:$0x330];
	[tilespmem:$0x2D0] =	vst v1;
	v1 =	vadd.s32 v0, v53  }
0x5c: {  	v57 =	vld [tilespmem:$0x340];
	[tilespmem:$0x2E0] =	vst v1;
	v1 =	vadd.s32 v0, v54  }
0x5d: {  	[tilespmem:$0x2F0] =	vst v1;
	v1 =	vadd.s32 v0, v2;
	v2 =	vld [tilespmem:$0x350]  }
0x5e: {  	[tilespmem:$0x300] =	vst v1;
	v1 =	vadd.s32 v0, v3;
	v3 =	vld [tilespmem:$0x360]  }
0x5f: {  	v58 =	vld [tilespmem:$0x370];
	[tilespmem:$0x310] =	vst v1;
	v1 =	vadd.s32 v0, v55  }
0x60: {  	v59 =	vld [tilespmem:$0x380];
	[tilespmem:$0x320] =	vst v1;
	v1 =	vadd.s32 v0, v56  }
0x61: {  	v60 =	vld [tilespmem:$0x390];
	[tilespmem:$0x330] =	vst v1;
	v1 =	vadd.s32 v0, v57  }
0x62: {  	[tilespmem:$0x340] =	vst v1;
	v1 =	vadd.s32 v0, v2;
	v2 =	vld [tilespmem:$0x3A0]  }
0x63: {  	[tilespmem:$0x350] =	vst v1;
	v1 =	vadd.s32 v0, v3;
	v3 =	vld [tilespmem:$0x3B0]  }
0x64: {  	v61 =	vld [tilespmem:$0x3C0];
	[tilespmem:$0x360] =	vst v1;
	v1 =	vadd.s32 v0, v58  }
0x65: {  	v62 =	vld [tilespmem:$0x3D0];
	[tilespmem:$0x370] =	vst v1;
	v1 =	vadd.s32 v0, v59  }
0x66: {  	v63 =	vld [tilespmem:$0x3E0];
	[tilespmem:$0x380] =	vst v1;
	v1 =	vadd.s32 v0, v60  }
0x67: {  	[tilespmem:$0x390] =	vst v1;
	v1 =	vadd.s32 v0, v2;
	v2 =	vld [tilespmem:$0x3F0]  }
0x68: {  	[tilespmem:$0x3A0] =	vst v1;
	v1 =	vadd.s32 v0, v3  }
0x69: {  	[tilespmem:$0x3B0] =	vst v1;
	v1 =	vadd.s32 v0, v61  }
0x6a: {  	[tilespmem:$0x3C0] =	vst v1;
	v1 =	vadd.s32 v0, v62  }
0x6b: {  	[tilespmem:$0x3D0] =	vst v1;
	v1 =	vadd.s32 v0, v63  }
0x6c: {  	[tilespmem:$0x3E0] =	vst v1;
	v1 =	vadd.s32 v0, v2  }
0x6d: {  	[tilespmem:$0x3F0] =	vst v1  }
0x6e: {  	[tilespmem:s21], [sflag:$0x2] =	stream.indirect.gather [hbm4b:s5+s12], $0x40, s19, s12, $0xb8;
	[tilespmem:$0x14400] =	vst v63  }
0x6f: {  	_ = 	snop  }
0x70: {  	[tilespmem:s23], [sflag:$0x2] =	stream.indirect.gather [hbm4b:s5+s12], $0x40, s22, s12, $0xb8;
	[tilespmem:$0x14400] =	vst v63  }
0x71: {  	_ = 	snop  }
0x72: {  	[tilespmem:s25], [sflag:$0x2] =	stream.indirect.gather [hbm4b:s5+s12], $0x40, s24, s12, $0xb8;
	[tilespmem:$0x14400] =	vst v63  }
0x73: {  	_ = 	snop  }
0x74: {  	[tilespmem:s28], [sflag:$0x2] =	stream.indirect.gather [hbm4b:s5+s12], $0x40, s26, s12, $0xb8;
	[tilespmem:$0x14400] =	vst v63  }
0x75: {  	_ =	swait.ge [sflag:s29], $0x2000  }
0x76: {  	[sflag:s29] =	ssyncset.done $0x0  }
0x77: {  	[sflag:s29] =	ssyncadd.s32 $0xFFFFE000  }
0x78: {  	_ =	swait.ge [sflag:s29], $0x2000  }
0x79: {  	[sflag:s29] =	ssyncset.done $0x0  }
0x7a: {  	p0 =	seq.s32 s7, $0x63;
	[sflag:s29] =	ssyncadd.s32 $0xFFFFE000  }
0x7b: {  	s8 =	sshll.u32 s7, $0x8;
	p1 =	seq.s32 @!p0 s7, $0x0;
	_ =	swait.ge [sflag:s29], $0x2000  }
0x7c: {  	s10 =	sadd.s32 s6, s8;
	p1 =	por p0, !p1;
	[sflag:s29] =	ssyncset.done $0x0  }
.Ltmp0:
0x7d: {  	s8 =	sshrl.u32 @!p0 s10, $0x1;
	[sflag:s29] =	ssyncadd.s32 $0xFFFFE000;
	(pc) =	sbr.rel @!p1 .LBB2_3-.Ltmp0, $4  }
0x7e: {  	s8 =	sand.u32 @!p0 $0x1FFFFFFF, s8;
	_ =	swait.ge [sflag:s29], $0x2000  }
0x7f: {  	s8 =	sadd.s32 @!p0 s4, s8;
	[sflag:s29] =	ssyncset.done $0x0  }
0x80: {  	s14 =	simm.s32 @!p0 $0x0;
	s13 =	sadd.s32 @!p0 $0x80, s8;
	[sflag:s29] =	ssyncadd.s32 $0xFFFFE000  }
0x81: {  	[tilespmem:s14], [sflag:$0x5] =	stream.linear.gather @!p0 [hbm4b:s13+s14], $0x200, $0x38;
	[tilespmem:$0x14400] =	vst v63  }
.Ltmp1:
0x82: {  	(pc) =	sbr.rel .LBB2_5-.Ltmp1, $4  }
0x83: {  	_ = 	snop  }
0x84: {  	_ =	swait.ge [sflag:s1], $0x2000  }
0x85: {  	[sflag:s1] =	ssyncset.done $0x0  }
0x86: {  	p1 =	por $0x0, $0x0;
	[sflag:s1] =	ssyncadd.s32 $0xFFFFE000  }
.LBB2_3:
0x87: {  	p1 =	por @!p0 $0x1, $0x1  }
.LBB2_5:
0x88: {  	s13 =	simm.s32 $0x500  }
0x89: {  	v1 =	vld [tilespmem:s13+$0xFFFFFF00]  }
0x8a: {  	v2 =	vld [tilespmem:s13+$0xFFFFFFC0]  }
0x8b: {  	v3 =	vld [tilespmem:s13+$0xFFFFFF80]  }
0x8c: {  	v4 =	vld [tilespmem:s13+$0xFFFFFF40];
	_ =	sdelay $0x4  }
0x8d: {  	v2 =	vadd.f32 v2, v3;
	v1 =	vadd.f32 v4, v1;
	_ =	sdelay $0x1  }
0x8e: {  	v1 =	vadd.f32 v2, v1  }
0x8f: {  	s14 =	simm.s32 $0x0  }
0x90: {  	[tilespmem:s14+$0x10400] =	vst v1  }
0x91: {  	v1 =	vld [tilespmem:s13+$0xFFFFFFD0]  }
0x92: {  	v2 =	vld [tilespmem:s13+$0xFFFFFF50]  }
0x93: {  	v3 =	vld [tilespmem:s13+$0xFFFFFF90]  }
0x94: {  	v4 =	vld [tilespmem:s13+$0xFFFFFF10];
	_ =	sdelay $0x4  }
0x95: {  	v1 =	vadd.f32 v1, v3;
	v2 =	vadd.f32 v2, v4;
	_ =	sdelay $0x1  }
0x96: {  	v1 =	vadd.f32 v1, v2;
	_ =	sdelay $0x1  }
0x97: {  	[tilespmem:s14+$0x10410] =	vst v1  }
0x98: {  	v1 =	vld [tilespmem:s13+$0xFFFFFF20]  }
0x99: {  	v2 =	vld [tilespmem:s13+$0xFFFFFF60]  }
0x9a: {  	v3 =	vld [tilespmem:s13+$0xFFFFFFE0]  }
0x9b: {  	v4 =	vld [tilespmem:s13+$0xFFFFFFA0];
	_ =	sdelay $0x4  }
0x9c: {  	v1 =	vadd.f32 v2, v1;
	v2 =	vadd.f32 v3, v4;
	_ =	sdelay $0x1  }
0x9d: {  	v1 =	vadd.f32 v2, v1;
	_ =	sdelay $0x1  }
0x9e: {  	[tilespmem:s14+$0x10420] =	vst v1  }
0x9f: {  	v1 =	vld [tilespmem:s13+$0xFFFFFFF0]  }
0xa0: {  	v2 =	vld [tilespmem:s13+$0xFFFFFF70]  }
0xa1: {  	v3 =	vld [tilespmem:s13+$0xFFFFFF30]  }
0xa2: {  	v4 =	vld [tilespmem:s13+$0xFFFFFFB0];
	_ =	sdelay $0x4  }
0xa3: {  	v2 =	vadd.f32 v2, v3;
	v1 =	vadd.f32 v1, v4;
	_ =	sdelay $0x1  }
0xa4: {  	v1 =	vadd.f32 v1, v2;
	_ =	sdelay $0x1  }
0xa5: {  	[tilespmem:s14+$0x10430] =	vst v1  }
0xa6: {  	v1 =	vld [tilespmem:s13+$0xC0]  }
0xa7: {  	v2 =	vld [tilespmem:s13+$0x40]  }
0xa8: {  	v3 =	vld [tilespmem:s13+$0x80]  }
0xa9: {  	v4 =	vld [tilespmem:s13+$0x0];
	_ =	sdelay $0x4  }
0xaa: {  	v1 =	vadd.f32 v1, v3;
	v2 =	vadd.f32 v2, v4;
	_ =	sdelay $0x1  }
0xab: {  	v1 =	vadd.f32 v1, v2;
	_ =	sdelay $0x1  }
0xac: {  	[tilespmem:s14+$0x10440] =	vst v1  }
0xad: {  	v1 =	vld [tilespmem:s13+$0x50]  }
0xae: {  	v2 =	vld [tilespmem:s13+$0x10]  }
0xaf: {  	v3 =	vld [tilespmem:s13+$0xD0]  }
0xb0: {  	v4 =	vld [tilespmem:s13+$0x90];
	_ =	sdelay $0x4  }
0xb1: {  	v1 =	vadd.f32 v1, v2;
	v2 =	vadd.f32 v3, v4;
	_ =	sdelay $0x1  }
0xb2: {  	v1 =	vadd.f32 v2, v1;
	_ =	sdelay $0x1  }
0xb3: {  	[tilespmem:s14+$0x10450] =	vst v1  }
0xb4: {  	v1 =	vld [tilespmem:s13+$0xE0]  }
0xb5: {  	v2 =	vld [tilespmem:s13+$0x60]  }
0xb6: {  	v3 =	vld [tilespmem:s13+$0x20]  }
0xb7: {  	s16 =	simm.s32 $0x200;
	s15 =	simm.s32 $0x500;
	v4 =	vld [tilespmem:s13+$0xA0]  }
.LBB2_6:
0xb8: {  	p2 =	sne.s32 s16, $0x7E00  }
0xb9: {  	s13 =	sadd.s32 $0x200, s13;
	s17 =	smov.u32 s16;
	s16 =	sadd.s32 $0x200, s16  }
0xba: {  	_ =	sdelay $0x1  }
0xbb: {  	v2 =	vadd.f32 v2, v3  }
0xbc: {  	v1 =	vadd.f32 v1, v4;
	_ =	sdelay $0x1  }
0xbd: {  	v1 =	vadd.f32 v1, v2;
	_ =	sdelay $0x1  }
0xbe: {  	[tilespmem:s14+$0x10460] =	vst v1  }
0xbf: {  	v1 =	vld [tilespmem:s15+$0x30]  }
0xc0: {  	v2 =	vld [tilespmem:s15+$0xF0]  }
0xc1: {  	v3 =	vld [tilespmem:s15+$0xB0]  }
0xc2: {  	v4 =	vld [tilespmem:s15+$0x70];
	s15 =	smov.u32 s13;
	_ =	sdelay $0x3  }
0xc3: {  	v2 =	vadd.f32 v2, v3  }
0xc4: {  	v1 =	vadd.f32 v4, v1;
	_ =	sdelay $0x1  }
0xc5: {  	v1 =	vadd.f32 v2, v1;
	_ =	sdelay $0x1  }
0xc6: {  	[tilespmem:s14+$0x10470] =	vst v1  }
0xc7: {  	v1 =	vld [tilespmem:s13+$0xFFFFFF00]  }
0xc8: {  	v2 =	vld [tilespmem:s13+$0xFFFFFFC0]  }
0xc9: {  	v3 =	vld [tilespmem:s13+$0xFFFFFF80]  }
0xca: {  	v4 =	vld [tilespmem:s13+$0xFFFFFF40];
	_ =	sdelay $0x3  }
0xcb: {  	v2 =	vadd.f32 v2, v3  }
0xcc: {  	v1 =	vadd.f32 v4, v1;
	_ =	sdelay $0x1  }
0xcd: {  	v1 =	vadd.f32 v2, v1  }
0xce: {  	s14 =	sshra.s32 s17, $0x2  }
0xcf: {  	[tilespmem:s14+$0x10400] =	vst v1  }
0xd0: {  	v1 =	vld [tilespmem:s13+$0xFFFFFFD0]  }
0xd1: {  	v2 =	vld [tilespmem:s13+$0xFFFFFF50]  }
0xd2: {  	v3 =	vld [tilespmem:s13+$0xFFFFFF90]  }
0xd3: {  	v4 =	vld [tilespmem:s13+$0xFFFFFF10];
	_ =	sdelay $0x3  }
0xd4: {  	v1 =	vadd.f32 v1, v3  }
0xd5: {  	v2 =	vadd.f32 v2, v4;
	_ =	sdelay $0x1  }
0xd6: {  	v1 =	vadd.f32 v1, v2;
	_ =	sdelay $0x1  }
0xd7: {  	[tilespmem:s14+$0x10410] =	vst v1  }
0xd8: {  	v1 =	vld [tilespmem:s13+$0xFFFFFF20]  }
0xd9: {  	v2 =	vld [tilespmem:s13+$0xFFFFFF60]  }
0xda: {  	v3 =	vld [tilespmem:s13+$0xFFFFFFE0]  }
0xdb: {  	v4 =	vld [tilespmem:s13+$0xFFFFFFA0];
	_ =	sdelay $0x2  }
0xdc: {  	v1 =	vadd.f32 v2, v1;
	_ =	sdelay $0x1  }
0xdd: {  	v2 =	vadd.f32 v3, v4;
	_ =	sdelay $0x1  }
0xde: {  	v1 =	vadd.f32 v2, v1;
	_ =	sdelay $0x1  }
0xdf: {  	[tilespmem:s14+$0x10420] =	vst v1  }
0xe0: {  	v1 =	vld [tilespmem:s13+$0xFFFFFFF0]  }
0xe1: {  	v2 =	vld [tilespmem:s13+$0xFFFFFF70]  }
0xe2: {  	v3 =	vld [tilespmem:s13+$0xFFFFFF30]  }
0xe3: {  	v4 =	vld [tilespmem:s13+$0xFFFFFFB0];
	_ =	sdelay $0x3  }
0xe4: {  	v2 =	vadd.f32 v2, v3  }
0xe5: {  	v1 =	vadd.f32 v1, v4;
	_ =	sdelay $0x1  }
0xe6: {  	v1 =	vadd.f32 v1, v2;
	_ =	sdelay $0x1  }
0xe7: {  	[tilespmem:s14+$0x10430] =	vst v1  }
0xe8: {  	v1 =	vld [tilespmem:s13+$0xC0]  }
0xe9: {  	v2 =	vld [tilespmem:s13+$0x40]  }
0xea: {  	v3 =	vld [tilespmem:s13+$0x80]  }
0xeb: {  	v4 =	vld [tilespmem:s13+$0x0];
	_ =	sdelay $0x3  }
0xec: {  	v1 =	vadd.f32 v1, v3  }
0xed: {  	v2 =	vadd.f32 v2, v4;
	_ =	sdelay $0x1  }
0xee: {  	v1 =	vadd.f32 v1, v2;
	_ =	sdelay $0x1  }
0xef: {  	[tilespmem:s14+$0x10440] =	vst v1  }
0xf0: {  	v1 =	vld [tilespmem:s13+$0x50]  }
0xf1: {  	v2 =	vld [tilespmem:s13+$0x10]  }
0xf2: {  	v3 =	vld [tilespmem:s13+$0xD0]  }
0xf3: {  	v4 =	vld [tilespmem:s13+$0x90];
	_ =	sdelay $0x2  }
0xf4: {  	v1 =	vadd.f32 v1, v2;
	_ =	sdelay $0x1  }
0xf5: {  	v2 =	vadd.f32 v3, v4;
	_ =	sdelay $0x1  }
0xf6: {  	v1 =	vadd.f32 v2, v1;
	_ =	sdelay $0x1  }
.Ltmp2:
0xf7: {  	[tilespmem:s14+$0x10450] =	vst v1;
	(pc) =	sbr.rel @p2 .LBB2_6-.Ltmp2, $4  }
0xf8: {  	v1 =	vld [tilespmem:s13+$0xE0]  }
0xf9: {  	v2 =	vld [tilespmem:s13+$0x60]  }
0xfa: {  	v3 =	vld [tilespmem:s13+$0x20]  }
0xfb: {  	v4 =	vld [tilespmem:s13+$0xA0]  }
0xfc: {  	_ =	sdelay $0x3  }
0xfd: {  	v2 =	vadd.f32 v2, v3;
	v1 =	vadd.f32 v1, v4;
	_ =	sdelay $0x1  }
0xfe: {  	v1 =	vadd.f32 v1, v2;
	_ =	sdelay $0x1  }
0xff: {  	[tilespmem:s14+$0x10460] =	vst v1  }
0x100: {  	v1 =	vld [tilespmem:s15+$0x30]  }
0x101: {  	v2 =	vld [tilespmem:s15+$0xF0]  }
0x102: {  	v3 =	vld [tilespmem:s15+$0xB0]  }
0x103: {  	v63 =	vld [tilespmem:s15+$0x70];
	_ =	sdelay $0x4  }
0x104: {  	v2 =	vadd.f32 v2, v3;
	v1 =	vadd.f32 v63, v1  }
.Ltmp3:
0x105: {  	_ = 	snop;
	(pc) =	sbr.rel @p0 .LBB2_9-.Ltmp3, $4  }
0x106: {  	v1 =	vadd.f32 v2, v1  }
0x107: {  	s10 =	sshll.u32 s10, $0x3  }
0x108: {  	s13 =	sadd.s32 s2, s10;
	[tilespmem:s14+$0x10470] =	vst v1  }
0x109: {  	[hbm4b:s13+s3] =	stream.linear.scatter [tilespmem:s30], [sflag:$0x3], $0x2000, $0x38;
	[tilespmem:$0x14400] =	vst v63  }
0x10a: {  	_ =	swait.ge [sflag:s11], $0x200  }
0x10b: {  	[sflag:s11] =	ssyncset.done $0x0  }
0x10c: {  	[sflag:s11] =	ssyncadd.s32 $0xFFFFFE00  }
0x10d: {  	v1 =	vld [tilespmem:$0x0]  }
0x10e: {  	v2 =	vld [tilespmem:$0x10]  }
0x10f: {  	v3 =	vld [tilespmem:$0x20]  }
0x110: {  	v4 =	vld [tilespmem:$0x30]  }
0x111: {  	v5 =	vld [tilespmem:$0x40]  }
0x112: {  	v6 =	vld [tilespmem:$0x50];
	v1 =	vadd.s32 v0, v1  }
0x113: {  	[tilespmem:$0x0] =	vst v1;
	v1 =	vadd.s32 v0, v2;
	v2 =	vld [tilespmem:$0x60]  }
0x114: {  	[tilespmem:$0x10] =	vst v1;
	v1 =	vadd.s32 v0, v3;
	v3 =	vld [tilespmem:$0x70]  }
0x115: {  	v49 =	vld [tilespmem:$0x80];
	[tilespmem:$0x20] =	vst v1;
	v1 =	vadd.s32 v0, v4  }
0x116: {  	v50 =	vld [tilespmem:$0x90];
	[tilespmem:$0x30] =	vst v1;
	v1 =	vadd.s32 v0, v5  }
0x117: {  	v51 =	vld [tilespmem:$0xA0];
	[tilespmem:$0x40] =	vst v1;
	v1 =	vadd.s32 v0, v6  }
0x118: {  	[tilespmem:$0x50] =	vst v1;
	v1 =	vadd.s32 v0, v2;
	v2 =	vld [tilespmem:$0xB0]  }
0x119: {  	[tilespmem:$0x60] =	vst v1;
	v1 =	vadd.s32 v0, v3;
	v3 =	vld [tilespmem:$0xC0]  }
0x11a: {  	v52 =	vld [tilespmem:$0xD0];
	[tilespmem:$0x70] =	vst v1;
	v1 =	vadd.s32 v0, v49  }
0x11b: {  	v53 =	vld [tilespmem:$0xE0];
	[tilespmem:$0x80] =	vst v1;
	v1 =	vadd.s32 v0, v50  }
0x11c: {  	v54 =	vld [tilespmem:$0xF0];
	[tilespmem:$0x90] =	vst v1;
	v1 =	vadd.s32 v0, v51  }
0x11d: {  	[tilespmem:$0xA0] =	vst v1;
	v1 =	vadd.s32 v0, v2;
	v2 =	vld [tilespmem:$0x100]  }
0x11e: {  	[tilespmem:$0xB0] =	vst v1;
	v1 =	vadd.s32 v0, v3;
	v3 =	vld [tilespmem:$0x110]  }
0x11f: {  	v55 =	vld [tilespmem:$0x120];
	[tilespmem:$0xC0] =	vst v1;
	v1 =	vadd.s32 v0, v52  }
0x120: {  	v56 =	vld [tilespmem:$0x130];
	[tilespmem:$0xD0] =	vst v1;
	v1 =	vadd.s32 v0, v53  }
0x121: {  	v57 =	vld [tilespmem:$0x140];
	[tilespmem:$0xE0] =	vst v1;
	v1 =	vadd.s32 v0, v54  }
0x122: {  	[tilespmem:$0xF0] =	vst v1;
	v1 =	vadd.s32 v0, v2;
	v2 =	vld [tilespmem:$0x150]  }
0x123: {  	[tilespmem:$0x100] =	vst v1;
	v1 =	vadd.s32 v0, v3;
	v3 =	vld [tilespmem:$0x160]  }
0x124: {  	v58 =	vld [tilespmem:$0x170];
	[tilespmem:$0x110] =	vst v1;
	v1 =	vadd.s32 v0, v55  }
0x125: {  	v59 =	vld [tilespmem:$0x180];
	[tilespmem:$0x120] =	vst v1;
	v1 =	vadd.s32 v0, v56  }
0x126: {  	v60 =	vld [tilespmem:$0x190];
	[tilespmem:$0x130] =	vst v1;
	v1 =	vadd.s32 v0, v57  }
0x127: {  	[tilespmem:$0x140] =	vst v1;
	v1 =	vadd.s32 v0, v2;
	v2 =	vld [tilespmem:$0x1A0]  }
0x128: {  	[tilespmem:$0x150] =	vst v1;
	v1 =	vadd.s32 v0, v3;
	v3 =	vld [tilespmem:$0x1B0]  }
0x129: {  	v61 =	vld [tilespmem:$0x1C0];
	[tilespmem:$0x160] =	vst v1;
	v1 =	vadd.s32 v0, v58  }
0x12a: {  	v62 =	vld [tilespmem:$0x1D0];
	[tilespmem:$0x170] =	vst v1;
	v1 =	vadd.s32 v0, v59  }
0x12b: {  	v63 =	vld [tilespmem:$0x1E0];
	[tilespmem:$0x180] =	vst v1;
	v1 =	vadd.s32 v0, v60  }
0x12c: {  	[tilespmem:$0x190] =	vst v1;
	v1 =	vadd.s32 v0, v2;
	v2 =	vld [tilespmem:$0x1F0]  }
0x12d: {  	[tilespmem:$0x1A0] =	vst v1;
	v1 =	vadd.s32 v0, v3  }
0x12e: {  	[tilespmem:$0x1B0] =	vst v1;
	v1 =	vadd.s32 v0, v61  }
0x12f: {  	[tilespmem:$0x1C0] =	vst v1;
	v1 =	vadd.s32 v0, v62  }
0x130: {  	[tilespmem:$0x1D0] =	vst v1;
	v1 =	vadd.s32 v0, v63  }
0x131: {  	[tilespmem:$0x1E0] =	vst v1;
	v1 =	vadd.s32 v0, v2  }
0x132: {  	s13 =	simm.s32 $0x400;
	[tilespmem:$0x1F0] =	vst v1  }
0x133: {  	[tilespmem:s13], [sflag:$0x1] =	stream.indirect.gather [hbm4b:s5+s12], $0x40, s3, s12, $0xb8;
	[tilespmem:$0x14400] =	vst v63  }
0x134: {  	s15 =	simm.s32 $0x2400  }
0x135: {  	[tilespmem:s15], [sflag:$0x1] =	stream.indirect.gather [hbm4b:s5+s12], $0x40, s12, s12, $0xb8;
	[tilespmem:$0x14400] =	vst v63  }
0x136: {  	s16 =	simm.s32 $0x100;
	s14 =	simm.s32 $0x4400  }
0x137: {  	[tilespmem:s14], [sflag:$0x1] =	stream.indirect.gather [hbm4b:s5+s12], $0x40, s16, s12, $0xb8;
	[tilespmem:$0x14400] =	vst v63  }
0x138: {  	s17 =	simm.s32 $0x180  }
0x139: {  	[tilespmem:s18], [sflag:$0x1] =	stream.indirect.gather [hbm4b:s5+s12], $0x40, s17, s12, $0xb8;
	[tilespmem:$0x14400] =	vst v63  }
.LBB2_9:
0x13a: {  	_ =	swait.ge [sflag:s31], $0x2000  }
0x13b: {  	[sflag:s31] =	ssyncset.done $0x0  }
0x13c: {  	[sflag:s31] =	ssyncadd.s32 $0xFFFFE000  }
0x13d: {  	_ =	swait.ge [sflag:s31], $0x2000  }
0x13e: {  	[sflag:s31] =	ssyncset.done $0x0  }
0x13f: {  	[sflag:s31] =	ssyncadd.s32 $0xFFFFE000  }
0x140: {  	_ =	swait.ge [sflag:s31], $0x2000  }
0x141: {  	[sflag:s31] =	ssyncset.done $0x0  }
0x142: {  	[sflag:s31] =	ssyncadd.s32 $0xFFFFE000  }
0x143: {  	_ =	swait.ge [sflag:s31], $0x2000  }
0x144: {  	s8 =	sadd.s32 @!p0 $0xC0, s8;
	[sflag:s31] =	ssyncset.done $0x0  }
0x145: {  	s13 =	simm.s32 @!p0 $0x0;
	s14 =	simm.s32 @!p0 $0x200;
	[sflag:s31] =	ssyncadd.s32 $0xFFFFE000  }
0x146: {  	[tilespmem:s14], [sflag:$0x6] =	stream.linear.gather @!p0 [hbm4b:s8+s13], $0x200, $0x38;
	[tilespmem:$0x14400] =	vst v63  }
0x147: {  	s8 =	simm.s32 @!p1 $0x4  }
0x148: {  	_ =	swait.ge @!p1 [sflag:s8], $0x2000  }
0x149: {  	[sflag:s8] =	ssyncset.done @!p1 $0x0  }
0x14a: {  	[sflag:s8] =	ssyncadd.s32 @!p1 $0xFFFFE000;
	s8 =	simm.s32 $0x8500  }
0x14b: {  	v1 =	vld [tilespmem:s8+$0xFFFFFF00]  }
0x14c: {  	v2 =	vld [tilespmem:s8+$0xFFFFFFC0]  }
0x14d: {  	v3 =	vld [tilespmem:s8+$0xFFFFFF80]  }
0x14e: {  	v4 =	vld [tilespmem:s8+$0xFFFFFF40];
	_ =	sdelay $0x4  }
0x14f: {  	v2 =	vadd.f32 v2, v3;
	v1 =	vadd.f32 v4, v1;
	_ =	sdelay $0x1  }
0x150: {  	v1 =	vadd.f32 v2, v1  }
0x151: {  	s13 =	simm.s32 $0x0  }
0x152: {  	[tilespmem:s13+$0x12400] =	vst v1  }
0x153: {  	v1 =	vld [tilespmem:s8+$0xFFFFFFD0]  }
0x154: {  	v2 =	vld [tilespmem:s8+$0xFFFFFF50]  }
0x155: {  	v3 =	vld [tilespmem:s8+$0xFFFFFF90]  }
0x156: {  	v4 =	vld [tilespmem:s8+$0xFFFFFF10];
	_ =	sdelay $0x4  }
0x157: {  	v1 =	vadd.f32 v1, v3;
	v2 =	vadd.f32 v2, v4;
	_ =	sdelay $0x1  }
0x158: {  	v1 =	vadd.f32 v1, v2;
	_ =	sdelay $0x1  }
0x159: {  	[tilespmem:s13+$0x12410] =	vst v1  }
0x15a: {  	v1 =	vld [tilespmem:s8+$0xFFFFFF20]  }
0x15b: {  	v2 =	vld [tilespmem:s8+$0xFFFFFF60]  }
0x15c: {  	v3 =	vld [tilespmem:s8+$0xFFFFFFE0]  }
0x15d: {  	v4 =	vld [tilespmem:s8+$0xFFFFFFA0];
	_ =	sdelay $0x4  }
0x15e: {  	v1 =	vadd.f32 v2, v1;
	v2 =	vadd.f32 v3, v4;
	_ =	sdelay $0x1  }
0x15f: {  	v1 =	vadd.f32 v2, v1;
	_ =	sdelay $0x1  }
0x160: {  	[tilespmem:s13+$0x12420] =	vst v1  }
0x161: {  	v1 =	vld [tilespmem:s8+$0xFFFFFFF0]  }
0x162: {  	v2 =	vld [tilespmem:s8+$0xFFFFFF70]  }
0x163: {  	v3 =	vld [tilespmem:s8+$0xFFFFFF30]  }
0x164: {  	v4 =	vld [tilespmem:s8+$0xFFFFFFB0];
	_ =	sdelay $0x4  }
0x165: {  	v2 =	vadd.f32 v2, v3;
	v1 =	vadd.f32 v1, v4;
	_ =	sdelay $0x1  }
0x166: {  	v1 =	vadd.f32 v1, v2;
	_ =	sdelay $0x1  }
0x167: {  	[tilespmem:s13+$0x12430] =	vst v1  }
0x168: {  	v1 =	vld [tilespmem:s8+$0xC0]  }
0x169: {  	v2 =	vld [tilespmem:s8+$0x40]  }
0x16a: {  	v3 =	vld [tilespmem:s8+$0x80]  }
0x16b: {  	v4 =	vld [tilespmem:s8+$0x0];
	_ =	sdelay $0x4  }
0x16c: {  	v1 =	vadd.f32 v1, v3;
	v2 =	vadd.f32 v2, v4;
	_ =	sdelay $0x1  }
0x16d: {  	v1 =	vadd.f32 v1, v2;
	_ =	sdelay $0x1  }
0x16e: {  	[tilespmem:s13+$0x12440] =	vst v1  }
0x16f: {  	v1 =	vld [tilespmem:s8+$0x50]  }
0x170: {  	v2 =	vld [tilespmem:s8+$0x10]  }
0x171: {  	v3 =	vld [tilespmem:s8+$0xD0]  }
0x172: {  	v4 =	vld [tilespmem:s8+$0x90];
	_ =	sdelay $0x4  }
0x173: {  	v1 =	vadd.f32 v1, v2;
	v2 =	vadd.f32 v3, v4;
	_ =	sdelay $0x1  }
0x174: {  	v1 =	vadd.f32 v2, v1;
	_ =	sdelay $0x1  }
0x175: {  	[tilespmem:s13+$0x12450] =	vst v1  }
0x176: {  	v1 =	vld [tilespmem:s8+$0xE0]  }
0x177: {  	v2 =	vld [tilespmem:s8+$0x60]  }
0x178: {  	v3 =	vld [tilespmem:s8+$0x20]  }
0x179: {  	s15 =	simm.s32 $0x200;
	s14 =	simm.s32 $0x8500;
	v4 =	vld [tilespmem:s8+$0xA0]  }
.LBB2_10:
0x17a: {  	p0 =	sne.s32 s15, $0x7E00  }
0x17b: {  	s8 =	sadd.s32 $0x200, s8;
	s16 =	smov.u32 s15;
	s15 =	sadd.s32 $0x200, s15  }
0x17c: {  	_ =	sdelay $0x1  }
0x17d: {  	v2 =	vadd.f32 v2, v3  }
0x17e: {  	v1 =	vadd.f32 v1, v4;
	_ =	sdelay $0x1  }
0x17f: {  	v1 =	vadd.f32 v1, v2;
	_ =	sdelay $0x1  }
0x180: {  	[tilespmem:s13+$0x12460] =	vst v1  }
0x181: {  	v1 =	vld [tilespmem:s14+$0x30]  }
0x182: {  	v2 =	vld [tilespmem:s14+$0xF0]  }
0x183: {  	v3 =	vld [tilespmem:s14+$0xB0]  }
0x184: {  	v4 =	vld [tilespmem:s14+$0x70];
	s14 =	smov.u32 s8;
	_ =	sdelay $0x3  }
0x185: {  	v2 =	vadd.f32 v2, v3  }
0x186: {  	v1 =	vadd.f32 v4, v1;
	_ =	sdelay $0x1  }
0x187: {  	v1 =	vadd.f32 v2, v1;
	_ =	sdelay $0x1  }
0x188: {  	[tilespmem:s13+$0x12470] =	vst v1  }
0x189: {  	v1 =	vld [tilespmem:s8+$0xFFFFFF00]  }
0x18a: {  	v2 =	vld [tilespmem:s8+$0xFFFFFFC0]  }
0x18b: {  	v3 =	vld [tilespmem:s8+$0xFFFFFF80]  }
0x18c: {  	v4 =	vld [tilespmem:s8+$0xFFFFFF40];
	_ =	sdelay $0x3  }
0x18d: {  	v2 =	vadd.f32 v2, v3  }
0x18e: {  	v1 =	vadd.f32 v4, v1;
	_ =	sdelay $0x1  }
0x18f: {  	v1 =	vadd.f32 v2, v1  }
0x190: {  	s13 =	sshra.s32 s16, $0x2  }
0x191: {  	[tilespmem:s13+$0x12400] =	vst v1  }
0x192: {  	v1 =	vld [tilespmem:s8+$0xFFFFFFD0]  }
0x193: {  	v2 =	vld [tilespmem:s8+$0xFFFFFF50]  }
0x194: {  	v3 =	vld [tilespmem:s8+$0xFFFFFF90]  }
0x195: {  	v4 =	vld [tilespmem:s8+$0xFFFFFF10];
	_ =	sdelay $0x3  }
0x196: {  	v1 =	vadd.f32 v1, v3  }
0x197: {  	v2 =	vadd.f32 v2, v4;
	_ =	sdelay $0x1  }
0x198: {  	v1 =	vadd.f32 v1, v2;
	_ =	sdelay $0x1  }
0x199: {  	[tilespmem:s13+$0x12410] =	vst v1  }
0x19a: {  	v1 =	vld [tilespmem:s8+$0xFFFFFF20]  }
0x19b: {  	v2 =	vld [tilespmem:s8+$0xFFFFFF60]  }
0x19c: {  	v3 =	vld [tilespmem:s8+$0xFFFFFFE0]  }
0x19d: {  	v4 =	vld [tilespmem:s8+$0xFFFFFFA0];
	_ =	sdelay $0x2  }
0x19e: {  	v1 =	vadd.f32 v2, v1;
	_ =	sdelay $0x1  }
0x19f: {  	v2 =	vadd.f32 v3, v4;
	_ =	sdelay $0x1  }
0x1a0: {  	v1 =	vadd.f32 v2, v1;
	_ =	sdelay $0x1  }
0x1a1: {  	[tilespmem:s13+$0x12420] =	vst v1  }
0x1a2: {  	v1 =	vld [tilespmem:s8+$0xFFFFFFF0]  }
0x1a3: {  	v2 =	vld [tilespmem:s8+$0xFFFFFF70]  }
0x1a4: {  	v3 =	vld [tilespmem:s8+$0xFFFFFF30]  }
0x1a5: {  	v4 =	vld [tilespmem:s8+$0xFFFFFFB0];
	_ =	sdelay $0x3  }
0x1a6: {  	v2 =	vadd.f32 v2, v3  }
0x1a7: {  	v1 =	vadd.f32 v1, v4;
	_ =	sdelay $0x1  }
0x1a8: {  	v1 =	vadd.f32 v1, v2;
	_ =	sdelay $0x1  }
0x1a9: {  	[tilespmem:s13+$0x12430] =	vst v1  }
0x1aa: {  	v1 =	vld [tilespmem:s8+$0xC0]  }
0x1ab: {  	v2 =	vld [tilespmem:s8+$0x40]  }
0x1ac: {  	v3 =	vld [tilespmem:s8+$0x80]  }
0x1ad: {  	v4 =	vld [tilespmem:s8+$0x0];
	_ =	sdelay $0x3  }
0x1ae: {  	v1 =	vadd.f32 v1, v3  }
0x1af: {  	v2 =	vadd.f32 v2, v4;
	_ =	sdelay $0x1  }
0x1b0: {  	v1 =	vadd.f32 v1, v2;
	_ =	sdelay $0x1  }
0x1b1: {  	[tilespmem:s13+$0x12440] =	vst v1  }
0x1b2: {  	v1 =	vld [tilespmem:s8+$0x50]  }
0x1b3: {  	v2 =	vld [tilespmem:s8+$0x10]  }
0x1b4: {  	v3 =	vld [tilespmem:s8+$0xD0]  }
0x1b5: {  	v4 =	vld [tilespmem:s8+$0x90];
	_ =	sdelay $0x2  }
0x1b6: {  	v1 =	vadd.f32 v1, v2;
	_ =	sdelay $0x1  }
0x1b7: {  	v2 =	vadd.f32 v3, v4;
	_ =	sdelay $0x1  }
0x1b8: {  	v1 =	vadd.f32 v2, v1;
	_ =	sdelay $0x1  }
.Ltmp4:
0x1b9: {  	[tilespmem:s13+$0x12450] =	vst v1;
	(pc) =	sbr.rel @p0 .LBB2_10-.Ltmp4, $4  }
0x1ba: {  	v1 =	vld [tilespmem:s8+$0xE0]  }
0x1bb: {  	v2 =	vld [tilespmem:s8+$0x60]  }
0x1bc: {  	v3 =	vld [tilespmem:s8+$0x20]  }
0x1bd: {  	v4 =	vld [tilespmem:s8+$0xA0]  }
0x1be: {  	_ =	sdelay $0x3  }
0x1bf: {  	v2 =	vadd.f32 v2, v3;
	v1 =	vadd.f32 v1, v4;
	_ =	sdelay $0x1  }
0x1c0: {  	v1 =	vadd.f32 v1, v2;
	_ =	sdelay $0x1  }
0x1c1: {  	[tilespmem:s13+$0x12460] =	vst v1  }
0x1c2: {  	v1 =	vld [tilespmem:s14+$0x30]  }
0x1c3: {  	v2 =	vld [tilespmem:s14+$0xF0]  }
0x1c4: {  	v3 =	vld [tilespmem:s14+$0xB0]  }
0x1c5: {  	v63 =	vld [tilespmem:s14+$0x70];
	_ =	sdelay $0x3  }
0x1c6: {  	s7 =	sadd.s32 $0x1, s7  }
0x1c7: {  	p0 =	sne.s32 s7, $0x64;
	v2 =	vadd.f32 v2, v3;
	v1 =	vadd.f32 v63, v1  }
.Ltmp5:
0x1c8: {  	_ = 	snop;
	(pc) =	sbr.rel @p0 .LBB2_2-.Ltmp5, $3  }
0x1c9: {  	v1 =	vadd.f32 v2, v1;
	_ =	sdelay $0x1  }
0x1ca: {  	s8 =	sadd.s32 s10, s9;
	[tilespmem:s13+$0x12470] =	vst v1  }
0x1cb: {  	[hbm4b:s8+s3] =	stream.linear.scatter [tilespmem:s0], [sflag:$0x4], $0x2000, $0x38;
	[tilespmem:$0x14400] =	vst v63  }
0x1cc: {  	_ =	swait.ge [sflag:s1], $0x2000  }
0x1cd: {  	[sflag:s1] =	ssyncset.done $0x0  }
0x1ce: {  	s8 =	simm.s32 $0x4;
	[sflag:s1] =	ssyncadd.s32 $0xFFFFE000  }
0x1cf: {  	_ =	swait.ge [sflag:s8], $0x2000  }
0x1d0: {  	s10 =	rddreg [dreg:$0x6]  }
0x1d1: {  	s7 =	rddreg [dreg:$0x5];
	s10 =	sadd.s32 $0x1, s10  }
0x1d2: {  	p0 =	sne.s32 s10, s7  }
.Ltmp6:
0x1d3: {  	_ = 	snop;
	(pc) =	sbr.rel @p0 .LBB2_1-.Ltmp6, $3  }
0x1d4: {  	_ =	sdelay $0x1  }
0x1d5: {  	[sflag:s8] =	ssyncset.done $0x0  }
0x1d6: {  	[sflag:s8] =	ssyncadd.s32 $0xFFFFE000  }
0x1d7: {  	_ =	sfence.sel $0x180000  }
0x1d8: {  	[bflag:$0x0] =	sbarrier.arrive $0xFFFF  }
0x1d9: {  	_ =	strace $0x90000047  }
0x1da: {  	s0 =	stileid.u32;
	[bflag:$0x2] =	sbarrier.arrive $0xFFFF  }
0x1db: {  	p0 =	sne.s32 s0, $0x0;
	s0 =	rddreg [dreg:$0x2]  }
0x1dc: {  	s0 =	sadd.s32 @!p0 $0x100000, s0  }
0x1dd: {  	[sflag:s0] =	ssyncadd.tile.s32 @!p0 $0x1;
	_ =	shalt  }
.Lfunc_end2:
_tile_overlayer_lowered:
.L_overlay_start_2:
0x1de: {  	(tag) =	ssettag $0x2  }
0x1df: {  	s0 =	rddreg [dreg:$0x0];
	s2 =	stileid.u32  }
0x1e0: {  	s1 =	rddreg [dreg:$0x1];
	p0 =	sne.s32 s2, $0x0  }
0x1e1: {  	s3 =	rddreg [dreg:$0x2];
	[bflag:$0x3] =	sbarrier.arrive $0xFFFF;
	s2 =	simm.s32 @!p0 $0x1C07  }
0x1e2: {  	[timem:s3], [sflag:s2] =	dma.local @!p0 [hbm:s0], s1  }
0x1e3: {  	s0 =	simm.s32 @!p0 $0x7  }
0x1e4: {  	_ =	swait.ge @!p0 [sflag:s0], s1  }
0x1e5: {  	s1 =	ssub.s32 @!p0 $0x0, s1;
	[sflag:s0] =	ssyncset.done @!p0 $0x0  }
0x1e6: {  	[sflag:s0] =	ssyncadd.s32 @!p0 s1  }
0x1e7: {  	[bflag:$0x3] =	sbarrier.arrive $0xFFFF  }
0x1e8: {  	_ =	shalt  }

// kernel: sparse-core-data-format-call.cloned.1.call-start
scs
called_computation_lowered:
.L_overlay_start_0:
0x0: {  	s2 =	sld [smem:$0x3FD9]  }
0x1: {  	s3 =	sld [smem:$0x3FFE];
	_ =	sdelay $0x1  }
0x2: {  	s1 =	srdreg.scid  }
0x3: {  	s0 =	sand.u32 $0x1, s1  }
0x4: {  	s18 =	sshll.u32 s0, $0xA;
	s2 =	sadd.s32 s3, s2  }
0x5: {  	s2 =	sadd.s32 s2, s18  }
0x6: {  	[smem:$0x3FC6] =	sst s2  }
0x7: {  	_ = 	snop  }
0x8: {  	s2 =	sld [smem:$0x3FD0];
	(tm) =	ssettm $0x1  }
0x9: {  	s19 =	sld [smem:$0x3FFB];
	_ =	sdelay $0x3  }
0xa: {  	_ =	strace s19  }
0xb: {  	s3 =	sld [smem:$0x3FFC];
	_ =	sdelay $0x3  }
0xc: {  	_ =	strace s3  }
0xd: {  	s3 =	sld [smem:$0x3FFD];
	_ =	sdelay $0x3  }
0xe: {  	_ =	strace s3  }
0xf: {  	_ =	strace $0x8FFFFFFF  }
0x10: {  	s20 =	sld [smem:$0x3FDB];
	_ =	sdelay $0x1  }
0x11: {  	s4 =	simm.s32 $_scs_section_size  }
0x12: {  	s5 =	simm.s32 $_size__tile_overlayer_lowered;
	s6 =	simm.s32 $_tile_overlayer_lowered  }
0x13: {  	s23 =	simm.s32 $0x1BFF;
	s22 =	sshll.u32 s6, $0x1;
	s3 =	sadd.s32 s4, s20  }
0x14: {  	s7 =	simm.s32 $0x0;
	s21 =	sshll.u32 s5, $0x1;
	s5 =	sadd.s32 s22, s3  }
0x15: {  	[timem:s7], [sflag:s23] =	dma.local [hbm:s5], s21  }
0x16: {  	_ =	swait.ge [sflag:s23], s21  }
0x17: {  	s4 =	ssub.s32 $0x0, s21;
	[sflag:s23] =	ssyncset.done $0x0  }
0x18: {  	[sflag:s23] =	ssyncadd.s32 s4;
	_ =	sdelay $0x1  }
0x19: {  	s24 =	simm.s32 $0x1B8B  }
0x1a: {  	_ =	swait.ge [sflag:s24], $0x1  }
0x1b: {  	[sflag:s24] =	ssyncset.done $0x0  }
0x1c: {  	s26 =	simm.s32 $0x1B8E;
	s25 =	sld [smem:$0x3FFE];
	[sflag:s24] =	ssyncadd.s32 $0xFFFFFFFF  }
0x1d: {  	s27 =	simm.s32 $execute0_lowered;
	[smem:$0x3FD2] =	sst s26  }
0x1e: {  	s5 =	sshll.u32 s27, $0x1;
	_ =	strace $0x80000049;
	[dreg:$0x1] =	wrdreg $0xFFFFFFFF  }
0x1f: {  	s28 =	simm.s32 $_size_execute0_lowered;
	s3 =	sadd.s32 s3, s5;
	[dreg:$0x0] =	wrdreg $0x0  }
0x20: {  	s5 =	sshll.u32 s28, $0x1;
	[dreg:$0x2] =	wrdreg s3  }
0x21: {  	[dreg:$0x3] =	wrdreg s5  }
0x22: {  	[dreg:$0x4] =	wrdreg $0xC0  }
0x23: {  	_ =	task [dreg:s7], $0x5FFFF  }
0x24: {  	[dreg:$0x1] =	wrdreg $0xFFFFFFFF  }
0x25: {  	[dreg:$0x0] =	wrdreg $0x60  }
0x26: {  	[dreg:$0x2] =	wrdreg s25  }
0x27: {  	[dreg:$0x3] =	wrdreg s2  }
0x28: {  	[dreg:$0x4] =	wrdreg $0x9  }
0x29: {  	_ =	task.clear_ibuf [dreg:s7], $0x5FFFF;
	_ =	strace $0x90000049  }
0x2a: {  	s29 =	simm.s32 $0x9;
	_ =	strace $0x8000004B  }
0x2b: {  	_ =	swait.ge [sflag:s29], $0x1  }
0x2c: {  	[sflag:s29] =	ssyncadd.s32 $0xFFFFFFFF  }
0x2d: {  	_ =	strace $0x9000004B  }
0x2e: {  	_ =	sfence  }
0x2f: {  	s30 =	sld [smem:$0x0];
	_ =	sdelay $0x2  }
0x30: {  	s31 =	sshll.u32 s1, $0xD;
	s1 =	sshrl.u32 s1, $0x2  }
0x31: {  	s3 =	sand.u32 $0x4000, s31;
	s1 =	sadd.s32 s1, s30  }
0x32: {  	s0 =	sor.u32 s3, s0;
	s1 =	sshll.u32 s1, $0x11  }
0x33: {  	s0 =	sor.u32 s1, s0  }
0x34: {  	s0 =	sadd.s32 $0x8F2B, s0  }
0x35: {  	[sflag:s0] =	ssyncadd.remote.s32 $0x1  }
0x36: {  	_ =	sfence.sel $0xFFFF  }
0x37: {  	[dreg:$0x0] =	wrdreg $0xFFFFFFFF;
	(pc) =	sbr.abs _section_cstart, $3  }
0x38: {  	[dreg:$0x1] =	wrdreg $0xFFFFFFFF  }
0x39: {  	_ =	task.clear_ibuf [dreg:s7], $0x2FFFF;
	_ =	strace $0x9FFFFFFF  }
0x3a: {  	(tm) =	ssettm $0x7FFFFFFF  }
0x3b: {  	_ =	shalt  }
tec
execute0_lowered:
.L_overlay_start_1:
0x0: {  	(tag) =	ssettag $0x1  }
0x1: {  	s0 =	srdreg.scid  }
0x2: {  	s1 =	sshll.u32 s0, $0x4  }
0x3: {  	s0 =	stileid.u32;
	s1 =	sand.u32 $0x10, s1  }
0x4: {  	s1 =	sor.u32 s0, s1  }
0x5: {  	s6 =	rddreg [dreg:$0x0];
	s4 =	simm.s32 $0x1;
	s2 =	sshll.u32 s1, $0x7  }
0x6: {  	s7 =	simm.s32 $0x2;
	s12 =	simm.s32 $0x0;
	s1 =	ssub.s32 $0x1000, s2  }
0x7: {  	s8 =	simm.s32 $0x8000;
	s13 =	simm.s32 $0x0;
	s3 =	sand.u32 $0xF80, s1  }
0x8: {  	s9 =	simm.s32 $0x0;
	s5 =	sshrl.u32 s1, $0xC;
	p0 =	sne.s32 s3, $0x0  }
.Ltmp0:
0x9: {  	s1 =	rddreg [dreg:$0x2];
	s4 =	simm.s32 @!p0 $0x0;
	(pc) =	sbr.rel .LBB1_1-.Ltmp0, $4  }
0xa: {  	s11 =	simm.s32 $0x0;
	s3 =	rddreg [dreg:$0x1];
	s5 =	sadd.s32 s4, s5  }
0xb: {  	_ =	strace $0x8000004A;
	s4 =	simm.s32 $0x1;
	s5 =	smul.u32 $0xC8, s5  }
0xc: {  	s6 =	sadd.s32 $0x1800, s6;
	s10 =	smov.u32 s2;
	[sflag:s4] =	ssyncpa.u1 $0x0  }
0xd: {  	p0 =	por $0x0, $0x0;
	[sflag:s7] =	ssyncpa.u1 $0x0;
	s7 =	sor.u32 $0x1, s5  }
.LBB1_4:
0xe: {  	s16 =	sshll.u32 s13, $0x3;
	s17 =	sand.u32 $0x78, s13  }
0xf: {  	s30 =	sand.u32 $0x7E00, s13;
	s12 =	sshll.u32 s12, $0xF;
	s16 =	sand.u32 $0xC00, s16  }
0x10: {  	[tilespmem:s15+$0x810 ss:$0x81] =	vst.msk $0xffff, v2;
	s31 =	sand.u32 $0x7, s13;
	s16 =	sor.u32 s17, s16;
	s17 =	sadd.s32 s3, s30  }
0x11: {  	[tilespmem:s15+$0x1020 ss:$0x81] =	vst.msk $0xffff, v0;
	s13 =	sshll.u32 s31, $0x12;
	s12 =	sadd.s32 s12, s17;
	s16 =	sshrl.u32 s16, $0x3  }
0x12: {  	[tilespmem:s15+$0x0 ss:$0x81] =	vst.msk $0xffff, v1;
	s13 =	sor.u32 $0x400, s13;
	s12 =	sadd.s32 s16, s12  }
0x13: {  	[hbm4b:s12+s13] =	stream.strided.scatter [tilespmem:s14], [sflag:$0x2], $0x2000, s8, s13, $0x20;
	[tilespmem:$0x8080] =	vst v63  }
.LBB1_5:
0x14: {  	s14 =	sadd.s32 $0x1, s9  }
0x15: {  	s12 =	sadd.s32 $0x1000, s10;
	s16 =	smov.u32 s10;
	p2 =	sgt.s32 s14, $0xC7  }
0x16: {  	s16 =	smov.u32 @p2 s12  }
0x17: {  	s14 =	simm.s32 @p2 $0x0;
	p2 =	sgt.s32 s16, $0xFFF  }
0x18: {  	s16 =	smov.u32 @p2 s2;
	p2 =	sne.s32 s11, s7  }
.Ltmp1:
0x19: {  	p1 =	slt.u32 s11, $0x2;
	(pc) =	sbr.rel @!p2 .LBB1_6-.Ltmp1, $4  }
0x1a: {  	s15 =	simm.s32 @!p1 $0x2  }
0x1b: {  	s13 =	smov.u32 s10;
	p0 =	por !p0, !p0;
	_ =	swait.ge @!p1 [sflag:s15], $0x2000  }
0x1c: {  	s12 =	smov.u32 s9;
	[sflag:s15] =	ssyncset.done @!p1 $0x0;
	s9 =	smov.u32 s14  }
0x1d: {  	s11 =	sadd.s32 $0x1, s11;
	[sflag:s15] =	ssyncadd.s32 @!p1 $0xFFFFE000;
	s10 =	smov.u32 s16  }
.LBB1_1:
0x1e: {  	p1 =	sge.u32 s11, s5  }
0x1f: {  	s14 =	sand.u32 @!p1 $0x1FFFFFF, s9  }
0x20: {  	s15 =	smulhi.u32 @!p1 $0x147AE15, s14;
	_ =	sdelay $0x1  }
0x21: {  	s15 =	smul.u32 @!p1 $0xC8, s15  }
0x22: {  	s16 =	sxor.u32 @!p1 $0xFFFFFFFF, s11;
	s17 =	smul.u32 @!p1 $0xC80, s10  }
0x23: {  	s31 =	sadd.s32 $0xFFFFFFFF, s11;
	s16 =	sshll.u32 @!p1 s16, $0xD;
	s14 =	ssub.s32 @!p1 s14, s15  }
0x24: {  	s15 =	sand.u32 @!p1 $0x2000, s16;
	s16 =	sadd.s32 @!p1 s6, s17;
	s14 =	sshll.u32 @!p1 s14, $0x4  }
0x25: {  	s17 =	simm.s32 @!p1 $0x6400;
	s14 =	sadd.s32 @!p1 s14, s16;
	s16 =	simm.s32 @!p1 $0x40  }
0x26: {  	[tilespmem:s15], [sflag:$0x1] =	stream.strided.gather @!p1 [hbm4b:s14+s16], $0x2000, s17, s16, $0x38;
	[tilespmem:$0x8080] =	vst v63  }
0x27: {  	p1 =	sge.u32 s31, s5  }
.Ltmp2:
0x28: {  	_ = 	snop;
	(pc) =	sbr.rel @p1 .LBB1_5-.Ltmp2, $1  }
0x29: {  	_ =	sdelay $0x3  }
0x2a: {  	s14 =	simm.s32 $0x1  }
0x2b: {  	_ =	swait.ge [sflag:s4], $0x2000;
	s14 =	simm.s32 @!p0 $0x0  }
0x2c: {  	[sflag:s4] =	ssyncset.done $0x0;
	s15 =	sshll.u32 s14, $0xD  }
0x2d: {  	[sflag:s4] =	ssyncadd.s32 $0xFFFFE000;
	s18 =	sor.u32 $0x20, s15  }
0x2e: {  	s14 =	smul.u32 $0x8100, s14;
	v3 =	vld [tilespmem:s18+$0x10]  }
0x2f: {  	s30 =	sand.u32 $0x1, s11;
	v2 =	vld [tilespmem:s18+$0xFFFFFFF0]  }
0x30: {  	s15 =	smul.u32 $0x8100, s30;
	s14 =	sshrl.u32 s14, $0x2;
	v0 =	vld [tilespmem:s18+$0x0]  }
0x31: {  	v1 =	vld [tilespmem:s18+$0xFFFFFFE0];
	s16 =	sor.u32 $0x4000, s14  }
0x32: {  	s31 =	sshrl.u32 s15, $0x2;
	s15 =	sadd.s32 $0x0, s16  }
0x33: {  	s17 =	simm.s32 $0x4;
	s18 =	sadd.s32 $0x40, s18;
	s14 =	sor.u32 $0x4000, s31;
	[tilespmem:s15+$0x1830 ss:$0x81] =	vst.msk $0xffff, v3  }
.LBB1_3:
0x34: {  	v3 =	vld [tilespmem:s18+$0x10];
	p1 =	sne.s32 s17, $0x1FC;
	[tilespmem:s15+$0x810 ss:$0x81] =	vst.msk $0xffff, v2;
	s19 =	smov.u32 s17;
	s17 =	sadd.s32 $0x4, s17  }
.Ltmp3:
0x35: {  	v2 =	vld [tilespmem:s18+$0xFFFFFFF0];
	[tilespmem:s15+$0x1020 ss:$0x81] =	vst.msk $0xffff, v0;
	(pc) =	sbr.rel @p1 .LBB1_3-.Ltmp3, $4  }
0x36: {  	v0 =	vld [tilespmem:s18+$0x0];
	[tilespmem:s15+$0x0 ss:$0x81] =	vst.msk $0xffff, v1  }
0x37: {  	s15 =	sshra.s32 s19, $0x2;
	v1 =	vld [tilespmem:s18+$0xFFFFFFE0]  }
0x38: {  	s15 =	sadd.s32 s15, s16  }
0x39: {  	s18 =	sadd.s32 $0x40, s18;
	[tilespmem:s15+$0x1830 ss:$0x81] =	vst.msk $0xffff, v3  }
.Ltmp4:
0x3a: {  	_ = 	snop;
	(pc) =	sbr.rel .LBB1_4-.Ltmp4, $1  }
0x3b: {  	_ =	sdelay $0x3  }
.LBB1_6:
0x3c: {  	_ =	sfence.sel $0x180000  }
0x3d: {  	s2 =	simm.s32 $0x1;
	[bflag:$0x0] =	sbarrier.arrive $0xFFFF  }
0x3e: {  	s31 =	simm.s32 $0x2;
	[sflag:s2] =	ssyncpa.u1 $0x1  }
0x3f: {  	[sflag:s31] =	ssyncpa.u1 $0x1  }
0x40: {  	p0 =	sne.s32 s0, $0x0;
	_ =	strace $0x9000004A  }
0x41: {  	s0 =	sadd.s32 @!p0 $0x100000, s1;
	[bflag:$0x2] =	sbarrier.arrive $0xFFFF  }
0x42: {  	[sflag:s0] =	ssyncadd.tile.s32 @!p0 $0x1;
	_ =	shalt  }
.Lfunc_end1:
_tile_overlayer_lowered:
.L_overlay_start_2:
0x43: {  	(tag) =	ssettag $0x2  }
0x44: {  	s0 =	rddreg [dreg:$0x0];
	s2 =	stileid.u32  }
0x45: {  	s1 =	rddreg [dreg:$0x1];
	p0 =	sne.s32 s2, $0x0  }
0x46: {  	s3 =	rddreg [dreg:$0x2];
	[bflag:$0x3] =	sbarrier.arrive $0xFFFF;
	s2 =	simm.s32 @!p0 $0x1C01  }
0x47: {  	[timem:s3], [sflag:s2] =	dma.local @!p0 [hbm:s0], s1  }
0x48: {  	s0 =	simm.s32 @!p0 $0x1  }
0x49: {  	_ =	swait.ge @!p0 [sflag:s0], s1  }
0x4a: {  	s1 =	ssub.s32 @!p0 $0x0, s1;
	[sflag:s0] =	ssyncset.done @!p0 $0x0  }
0x4b: {  	[sflag:s0] =	ssyncadd.s32 @!p0 s1  }
0x4c: {  	[bflag:$0x3] =	sbarrier.arrive $0xFFFF  }
0x4d: {  	_ =	shalt  }

</sc_bundles>
